<compile_context>
chip_gen: v7x
topology: tpu7x:2x2x1
jax: 0.10.2.dev20260603
libtpu: 0.0.44.dev20260713+nightly
codegen_flags: <defaults>
</compile_context>

<pallas_src>
import functools

import jax
import jax.numpy as jnp
from jax import lax
from jax.experimental import pallas as pl
from jax.experimental.pallas import tpu as pltpu
from jax.experimental.pallas import tpu_sc as plsc

B = 4096
L = 200
D = 32
NUM_EMB = 1_000_000
QE = 262144
NQ = 4
RW = 128
CH = 8192
SCH = 2048

_info = plsc.get_sparse_core_info()
NC, NS, NL = _info.num_cores, _info.num_subcores, _info.num_lanes
NW = NC * NS
BPW = B // NW
IPW = BPW * L
NBUF = 8
UNROLL = 8
EPW = QE // (NW // NQ)


def _repack_body(t0, t1, t2, t3, out_ref):
    out_ref[...] = jnp.concatenate(
        [t0[...].T, t1[...].T, t2[...].T, t3[...].T], axis=1
    )


def _make_repack():
    last_block = (NUM_EMB - 1) // CH

    def _in_map(g, r):
        return (0, jnp.minimum(g * (QE // CH) + r, last_block))

    in_specs = [
        pl.BlockSpec((D, CH), functools.partial(_in_map, g))
        for g in range(NQ)
    ]
    return pl.pallas_call(
        _repack_body,
        grid=(QE // CH,),
        in_specs=in_specs,
        out_specs=pl.BlockSpec((CH, RW), lambda r: (r, 0)),
        out_shape=jax.ShapeDtypeStruct((QE, RW), jnp.float32),
        compiler_params=pltpu.CompilerParams(
            fuse_transposed_lhs_in_matmul=True
        ),
    )


_repack = _make_repack()


def _make_shuffle():
    mesh = plsc.VectorSubcoreMesh(core_axis_name="c", subcore_axis_name="s")

    @functools.partial(
        pl.kernel,
        mesh=mesh,
        out_type=jax.ShapeDtypeStruct((NQ * QE, D), jnp.float32),
        compiler_params=pltpu.CompilerParams(use_tc_tiling_on_sc=False),
        scratch_types=[
            [pltpu.VMEM((SCH, D), jnp.float32) for _ in range(2)],
            [pltpu.SemaphoreType.DMA for _ in range(2)],
            [pltpu.SemaphoreType.DMA for _ in range(2)],
        ],
    )
    def shuffle(q_hbm, out_hbm, bufs, sems_in, sems_out):
        wid = lax.axis_index("s") * NC + lax.axis_index("c")
        g = lax.shift_right_logical(wid, 3)
        r0 = (wid & 7) * EPW
        col = g * D

        def desc_in(c, j):
            return pltpu.make_async_copy(
                q_hbm.at[pl.ds(r0 + c * SCH, SCH), pl.ds(col, D)],
                bufs[j], sems_in[j],
            )

        def desc_out(c, j):
            return pltpu.make_async_copy(
                bufs[j], out_hbm.at[pl.ds(g * QE + r0 + c * SCH, SCH)],
                sems_out[j],
            )

        nch = EPW // SCH

        def body(i, carry):
            for j in range(2):
                c = i * 2 + j

                @pl.when(c >= 2)
                def _(c=c, j=j):
                    desc_out(c - 2, j).wait()

                desc_in(c, j).start()
                desc_in(c, j).wait()
                desc_out(c, j).start()
            return carry

        lax.fori_loop(0, nch // 2, body, 0)
        desc_out(nch - 2, 0).wait()
        desc_out(nch - 1, 1).wait()

    return shuffle


_shuffle = _make_shuffle()


def _make_emb_pool():
    mesh = plsc.VectorSubcoreMesh(core_axis_name="c", subcore_axis_name="s")

    @functools.partial(
        pl.kernel,
        mesh=mesh,
        out_type=jax.ShapeDtypeStruct((B, D), jnp.float32),
        compiler_params=pltpu.CompilerParams(use_tc_tiling_on_sc=False),
        scratch_types=[
            pltpu.VMEM((IPW,), jnp.int32),
            [pltpu.VMEM((L, D), jnp.float32) for _ in range(NBUF)],
            pltpu.VMEM((BPW, D), jnp.float32),
            [pltpu.SemaphoreType.DMA for _ in range(NBUF)],
        ],
    )
    def emb_pool(x_hbm, t_hbm, out_hbm, idx_v, bufs, out_v, sems):
        wid = lax.axis_index("s") * NC + lax.axis_index("c")
        pltpu.sync_copy(x_hbm.at[pl.ds(wid * IPW, IPW)], idx_v)

        def gather_desc(b, j):
            off = pl.multiple_of(b * L, 8)
            return pltpu.make_async_copy(
                t_hbm.at[idx_v.at[pl.ds(off, L)]], bufs[j], sems[j]
            )

        def process(b, j):
            gather_desc(b, j).wait()
            buf = bufs[j]

            def acc_body(k, accs):
                a0, a1, c0, c1 = accs
                l0 = k * UNROLL
                for u in range(UNROLL):
                    l = l0 + u
                    r0 = buf[l, pl.ds(0, NL)]
                    r1 = buf[l, pl.ds(NL, NL)]
                    if u % 2 == 0:
                        a0 = a0 + r0
                        a1 = a1 + r1
                    else:
                        c0 = c0 + r0
                        c1 = c1 + r1
                return a0, a1, c0, c1

            z = jnp.zeros((NL,), jnp.float32)
            a0, a1, c0, c1 = lax.fori_loop(0, L // UNROLL, acc_body,
                                           (z, z, z, z))
            scale = jnp.float32(1.0 / L)
            out_v[b, pl.ds(0, NL)] = (a0 + c0) * scale
            out_v[b, pl.ds(NL, NL)] = (a1 + c1) * scale

        for j in range(NBUF):
            gather_desc(j, j).start()

        def main_body(i, carry):
            for j in range(NBUF):
                b = i * NBUF + j
                process(b, j)
                gather_desc(b + NBUF, j).start()
            return carry

        lax.fori_loop(0, BPW // NBUF - 1, main_body, 0)

        for j in range(NBUF):
            process(BPW - NBUF + j, j)

        pltpu.sync_copy(out_v, out_hbm.at[pl.ds(wid * BPW, BPW)])

    return emb_pool


_emb_pool = _make_emb_pool()


@jax.jit
def kernel(x, table):
    t_quart = _repack(table.T, table.T, table.T, table.T)
    t_rm = _shuffle(t_quart)
    return _emb_pool(x.reshape(-1), t_rm)

# --- scband reference (transcript-rebuilt; emitter-appended) ---
"""Pipeline reference for scband-embedding-model-17386027615040 (READ-ONLY COPY).

The authoritative reference and input builder live on the scoring server;
editing this copy changes nothing except your own understanding.
"""

import jax, jax.numpy as jnp
import numpy as np

NUM_EMBEDDINGS = 1000000
EMBEDDING_DIM = 32
BATCH = 4096
HIST_LEN = 200

def setup_inputs(seed: int = 0) -> dict:
    key = jax.random.key(seed)
    k1, k2 = jax.random.split(key)
    x = jax.random.randint(k1, (BATCH, HIST_LEN), 0, NUM_EMBEDDINGS, dtype=jnp.int64 if jax.config.jax_enable_x64 else jnp.int32)
    table = jax.random.normal(k2, (NUM_EMBEDDINGS, EMBEDDING_DIM), dtype=jnp.float32)
    return {"x": x, "table": table}

def reference(x, table):
    # nn.Embedding lookup: [B, L] -> [B, L, D]
    emb = jnp.take(table, x, axis=0)
    # permute(0,2,1) -> [B, D, L]; AdaptiveAvgPool1d(1) -> mean over L -> [B, D, 1]; squeeze -> [B, D]
    out = jnp.mean(emb, axis=1)
    return out

if __name__ == "__main__":
    import jax
    _d = setup_inputs()
    print(jax.jit(kernel)(*tuple(_d.values())))

</pallas_src>

<mosaic_0001>
#map = affine_map<(d0, d1) -> (0)>
#map1 = affine_map<(d0, d1) -> (0, 0)>
module attributes {stable_mosaic.version = 14 : i64} {
  func.func @emb_pool(%arg0: i32, %arg1: i32, %arg2: memref<819200xi32, #tpu.memory_space<hbm>>, %arg3: memref<1048576x32xf32, #tpu.memory_space<hbm>>, %arg4: memref<4096x32xf32, #tpu.memory_space<hbm>>, %arg5: memref<25600xi32, #tpu.memory_space<vmem>>, %arg6: memref<200x32xf32, #tpu.memory_space<vmem>>, %arg7: memref<200x32xf32, #tpu.memory_space<vmem>>, %arg8: memref<200x32xf32, #tpu.memory_space<vmem>>, %arg9: memref<200x32xf32, #tpu.memory_space<vmem>>, %arg10: memref<200x32xf32, #tpu.memory_space<vmem>>, %arg11: memref<200x32xf32, #tpu.memory_space<vmem>>, %arg12: memref<200x32xf32, #tpu.memory_space<vmem>>, %arg13: memref<200x32xf32, #tpu.memory_space<vmem>>, %arg14: memref<128x32xf32, #tpu.memory_space<vmem>>, %arg15: memref<!tpu.dma_semaphore, #tpu.memory_space<semaphore_mem>>, %arg16: memref<!tpu.dma_semaphore, #tpu.memory_space<semaphore_mem>>, %arg17: memref<!tpu.dma_semaphore, #tpu.memory_space<semaphore_mem>>, %arg18: memref<!tpu.dma_semaphore, #tpu.memory_space<semaphore_mem>>, %arg19: memref<!tpu.dma_semaphore, #tpu.memory_space<semaphore_mem>>, %arg20: memref<!tpu.dma_semaphore, #tpu.memory_space<semaphore_mem>>, %arg21: memref<!tpu.dma_semaphore, #tpu.memory_space<semaphore_mem>>, %arg22: memref<!tpu.dma_semaphore, #tpu.memory_space<semaphore_mem>>) attributes {dimension_semantics = [#tpu.dimension_semantics<core_parallel>, #tpu.dimension_semantics<subcore_parallel>], iteration_bounds = array<i64: 2, 16>, scalar_prefetch = 0 : i64, scratch_operands = 18 : i64, tpu.core_type = #tpu.core_type<sc_vector_subcore>, window_params = [{transform_indices = #map}, {transform_indices = #map1}, {transform_indices = #map1}]} {
    %mul3A = arith.constant 2 : i32
    %mul3A_0 = arith.muli %arg1, %mul3A : i32
    %add3A = arith.addi %mul3A_0, %arg0 : i32
    %mul3A_1 = arith.constant 25600 : i32
    %mul3A_2 = arith.muli %add3A, %mul3A_1 : i32
    "tpu.region"() ({
      %run_scoped3A = tpu.sem_alloc : memref<!tpu.dma_semaphore, #tpu.memory_space<semaphore_mem>>
      %dma_start3A_325 = tpu.memref_slice %arg2[%mul3A_2] : memref<819200xi32, #tpu.memory_space<hbm>> -> memref<25600xi32, #tpu.memory_space<hbm>>
      %dma_start3A_326 = tpu.memref_slice %arg2[%mul3A_2] : memref<819200xi32, #tpu.memory_space<hbm>> -> memref<25600xi32, #tpu.memory_space<hbm>>
      tpu.enqueue_dma source(%dma_start3A_326 : memref<25600xi32, #tpu.memory_space<hbm>>) target(%arg5 : memref<25600xi32, #tpu.memory_space<vmem>>) target_semaphore(%run_scoped3A : memref<!tpu.dma_semaphore, #tpu.memory_space<semaphore_mem>>)
      %dma_wait3A_327 = tpu.memref_slice %arg2[%mul3A_2] : memref<819200xi32, #tpu.memory_space<hbm>> -> memref<25600xi32, #tpu.memory_space<hbm>>
      %dma_wait3A_328 = tpu.memref_slice %arg2[%mul3A_2] : memref<819200xi32, #tpu.memory_space<hbm>> -> memref<25600xi32, #tpu.memory_space<hbm>>
      tpu.wait_dma2 semaphore(%run_scoped3A : memref<!tpu.dma_semaphore, #tpu.memory_space<semaphore_mem>>) src(%dma_wait3A_328 : memref<25600xi32, #tpu.memory_space<hbm>>) dst(%arg5 : memref<25600xi32, #tpu.memory_space<vmem>>)
      tpu.yield
    }) : () -> ()
    %multiple_of3A = arith.constant 0 : i32
    %multiple_of3A_3 = tpu.assume_multiple %multiple_of3A, 8 : i32
    %dma_start3A = tpu.memref_slice %arg5[%multiple_of3A_3] : memref<25600xi32, #tpu.memory_space<vmem>> -> memref<200xi32, #tpu.memory_space<vmem>>
    %dma_start3A_4 = arith.constant 0 : i32
    %dma_start3A_5 = arith.constant 0 : i32
    %dma_start3A_6 = tpu.memref_slice %arg3[%dma_start3A_4, %dma_start3A_5] : memref<1048576x32xf32, #tpu.memory_space<hbm>> -> memref<1048576x32xf32, #tpu.memory_space<hbm>>
    tpu.enqueue_indirect_dma source(%dma_start3A_6 : memref<1048576x32xf32, #tpu.memory_space<hbm>>) target(%arg6 : memref<200x32xf32, #tpu.memory_space<vmem>>) offsets(%dma_start3A : memref<200xi32, #tpu.memory_space<vmem>>) semaphore(%arg15 : memref<!tpu.dma_semaphore, #tpu.memory_space<semaphore_mem>>)
    %multiple_of3A_7 = arith.constant 200 : i32
    %multiple_of3A_8 = tpu.assume_multiple %multiple_of3A_7, 8 : i32
    %dma_start3A_9 = tpu.memref_slice %arg5[%multiple_of3A_8] : memref<25600xi32, #tpu.memory_space<vmem>> -> memref<200xi32, #tpu.memory_space<vmem>>
    %dma_start3A_10 = arith.constant 0 : i32
    %dma_start3A_11 = arith.constant 0 : i32
    %dma_start3A_12 = tpu.memref_slice %arg3[%dma_start3A_10, %dma_start3A_11] : memref<1048576x32xf32, #tpu.memory_space<hbm>> -> memref<1048576x32xf32, #tpu.memory_space<hbm>>
    tpu.enqueue_indirect_dma source(%dma_start3A_12 : memref<1048576x32xf32, #tpu.memory_space<hbm>>) target(%arg7 : memref<200x32xf32, #tpu.memory_space<vmem>>) offsets(%dma_start3A_9 : memref<200xi32, #tpu.memory_space<vmem>>) semaphore(%arg16 : memref<!tpu.dma_semaphore, #tpu.memory_space<semaphore_mem>>)
    %multiple_of3A_13 = arith.constant 400 : i32
    %multiple_of3A_14 = tpu.assume_multiple %multiple_of3A_13, 8 : i32
    %dma_start3A_15 = tpu.memref_slice %arg5[%multiple_of3A_14] : memref<25600xi32, #tpu.memory_space<vmem>> -> memref<200xi32, #tpu.memory_space<vmem>>
    %dma_start3A_16 = arith.constant 0 : i32
    %dma_start3A_17 = arith.constant 0 : i32
    %dma_start3A_18 = tpu.memref_slice %arg3[%dma_start3A_16, %dma_start3A_17] : memref<1048576x32xf32, #tpu.memory_space<hbm>> -> memref<1048576x32xf32, #tpu.memory_space<hbm>>
    tpu.enqueue_indirect_dma source(%dma_start3A_18 : memref<1048576x32xf32, #tpu.memory_space<hbm>>) target(%arg8 : memref<200x32xf32, #tpu.memory_space<vmem>>) offsets(%dma_start3A_15 : memref<200xi32, #tpu.memory_space<vmem>>) semaphore(%arg17 : memref<!tpu.dma_semaphore, #tpu.memory_space<semaphore_mem>>)
    %multiple_of3A_19 = arith.constant 600 : i32
    %multiple_of3A_20 = tpu.assume_multiple %multiple_of3A_19, 8 : i32
    %dma_start3A_21 = tpu.memref_slice %arg5[%multiple_of3A_20] : memref<25600xi32, #tpu.memory_space<vmem>> -> memref<200xi32, #tpu.memory_space<vmem>>
    %dma_start3A_22 = arith.constant 0 : i32
    %dma_start3A_23 = arith.constant 0 : i32
    %dma_start3A_24 = tpu.memref_slice %arg3[%dma_start3A_22, %dma_start3A_23] : memref<1048576x32xf32, #tpu.memory_space<hbm>> -> memref<1048576x32xf32, #tpu.memory_space<hbm>>
    tpu.enqueue_indirect_dma source(%dma_start3A_24 : memref<1048576x32xf32, #tpu.memory_space<hbm>>) target(%arg9 : memref<200x32xf32, #tpu.memory_space<vmem>>) offsets(%dma_start3A_21 : memref<200xi32, #tpu.memory_space<vmem>>) semaphore(%arg18 : memref<!tpu.dma_semaphore, #tpu.memory_space<semaphore_mem>>)
    %multiple_of3A_25 = arith.constant 800 : i32
    %multiple_of3A_26 = tpu.assume_multiple %multiple_of3A_25, 8 : i32
    %dma_start3A_27 = tpu.memref_slice %arg5[%multiple_of3A_26] : memref<25600xi32, #tpu.memory_space<vmem>> -> memref<200xi32, #tpu.memory_space<vmem>>
    %dma_start3A_28 = arith.constant 0 : i32
    %dma_start3A_29 = arith.constant 0 : i32
    %dma_start3A_30 = tpu.memref_slice %arg3[%dma_start3A_28, %dma_start3A_29] : memref<1048576x32xf32, #tpu.memory_space<hbm>> -> memref<1048576x32xf32, #tpu.memory_space<hbm>>
    tpu.enqueue_indirect_dma source(%dma_start3A_30 : memref<1048576x32xf32, #tpu.memory_space<hbm>>) target(%arg10 : memref<200x32xf32, #tpu.memory_space<vmem>>) offsets(%dma_start3A_27 : memref<200xi32, #tpu.memory_space<vmem>>) semaphore(%arg19 : memref<!tpu.dma_semaphore, #tpu.memory_space<semaphore_mem>>)
    %multiple_of3A_31 = arith.constant 1000 : i32
    %multiple_of3A_32 = tpu.assume_multiple %multiple_of3A_31, 8 : i32
    %dma_start3A_33 = tpu.memref_slice %arg5[%multiple_of3A_32] : memref<25600xi32, #tpu.memory_space<vmem>> -> memref<200xi32, #tpu.memory_space<vmem>>
    %dma_start3A_34 = arith.constant 0 : i32
    %dma_start3A_35 = arith.constant 0 : i32
    %dma_start3A_36 = tpu.memref_slice %arg3[%dma_start3A_34, %dma_start3A_35] : memref<1048576x32xf32, #tpu.memory_space<hbm>> -> memref<1048576x32xf32, #tpu.memory_space<hbm>>
    tpu.enqueue_indirect_dma source(%dma_start3A_36 : memref<1048576x32xf32, #tpu.memory_space<hbm>>) target(%arg11 : memref<200x32xf32, #tpu.memory_space<vmem>>) offsets(%dma_start3A_33 : memref<200xi32, #tpu.memory_space<vmem>>) semaphore(%arg20 : memref<!tpu.dma_semaphore, #tpu.memory_space<semaphore_mem>>)
    %multiple_of3A_37 = arith.constant 1200 : i32
    %multiple_of3A_38 = tpu.assume_multiple %multiple_of3A_37, 8 : i32
    %dma_start3A_39 = tpu.memref_slice %arg5[%multiple_of3A_38] : memref<25600xi32, #tpu.memory_space<vmem>> -> memref<200xi32, #tpu.memory_space<vmem>>
    %dma_start3A_40 = arith.constant 0 : i32
    %dma_start3A_41 = arith.constant 0 : i32
    %dma_start3A_42 = tpu.memref_slice %arg3[%dma_start3A_40, %dma_start3A_41] : memref<1048576x32xf32, #tpu.memory_space<hbm>> -> memref<1048576x32xf32, #tpu.memory_space<hbm>>
    tpu.enqueue_indirect_dma source(%dma_start3A_42 : memref<1048576x32xf32, #tpu.memory_space<hbm>>) target(%arg12 : memref<200x32xf32, #tpu.memory_space<vmem>>) offsets(%dma_start3A_39 : memref<200xi32, #tpu.memory_space<vmem>>) semaphore(%arg21 : memref<!tpu.dma_semaphore, #tpu.memory_space<semaphore_mem>>)
    %multiple_of3A_43 = arith.constant 1400 : i32
    %multiple_of3A_44 = tpu.assume_multiple %multiple_of3A_43, 8 : i32
    %dma_start3A_45 = tpu.memref_slice %arg5[%multiple_of3A_44] : memref<25600xi32, #tpu.memory_space<vmem>> -> memref<200xi32, #tpu.memory_space<vmem>>
    %dma_start3A_46 = arith.constant 0 : i32
    %dma_start3A_47 = arith.constant 0 : i32
    %dma_start3A_48 = tpu.memref_slice %arg3[%dma_start3A_46, %dma_start3A_47] : memref<1048576x32xf32, #tpu.memory_space<hbm>> -> memref<1048576x32xf32, #tpu.memory_space<hbm>>
    tpu.enqueue_indirect_dma source(%dma_start3A_48 : memref<1048576x32xf32, #tpu.memory_space<hbm>>) target(%arg13 : memref<200x32xf32, #tpu.memory_space<vmem>>) offsets(%dma_start3A_45 : memref<200xi32, #tpu.memory_space<vmem>>) semaphore(%arg22 : memref<!tpu.dma_semaphore, #tpu.memory_space<semaphore_mem>>)
    %scan3A = arith.constant 0 : i32
    %scan3A_49 = arith.constant 0 : i32
    %scan3A_50 = arith.constant 15 : i32
    %scan3A_51 = arith.addi %scan3A_49, %scan3A_50 : i32
    %scan3A_52 = arith.constant 1 : i32
    scf.for %scan3A_325 = %scan3A_49 to %scan3A_51 step %scan3A_52  : i32 {
      %mul3A_326 = arith.constant 8 : i32
      %mul3A_327 = arith.muli %scan3A_325, %mul3A_326 : i32
      %add3A_328 = arith.constant 0 : i32
      %add3A_329 = arith.addi %mul3A_327, %add3A_328 : i32
      %mul3A_330 = arith.constant 200 : i32
      %mul3A_331 = arith.muli %add3A_329, %mul3A_330 : i32
      %multiple_of3A_332 = tpu.assume_multiple %mul3A_331, 8 : i32
      %dma_wait3A_333 = tpu.memref_slice %arg5[%multiple_of3A_332] : memref<25600xi32, #tpu.memory_space<vmem>> -> memref<200xi32, #tpu.memory_space<vmem>>
      %dma_wait3A_334 = arith.constant 0 : i32
      %dma_wait3A_335 = arith.constant 0 : i32
      %dma_wait3A_336 = tpu.memref_slice %arg3[%dma_wait3A_334, %dma_wait3A_335] : memref<1048576x32xf32, #tpu.memory_space<hbm>> -> memref<1048576x32xf32, #tpu.memory_space<hbm>>
      tpu.wait_indirect_dma semaphore(%arg15 : memref<!tpu.dma_semaphore, #tpu.memory_space<semaphore_mem>>) src(%dma_wait3A_336 : memref<1048576x32xf32, #tpu.memory_space<hbm>>) dst(%arg6 : memref<200x32xf32, #tpu.memory_space<vmem>>)
      %broadcast_in_dim3A_337 = arith.constant 0.000000e+00 : f32
      %broadcast_in_dim3A_338 = vector.broadcast %broadcast_in_dim3A_337 : f32 to vector<16xf32>
      %scan3A_339 = arith.constant 0 : i32
      %scan3A_340 = arith.constant 25 : i32
      %scan3A_341 = arith.addi %scan3A_339, %scan3A_340 : i32
      %scan3A_342 = arith.constant 1 : i32
      %scan3A_343:4 = scf.for %scan3A_694 = %scan3A_339 to %scan3A_341 step %scan3A_342 iter_args(%scan3A_695 = %broadcast_in_dim3A_338, %scan3A_696 = %broadcast_in_dim3A_338, %scan3A_697 = %broadcast_in_dim3A_338, %scan3A_698 = %broadcast_in_dim3A_338) -> (vector<16xf32>, vector<16xf32>, vector<16xf32>, vector<16xf32>)  : i32 {
        %mul3A_699 = arith.constant 8 : i32
        %mul3A_700 = arith.muli %scan3A_694, %mul3A_699 : i32
        %add3A_701 = arith.constant 0 : i32
        %add3A_702 = arith.addi %mul3A_700, %add3A_701 : i32
        %get3A = arith.index_cast %add3A_702 : i32 to index
        %get3A_703 = arith.constant 0 : index
        %get3A_704 = tpu.vector_load %arg6[%get3A, %get3A_703] {strides = array<i32>} : memref<200x32xf32, #tpu.memory_space<vmem>>, vector<1x16xf32>,
        %get3A_705 = vector.shape_cast %get3A_704 : vector<1x16xf32> to vector<16xf32>
        %get3A_706 = arith.index_cast %add3A_702 : i32 to index
        %get3A_707 = arith.constant 16 : index
        %get3A_708 = tpu.vector_load %arg6[%get3A_706, %get3A_707] {strides = array<i32>} : memref<200x32xf32, #tpu.memory_space<vmem>>, vector<1x16xf32>,
        %get3A_709 = vector.shape_cast %get3A_708 : vector<1x16xf32> to vector<16xf32>
        %add3A_710 = arith.addf %scan3A_695, %get3A_705 : vector<16xf32>
        %add3A_711 = arith.addf %scan3A_696, %get3A_709 : vector<16xf32>
        %add3A_712 = arith.constant 1 : i32
        %add3A_713 = arith.addi %mul3A_700, %add3A_712 : i32
        %get3A_714 = arith.index_cast %add3A_713 : i32 to index
        %get3A_715 = arith.constant 0 : index
        %get3A_716 = tpu.vector_load %arg6[%get3A_714, %get3A_715] {strides = array<i32>} : memref<200x32xf32, #tpu.memory_space<vmem>>, vector<1x16xf32>,
        %get3A_717 = vector.shape_cast %get3A_716 : vector<1x16xf32> to vector<16xf32>
        %get3A_718 = arith.index_cast %add3A_713 : i32 to index
        %get3A_719 = arith.constant 16 : index
        %get3A_720 = tpu.vector_load %arg6[%get3A_718, %get3A_719] {strides = array<i32>} : memref<200x32xf32, #tpu.memory_space<vmem>>, vector<1x16xf32>,
        %get3A_721 = vector.shape_cast %get3A_720 : vector<1x16xf32> to vector<16xf32>
        %add3A_722 = arith.addf %scan3A_697, %get3A_717 : vector<16xf32>
        %add3A_723 = arith.addf %scan3A_698, %get3A_721 : vector<16xf32>
        %add3A_724 = arith.constant 2 : i32
        %add3A_725 = arith.addi %mul3A_700, %add3A_724 : i32
        %get3A_726 = arith.index_cast %add3A_725 : i32 to index
        %get3A_727 = arith.constant 0 : index
        %get3A_728 = tpu.vector_load %arg6[%get3A_726, %get3A_727] {strides = array<i32>} : memref<200x32xf32, #tpu.memory_space<vmem>>, vector<1x16xf32>,
        %get3A_729 = vector.shape_cast %get3A_728 : vector<1x16xf32> to vector<16xf32>
        %get3A_730 = arith.index_cast %add3A_725 : i32 to index
        %get3A_731 = arith.constant 16 : index
        %get3A_732 = tpu.vector_load %arg6[%get3A_730, %get3A_731] {strides = array<i32>} : memref<200x32xf32, #tpu.memory_space<vmem>>, vector<1x16xf32>,
        %get3A_733 = vector.shape_cast %get3A_732 : vector<1x16xf32> to vector<16xf32>
        %add3A_734 = arith.addf %add3A_710, %get3A_729 : vector<16xf32>
        %add3A_735 = arith.addf %add3A_711, %get3A_733 : vector<16xf32>
        %add3A_736 = arith.constant 3 : i32
        %add3A_737 = arith.addi %mul3A_700, %add3A_736 : i32
        %get3A_738 = arith.index_cast %add3A_737 : i32 to index
        %get3A_739 = arith.constant 0 : index
        %get3A_740 = tpu.vector_load %arg6[%get3A_738, %get3A_739] {strides = array<i32>} : memref<200x32xf32, #tpu.memory_space<vmem>>, vector<1x16xf32>,
        %get3A_741 = vector.shape_cast %get3A_740 : vector<1x16xf32> to vector<16xf32>
        %get3A_742 = arith.index_cast %add3A_737 : i32 to index
        %get3A_743 = arith.constant 16 : index
        %get3A_744 = tpu.vector_load %arg6[%get3A_742, %get3A_743] {strides = array<i32>} : memref<200x32xf32, #tpu.memory_space<vmem>>, vector<1x16xf32>,
        %get3A_745 = vector.shape_cast %get3A_744 : vector<1x16xf32> to vector<16xf32>
        %add3A_746 = arith.addf %add3A_722, %get3A_741 : vector<16xf32>
        %add3A_747 = arith.addf %add3A_723, %get3A_745 : vector<16xf32>
        %add3A_748 = arith.constant 4 : i32
        %add3A_749 = arith.addi %mul3A_700, %add3A_748 : i32
        %get3A_750 = arith.index_cast %add3A_749 : i32 to index
        %get3A_751 = arith.constant 0 : index
        %get3A_752 = tpu.vector_load %arg6[%get3A_750, %get3A_751] {strides = array<i32>} : memref<200x32xf32, #tpu.memory_space<vmem>>, vector<1x16xf32>,
        %get3A_753 = vector.shape_cast %get3A_752 : vector<1x16xf32> to vector<16xf32>
        %get3A_754 = arith.index_cast %add3A_749 : i32 to index
        %get3A_755 = arith.constant 16 : index
        %get3A_756 = tpu.vector_load %arg6[%get3A_754, %get3A_755] {strides = array<i32>} : memref<200x32xf32, #tpu.memory_space<vmem>>, vector<1x16xf32>,
        %get3A_757 = vector.shape_cast %get3A_756 : vector<1x16xf32> to vector<16xf32>
        %add3A_758 = arith.addf %add3A_734, %get3A_753 : vector<16xf32>
        %add3A_759 = arith.addf %add3A_735, %get3A_757 : vector<16xf32>
        %add3A_760 = arith.constant 5 : i32
        %add3A_761 = arith.addi %mul3A_700, %add3A_760 : i32
        %get3A_762 = arith.index_cast %add3A_761 : i32 to index
        %get3A_763 = arith.constant 0 : index
        %get3A_764 = tpu.vector_load %arg6[%get3A_762, %get3A_763] {strides = array<i32>} : memref<200x32xf32, #tpu.memory_space<vmem>>, vector<1x16xf32>,
        %get3A_765 = vector.shape_cast %get3A_764 : vector<1x16xf32> to vector<16xf32>
        %get3A_766 = arith.index_cast %add3A_761 : i32 to index
        %get3A_767 = arith.constant 16 : index
        %get3A_768 = tpu.vector_load %arg6[%get3A_766, %get3A_767] {strides = array<i32>} : memref<200x32xf32, #tpu.memory_space<vmem>>, vector<1x16xf32>,
        %get3A_769 = vector.shape_cast %get3A_768 : vector<1x16xf32> to vector<16xf32>
        %add3A_770 = arith.addf %add3A_746, %get3A_765 : vector<16xf32>
        %add3A_771 = arith.addf %add3A_747, %get3A_769 : vector<16xf32>
        %add3A_772 = arith.constant 6 : i32
        %add3A_773 = arith.addi %mul3A_700, %add3A_772 : i32
        %get3A_774 = arith.index_cast %add3A_773 : i32 to index
        %get3A_775 = arith.constant 0 : index
        %get3A_776 = tpu.vector_load %arg6[%get3A_774, %get3A_775] {strides = array<i32>} : memref<200x32xf32, #tpu.memory_space<vmem>>, vector<1x16xf32>,
        %get3A_777 = vector.shape_cast %get3A_776 : vector<1x16xf32> to vector<16xf32>
        %get3A_778 = arith.index_cast %add3A_773 : i32 to index
        %get3A_779 = arith.constant 16 : index
        %get3A_780 = tpu.vector_load %arg6[%get3A_778, %get3A_779] {strides = array<i32>} : memref<200x32xf32, #tpu.memory_space<vmem>>, vector<1x16xf32>,
        %get3A_781 = vector.shape_cast %get3A_780 : vector<1x16xf32> to vector<16xf32>
        %add3A_782 = arith.addf %add3A_758, %get3A_777 : vector<16xf32>
        %add3A_783 = arith.addf %add3A_759, %get3A_781 : vector<16xf32>
        %add3A_784 = arith.constant 7 : i32
        %add3A_785 = arith.addi %mul3A_700, %add3A_784 : i32
        %get3A_786 = arith.index_cast %add3A_785 : i32 to index
        %get3A_787 = arith.constant 0 : index
        %get3A_788 = tpu.vector_load %arg6[%get3A_786, %get3A_787] {strides = array<i32>} : memref<200x32xf32, #tpu.memory_space<vmem>>, vector<1x16xf32>,
        %get3A_789 = vector.shape_cast %get3A_788 : vector<1x16xf32> to vector<16xf32>
        %get3A_790 = arith.index_cast %add3A_785 : i32 to index
        %get3A_791 = arith.constant 16 : index
        %get3A_792 = tpu.vector_load %arg6[%get3A_790, %get3A_791] {strides = array<i32>} : memref<200x32xf32, #tpu.memory_space<vmem>>, vector<1x16xf32>,
        %get3A_793 = vector.shape_cast %get3A_792 : vector<1x16xf32> to vector<16xf32>
        %add3A_794 = arith.addf %add3A_770, %get3A_789 : vector<16xf32>
        %add3A_795 = arith.addf %add3A_771, %get3A_793 : vector<16xf32>
        scf.yield %add3A_782, %add3A_783, %add3A_794, %add3A_795 : vector<16xf32>, vector<16xf32>, vector<16xf32>, vector<16xf32>
      }
      %scan3A_344 = arith.constant 25 : i32
      %add3A_345 = arith.addf %scan3A_343#0, %scan3A_343#2 : vector<16xf32>
      %mul3A_346 = arith.constant 5.000000e-03 : f32
      %mul3A_347 = vector.broadcast %mul3A_346 : f32 to vector<16xf32>
      %mul3A_348 = arith.mulf %add3A_345, %mul3A_347 : vector<16xf32>
      %swap3A_349 = arith.index_cast %add3A_329 : i32 to index
      %swap3A_350 = arith.constant 0 : index
      %swap3A_351 = tpu.vector_load %arg14[%swap3A_349, %swap3A_350] {strides = array<i32>} : memref<128x32xf32, #tpu.memory_space<vmem>>, vector<1x16xf32>,
      %swap3A_352 = vector.shape_cast %swap3A_351 : vector<1x16xf32> to vector<16xf32>
      %swap3A_353 = vector.shape_cast %mul3A_348 : vector<16xf32> to vector<1x16xf32>
      tpu.vector_store %arg14[%swap3A_349, %swap3A_350], %swap3A_353 {strides = array<i32>} : memref<128x32xf32, #tpu.memory_space<vmem>>, vector<1x16xf32>,
      %add3A_354 = arith.addf %scan3A_343#1, %scan3A_343#3 : vector<16xf32>
      %mul3A_355 = arith.constant 5.000000e-03 : f32
      %mul3A_356 = vector.broadcast %mul3A_355 : f32 to vector<16xf32>
      %mul3A_357 = arith.mulf %add3A_354, %mul3A_356 : vector<16xf32>
      %swap3A_358 = arith.index_cast %add3A_329 : i32 to index
      %swap3A_359 = arith.constant 16 : index
      %swap3A_360 = tpu.vector_load %arg14[%swap3A_358, %swap3A_359] {strides = array<i32>} : memref<128x32xf32, #tpu.memory_space<vmem>>, vector<1x16xf32>,
      %swap3A_361 = vector.shape_cast %swap3A_360 : vector<1x16xf32> to vector<16xf32>
      %swap3A_362 = vector.shape_cast %mul3A_357 : vector<16xf32> to vector<1x16xf32>
      tpu.vector_store %arg14[%swap3A_358, %swap3A_359], %swap3A_362 {strides = array<i32>} : memref<128x32xf32, #tpu.memory_space<vmem>>, vector<1x16xf32>,
      %add3A_363 = arith.constant 8 : i32
      %add3A_364 = arith.addi %add3A_329, %add3A_363 : i32
      %mul3A_365 = arith.constant 200 : i32
      %mul3A_366 = arith.muli %add3A_364, %mul3A_365 : i32
      %multiple_of3A_367 = tpu.assume_multiple %mul3A_366, 8 : i32
      %dma_start3A_368 = tpu.memref_slice %arg5[%multiple_of3A_367] : memref<25600xi32, #tpu.memory_space<vmem>> -> memref<200xi32, #tpu.memory_space<vmem>>
      %dma_start3A_369 = arith.constant 0 : i32
      %dma_start3A_370 = arith.constant 0 : i32
      %dma_start3A_371 = tpu.memref_slice %arg3[%dma_start3A_369, %dma_start3A_370] : memref<1048576x32xf32, #tpu.memory_space<hbm>> -> memref<1048576x32xf32, #tpu.memory_space<hbm>>
      tpu.enqueue_indirect_dma source(%dma_start3A_371 : memref<1048576x32xf32, #tpu.memory_space<hbm>>) target(%arg6 : memref<200x32xf32, #tpu.memory_space<vmem>>) offsets(%dma_start3A_368 : memref<200xi32, #tpu.memory_space<vmem>>) semaphore(%arg15 : memref<!tpu.dma_semaphore, #tpu.memory_space<semaphore_mem>>)
      %mul3A_372 = arith.constant 8 : i32
      %mul3A_373 = arith.muli %scan3A_325, %mul3A_372 : i32
      %add3A_374 = arith.constant 1 : i32
      %add3A_375 = arith.addi %mul3A_373, %add3A_374 : i32
      %mul3A_376 = arith.constant 200 : i32
      %mul3A_377 = arith.muli %add3A_375, %mul3A_376 : i32
      %multiple_of3A_378 = tpu.assume_multiple %mul3A_377, 8 : i32
      %dma_wait3A_379 = tpu.memref_slice %arg5[%multiple_of3A_378] : memref<25600xi32, #tpu.memory_space<vmem>> -> memref<200xi32, #tpu.memory_space<vmem>>
      %dma_wait3A_380 = arith.constant 0 : i32
      %dma_wait3A_381 = arith.constant 0 : i32
      %dma_wait3A_382 = tpu.memref_slice %arg3[%dma_wait3A_380, %dma_wait3A_381] : memref<1048576x32xf32, #tpu.memory_space<hbm>> -> memref<1048576x32xf32, #tpu.memory_space<hbm>>
      tpu.wait_indirect_dma semaphore(%arg16 : memref<!tpu.dma_semaphore, #tpu.memory_space<semaphore_mem>>) src(%dma_wait3A_382 : memref<1048576x32xf32, #tpu.memory_space<hbm>>) dst(%arg7 : memref<200x32xf32, #tpu.memory_space<vmem>>)
      %broadcast_in_dim3A_383 = arith.constant 0.000000e+00 : f32
      %broadcast_in_dim3A_384 = vector.broadcast %broadcast_in_dim3A_383 : f32 to vector<16xf32>
      %scan3A_385 = arith.constant 0 : i32
      %scan3A_386 = arith.constant 25 : i32
      %scan3A_387 = arith.addi %scan3A_385, %scan3A_386 : i32
      %scan3A_388 = arith.constant 1 : i32
      %scan3A_389:4 = scf.for %scan3A_694 = %scan3A_385 to %scan3A_387 step %scan3A_388 iter_args(%scan3A_695 = %broadcast_in_dim3A_384, %scan3A_696 = %broadcast_in_dim3A_384, %scan3A_697 = %broadcast_in_dim3A_384, %scan3A_698 = %broadcast_in_dim3A_384) -> (vector<16xf32>, vector<16xf32>, vector<16xf32>, vector<16xf32>)  : i32 {
        %mul3A_699 = arith.constant 8 : i32
        %mul3A_700 = arith.muli %scan3A_694, %mul3A_699 : i32
        %add3A_701 = arith.constant 0 : i32
        %add3A_702 = arith.addi %mul3A_700, %add3A_701 : i32
        %get3A = arith.index_cast %add3A_702 : i32 to index
        %get3A_703 = arith.constant 0 : index
        %get3A_704 = tpu.vector_load %arg7[%get3A, %get3A_703] {strides = array<i32>} : memref<200x32xf32, #tpu.memory_space<vmem>>, vector<1x16xf32>,
        %get3A_705 = vector.shape_cast %get3A_704 : vector<1x16xf32> to vector<16xf32>
        %get3A_706 = arith.index_cast %add3A_702 : i32 to index
        %get3A_707 = arith.constant 16 : index
        %get3A_708 = tpu.vector_load %arg7[%get3A_706, %get3A_707] {strides = array<i32>} : memref<200x32xf32, #tpu.memory_space<vmem>>, vector<1x16xf32>,
        %get3A_709 = vector.shape_cast %get3A_708 : vector<1x16xf32> to vector<16xf32>
        %add3A_710 = arith.addf %scan3A_695, %get3A_705 : vector<16xf32>
        %add3A_711 = arith.addf %scan3A_696, %get3A_709 : vector<16xf32>
        %add3A_712 = arith.constant 1 : i32
        %add3A_713 = arith.addi %mul3A_700, %add3A_712 : i32
        %get3A_714 = arith.index_cast %add3A_713 : i32 to index
        %get3A_715 = arith.constant 0 : index
        %get3A_716 = tpu.vector_load %arg7[%get3A_714, %get3A_715] {strides = array<i32>} : memref<200x32xf32, #tpu.memory_space<vmem>>, vector<1x16xf32>,
        %get3A_717 = vector.shape_cast %get3A_716 : vector<1x16xf32> to vector<16xf32>
        %get3A_718 = arith.index_cast %add3A_713 : i32 to index
        %get3A_719 = arith.constant 16 : index
        %get3A_720 = tpu.vector_load %arg7[%get3A_718, %get3A_719] {strides = array<i32>} : memref<200x32xf32, #tpu.memory_space<vmem>>, vector<1x16xf32>,
        %get3A_721 = vector.shape_cast %get3A_720 : vector<1x16xf32> to vector<16xf32>
        %add3A_722 = arith.addf %scan3A_697, %get3A_717 : vector<16xf32>
        %add3A_723 = arith.addf %scan3A_698, %get3A_721 : vector<16xf32>
        %add3A_724 = arith.constant 2 : i32
        %add3A_725 = arith.addi %mul3A_700, %add3A_724 : i32
        %get3A_726 = arith.index_cast %add3A_725 : i32 to index
        %get3A_727 = arith.constant 0 : index
        %get3A_728 = tpu.vector_load %arg7[%get3A_726, %get3A_727] {strides = array<i32>} : memref<200x32xf32, #tpu.memory_space<vmem>>, vector<1x16xf32>,
        %get3A_729 = vector.shape_cast %get3A_728 : vector<1x16xf32> to vector<16xf32>
        %get3A_730 = arith.index_cast %add3A_725 : i32 to index
        %get3A_731 = arith.constant 16 : index
        %get3A_732 = tpu.vector_load %arg7[%get3A_730, %get3A_731] {strides = array<i32>} : memref<200x32xf32, #tpu.memory_space<vmem>>, vector<1x16xf32>,
        %get3A_733 = vector.shape_cast %get3A_732 : vector<1x16xf32> to vector<16xf32>
        %add3A_734 = arith.addf %add3A_710, %get3A_729 : vector<16xf32>
        %add3A_735 = arith.addf %add3A_711, %get3A_733 : vector<16xf32>
        %add3A_736 = arith.constant 3 : i32
        %add3A_737 = arith.addi %mul3A_700, %add3A_736 : i32
        %get3A_738 = arith.index_cast %add3A_737 : i32 to index
        %get3A_739 = arith.constant 0 : index
        %get3A_740 = tpu.vector_load %arg7[%get3A_738, %get3A_739] {strides = array<i32>} : memref<200x32xf32, #tpu.memory_space<vmem>>, vector<1x16xf32>,
        %get3A_741 = vector.shape_cast %get3A_740 : vector<1x16xf32> to vector<16xf32>
        %get3A_742 = arith.index_cast %add3A_737 : i32 to index
        %get3A_743 = arith.constant 16 : index
        %get3A_744 = tpu.vector_load %arg7[%get3A_742, %get3A_743] {strides = array<i32>} : memref<200x32xf32, #tpu.memory_space<vmem>>, vector<1x16xf32>,
        %get3A_745 = vector.shape_cast %get3A_744 : vector<1x16xf32> to vector<16xf32>
        %add3A_746 = arith.addf %add3A_722, %get3A_741 : vector<16xf32>
        %add3A_747 = arith.addf %add3A_723, %get3A_745 : vector<16xf32>
        %add3A_748 = arith.constant 4 : i32
        %add3A_749 = arith.addi %mul3A_700, %add3A_748 : i32
        %get3A_750 = arith.index_cast %add3A_749 : i32 to index
        %get3A_751 = arith.constant 0 : index
        %get3A_752 = tpu.vector_load %arg7[%get3A_750, %get3A_751] {strides = array<i32>} : memref<200x32xf32, #tpu.memory_space<vmem>>, vector<1x16xf32>,
        %get3A_753 = vector.shape_cast %get3A_752 : vector<1x16xf32> to vector<16xf32>
        %get3A_754 = arith.index_cast %add3A_749 : i32 to index
        %get3A_755 = arith.constant 16 : index
        %get3A_756 = tpu.vector_load %arg7[%get3A_754, %get3A_755] {strides = array<i32>} : memref<200x32xf32, #tpu.memory_space<vmem>>, vector<1x16xf32>,
        %get3A_757 = vector.shape_cast %get3A_756 : vector<1x16xf32> to vector<16xf32>
        %add3A_758 = arith.addf %add3A_734, %get3A_753 : vector<16xf32>
        %add3A_759 = arith.addf %add3A_735, %get3A_757 : vector<16xf32>
        %add3A_760 = arith.constant 5 : i32
        %add3A_761 = arith.addi %mul3A_700, %add3A_760 : i32
        %get3A_762 = arith.index_cast %add3A_761 : i32 to index
        %get3A_763 = arith.constant 0 : index
        %get3A_764 = tpu.vector_load %arg7[%get3A_762, %get3A_763] {strides = array<i32>} : memref<200x32xf32, #tpu.memory_space<vmem>>, vector<1x16xf32>,
        %get3A_765 = vector.shape_cast %get3A_764 : vector<1x16xf32> to vector<16xf32>
        %get3A_766 = arith.index_cast %add3A_761 : i32 to index
        %get3A_767 = arith.constant 16 : index
        %get3A_768 = tpu.vector_load %arg7[%get3A_766, %get3A_767] {strides = array<i32>} : memref<200x32xf32, #tpu.memory_space<vmem>>, vector<1x16xf32>,
        %get3A_769 = vector.shape_cast %get3A_768 : vector<1x16xf32> to vector<16xf32>
        %add3A_770 = arith.addf %add3A_746, %get3A_765 : vector<16xf32>
        %add3A_771 = arith.addf %add3A_747, %get3A_769 : vector<16xf32>
        %add3A_772 = arith.constant 6 : i32
        %add3A_773 = arith.addi %mul3A_700, %add3A_772 : i32
        %get3A_774 = arith.index_cast %add3A_773 : i32 to index
        %get3A_775 = arith.constant 0 : index
        %get3A_776 = tpu.vector_load %arg7[%get3A_774, %get3A_775] {strides = array<i32>} : memref<200x32xf32, #tpu.memory_space<vmem>>, vector<1x16xf32>,
        %get3A_777 = vector.shape_cast %get3A_776 : vector<1x16xf32> to vector<16xf32>
        %get3A_778 = arith.index_cast %add3A_773 : i32 to index
        %get3A_779 = arith.constant 16 : index
        %get3A_780 = tpu.vector_load %arg7[%get3A_778, %get3A_779] {strides = array<i32>} : memref<200x32xf32, #tpu.memory_space<vmem>>, vector<1x16xf32>,
        %get3A_781 = vector.shape_cast %get3A_780 : vector<1x16xf32> to vector<16xf32>
        %add3A_782 = arith.addf %add3A_758, %get3A_777 : vector<16xf32>
        %add3A_783 = arith.addf %add3A_759, %get3A_781 : vector<16xf32>
        %add3A_784 = arith.constant 7 : i32
        %add3A_785 = arith.addi %mul3A_700, %add3A_784 : i32
        %get3A_786 = arith.index_cast %add3A_785 : i32 to index
        %get3A_787 = arith.constant 0 : index
        %get3A_788 = tpu.vector_load %arg7[%get3A_786, %get3A_787] {strides = array<i32>} : memref<200x32xf32, #tpu.memory_space<vmem>>, vector<1x16xf32>,
        %get3A_789 = vector.shape_cast %get3A_788 : vector<1x16xf32> to vector<16xf32>
        %get3A_790 = arith.index_cast %add3A_785 : i32 to index
        %get3A_791 = arith.constant 16 : index
        %get3A_792 = tpu.vector_load %arg7[%get3A_790, %get3A_791] {strides = array<i32>} : memref<200x32xf32, #tpu.memory_space<vmem>>, vector<1x16xf32>,
        %get3A_793 = vector.shape_cast %get3A_792 : vector<1x16xf32> to vector<16xf32>
        %add3A_794 = arith.addf %add3A_770, %get3A_789 : vector<16xf32>
        %add3A_795 = arith.addf %add3A_771, %get3A_793 : vector<16xf32>
        scf.yield %add3A_782, %add3A_783, %add3A_794, %add3A_795 : vector<16xf32>, vector<16xf32>, vector<16xf32>, vector<16xf32>
      }
      %scan3A_390 = arith.constant 25 : i32
      %add3A_391 = arith.addf %scan3A_389#0, %scan3A_389#2 : vector<16xf32>
      %mul3A_392 = arith.constant 5.000000e-03 : f32
      %mul3A_393 = vector.broadcast %mul3A_392 : f32 to vector<16xf32>
      %mul3A_394 = arith.mulf %add3A_391, %mul3A_393 : vector<16xf32>
      %swap3A_395 = arith.index_cast %add3A_375 : i32 to index
      %swap3A_396 = arith.constant 0 : index
      %swap3A_397 = tpu.vector_load %arg14[%swap3A_395, %swap3A_396] {strides = array<i32>} : memref<128x32xf32, #tpu.memory_space<vmem>>, vector<1x16xf32>,
      %swap3A_398 = vector.shape_cast %swap3A_397 : vector<1x16xf32> to vector<16xf32>
      %swap3A_399 = vector.shape_cast %mul3A_394 : vector<16xf32> to vector<1x16xf32>
      tpu.vector_store %arg14[%swap3A_395, %swap3A_396], %swap3A_399 {strides = array<i32>} : memref<128x32xf32, #tpu.memory_space<vmem>>, vector<1x16xf32>,
      %add3A_400 = arith.addf %scan3A_389#1, %scan3A_389#3 : vector<16xf32>
      %mul3A_401 = arith.constant 5.000000e-03 : f32
      %mul3A_402 = vector.broadcast %mul3A_401 : f32 to vector<16xf32>
      %mul3A_403 = arith.mulf %add3A_400, %mul3A_402 : vector<16xf32>
      %swap3A_404 = arith.index_cast %add3A_375 : i32 to index
      %swap3A_405 = arith.constant 16 : index
      %swap3A_406 = tpu.vector_load %arg14[%swap3A_404, %swap3A_405] {strides = array<i32>} : memref<128x32xf32, #tpu.memory_space<vmem>>, vector<1x16xf32>,
      %swap3A_407 = vector.shape_cast %swap3A_406 : vector<1x16xf32> to vector<16xf32>
      %swap3A_408 = vector.shape_cast %mul3A_403 : vector<16xf32> to vector<1x16xf32>
      tpu.vector_store %arg14[%swap3A_404, %swap3A_405], %swap3A_408 {strides = array<i32>} : memref<128x32xf32, #tpu.memory_space<vmem>>, vector<1x16xf32>,
      %add3A_409 = arith.constant 8 : i32
      %add3A_410 = arith.addi %add3A_375, %add3A_409 : i32
      %mul3A_411 = arith.constant 200 : i32
      %mul3A_412 = arith.muli %add3A_410, %mul3A_411 : i32
      %multiple_of3A_413 = tpu.assume_multiple %mul3A_412, 8 : i32
      %dma_start3A_414 = tpu.memref_slice %arg5[%multiple_of3A_413] : memref<25600xi32, #tpu.memory_space<vmem>> -> memref<200xi32, #tpu.memory_space<vmem>>
      %dma_start3A_415 = arith.constant 0 : i32
      %dma_start3A_416 = arith.constant 0 : i32
      %dma_start3A_417 = tpu.memref_slice %arg3[%dma_start3A_415, %dma_start3A_416] : memref<1048576x32xf32, #tpu.memory_space<hbm>> -> memref<1048576x32xf32, #tpu.memory_space<hbm>>
      tpu.enqueue_indirect_dma source(%dma_start3A_417 : memref<1048576x32xf32, #tpu.memory_space<hbm>>) target(%arg7 : memref<200x32xf32, #tpu.memory_space<vmem>>) offsets(%dma_start3A_414 : memref<200xi32, #tpu.memory_space<vmem>>) semaphore(%arg16 : memref<!tpu.dma_semaphore, #tpu.memory_space<semaphore_mem>>)
      %mul3A_418 = arith.constant 8 : i32
      %mul3A_419 = arith.muli %scan3A_325, %mul3A_418 : i32
      %add3A_420 = arith.constant 2 : i32
      %add3A_421 = arith.addi %mul3A_419, %add3A_420 : i32
      %mul3A_422 = arith.constant 200 : i32
      %mul3A_423 = arith.muli %add3A_421, %mul3A_422 : i32
      %multiple_of3A_424 = tpu.assume_multiple %mul3A_423, 8 : i32
      %dma_wait3A_425 = tpu.memref_slice %arg5[%multiple_of3A_424] : memref<25600xi32, #tpu.memory_space<vmem>> -> memref<200xi32, #tpu.memory_space<vmem>>
      %dma_wait3A_426 = arith.constant 0 : i32
      %dma_wait3A_427 = arith.constant 0 : i32
      %dma_wait3A_428 = tpu.memref_slice %arg3[%dma_wait3A_426, %dma_wait3A_427] : memref<1048576x32xf32, #tpu.memory_space<hbm>> -> memref<1048576x32xf32, #tpu.memory_space<hbm>>
      tpu.wait_indirect_dma semaphore(%arg17 : memref<!tpu.dma_semaphore, #tpu.memory_space<semaphore_mem>>) src(%dma_wait3A_428 : memref<1048576x32xf32, #tpu.memory_space<hbm>>) dst(%arg8 : memref<200x32xf32, #tpu.memory_space<vmem>>)
      %broadcast_in_dim3A_429 = arith.constant 0.000000e+00 : f32
      %broadcast_in_dim3A_430 = vector.broadcast %broadcast_in_dim3A_429 : f32 to vector<16xf32>
      %scan3A_431 = arith.constant 0 : i32
      %scan3A_432 = arith.constant 25 : i32
      %scan3A_433 = arith.addi %scan3A_431, %scan3A_432 : i32
      %scan3A_434 = arith.constant 1 : i32
      %scan3A_435:4 = scf.for %scan3A_694 = %scan3A_431 to %scan3A_433 step %scan3A_434 iter_args(%scan3A_695 = %broadcast_in_dim3A_430, %scan3A_696 = %broadcast_in_dim3A_430, %scan3A_697 = %broadcast_in_dim3A_430, %scan3A_698 = %broadcast_in_dim3A_430) -> (vector<16xf32>, vector<16xf32>, vector<16xf32>, vector<16xf32>)  : i32 {
        %mul3A_699 = arith.constant 8 : i32
        %mul3A_700 = arith.muli %scan3A_694, %mul3A_699 : i32
        %add3A_701 = arith.constant 0 : i32
        %add3A_702 = arith.addi %mul3A_700, %add3A_701 : i32
        %get3A = arith.index_cast %add3A_702 : i32 to index
        %get3A_703 = arith.constant 0 : index
        %get3A_704 = tpu.vector_load %arg8[%get3A, %get3A_703] {strides = array<i32>} : memref<200x32xf32, #tpu.memory_space<vmem>>, vector<1x16xf32>,
        %get3A_705 = vector.shape_cast %get3A_704 : vector<1x16xf32> to vector<16xf32>
        %get3A_706 = arith.index_cast %add3A_702 : i32 to index
        %get3A_707 = arith.constant 16 : index
        %get3A_708 = tpu.vector_load %arg8[%get3A_706, %get3A_707] {strides = array<i32>} : memref<200x32xf32, #tpu.memory_space<vmem>>, vector<1x16xf32>,
        %get3A_709 = vector.shape_cast %get3A_708 : vector<1x16xf32> to vector<16xf32>
        %add3A_710 = arith.addf %scan3A_695, %get3A_705 : vector<16xf32>
        %add3A_711 = arith.addf %scan3A_696, %get3A_709 : vector<16xf32>
        %add3A_712 = arith.constant 1 : i32
        %add3A_713 = arith.addi %mul3A_700, %add3A_712 : i32
        %get3A_714 = arith.index_cast %add3A_713 : i32 to index
        %get3A_715 = arith.constant 0 : index
        %get3A_716 = tpu.vector_load %arg8[%get3A_714, %get3A_715] {strides = array<i32>} : memref<200x32xf32, #tpu.memory_space<vmem>>, vector<1x16xf32>,
        %get3A_717 = vector.shape_cast %get3A_716 : vector<1x16xf32> to vector<16xf32>
        %get3A_718 = arith.index_cast %add3A_713 : i32 to index
        %get3A_719 = arith.constant 16 : index
        %get3A_720 = tpu.vector_load %arg8[%get3A_718, %get3A_719] {strides = array<i32>} : memref<200x32xf32, #tpu.memory_space<vmem>>, vector<1x16xf32>,
        %get3A_721 = vector.shape_cast %get3A_720 : vector<1x16xf32> to vector<16xf32>
        %add3A_722 = arith.addf %scan3A_697, %get3A_717 : vector<16xf32>
        %add3A_723 = arith.addf %scan3A_698, %get3A_721 : vector<16xf32>
        %add3A_724 = arith.constant 2 : i32
        %add3A_725 = arith.addi %mul3A_700, %add3A_724 : i32
        %get3A_726 = arith.index_cast %add3A_725 : i32 to index
        %get3A_727 = arith.constant 0 : index
        %get3A_728 = tpu.vector_load %arg8[%get3A_726, %get3A_727] {strides = array<i32>} : memref<200x32xf32, #tpu.memory_space<vmem>>, vector<1x16xf32>,
        %get3A_729 = vector.shape_cast %get3A_728 : vector<1x16xf32> to vector<16xf32>
        %get3A_730 = arith.index_cast %add3A_725 : i32 to index
        %get3A_731 = arith.constant 16 : index
        %get3A_732 = tpu.vector_load %arg8[%get3A_730, %get3A_731] {strides = array<i32>} : memref<200x32xf32, #tpu.memory_space<vmem>>, vector<1x16xf32>,
        %get3A_733 = vector.shape_cast %get3A_732 : vector<1x16xf32> to vector<16xf32>
        %add3A_734 = arith.addf %add3A_710, %get3A_729 : vector<16xf32>
        %add3A_735 = arith.addf %add3A_711, %get3A_733 : vector<16xf32>
        %add3A_736 = arith.constant 3 : i32
        %add3A_737 = arith.addi %mul3A_700, %add3A_736 : i32
        %get3A_738 = arith.index_cast %add3A_737 : i32 to index
        %get3A_739 = arith.constant 0 : index
        %get3A_740 = tpu.vector_load %arg8[%get3A_738, %get3A_739] {strides = array<i32>} : memref<200x32xf32, #tpu.memory_space<vmem>>, vector<1x16xf32>,
        %get3A_741 = vector.shape_cast %get3A_740 : vector<1x16xf32> to vector<16xf32>
        %get3A_742 = arith.index_cast %add3A_737 : i32 to index
        %get3A_743 = arith.constant 16 : index
        %get3A_744 = tpu.vector_load %arg8[%get3A_742, %get3A_743] {strides = array<i32>} : memref<200x32xf32, #tpu.memory_space<vmem>>, vector<1x16xf32>,
        %get3A_745 = vector.shape_cast %get3A_744 : vector<1x16xf32> to vector<16xf32>
        %add3A_746 = arith.addf %add3A_722, %get3A_741 : vector<16xf32>
        %add3A_747 = arith.addf %add3A_723, %get3A_745 : vector<16xf32>
        %add3A_748 = arith.constant 4 : i32
        %add3A_749 = arith.addi %mul3A_700, %add3A_748 : i32
        %get3A_750 = arith.index_cast %add3A_749 : i32 to index
        %get3A_751 = arith.constant 0 : index
        %get3A_752 = tpu.vector_load %arg8[%get3A_750, %get3A_751] {strides = array<i32>} : memref<200x32xf32, #tpu.memory_space<vmem>>, vector<1x16xf32>,
        %get3A_753 = vector.shape_cast %get3A_752 : vector<1x16xf32> to vector<16xf32>
        %get3A_754 = arith.index_cast %add3A_749 : i32 to index
        %get3A_755 = arith.constant 16 : index
        %get3A_756 = tpu.vector_load %arg8[%get3A_754, %get3A_755] {strides = array<i32>} : memref<200x32xf32, #tpu.memory_space<vmem>>, vector<1x16xf32>,
        %get3A_757 = vector.shape_cast %get3A_756 : vector<1x16xf32> to vector<16xf32>
        %add3A_758 = arith.addf %add3A_734, %get3A_753 : vector<16xf32>
        %add3A_759 = arith.addf %add3A_735, %get3A_757 : vector<16xf32>
        %add3A_760 = arith.constant 5 : i32
        %add3A_761 = arith.addi %mul3A_700, %add3A_760 : i32
        %get3A_762 = arith.index_cast %add3A_761 : i32 to index
        %get3A_763 = arith.constant 0 : index
        %get3A_764 = tpu.vector_load %arg8[%get3A_762, %get3A_763] {strides = array<i32>} : memref<200x32xf32, #tpu.memory_space<vmem>>, vector<1x16xf32>,
        %get3A_765 = vector.shape_cast %get3A_764 : vector<1x16xf32> to vector<16xf32>
        %get3A_766 = arith.index_cast %add3A_761 : i32 to index
        %get3A_767 = arith.constant 16 : index
        %get3A_768 = tpu.vector_load %arg8[%get3A_766, %get3A_767] {strides = array<i32>} : memref<200x32xf32, #tpu.memory_space<vmem>>, vector<1x16xf32>,
        %get3A_769 = vector.shape_cast %get3A_768 : vector<1x16xf32> to vector<16xf32>
        %add3A_770 = arith.addf %add3A_746, %get3A_765 : vector<16xf32>
        %add3A_771 = arith.addf %add3A_747, %get3A_769 : vector<16xf32>
        %add3A_772 = arith.constant 6 : i32
        %add3A_773 = arith.addi %mul3A_700, %add3A_772 : i32
        %get3A_774 = arith.index_cast %add3A_773 : i32 to index
        %get3A_775 = arith.constant 0 : index
        %get3A_776 = tpu.vector_load %arg8[%get3A_774, %get3A_775] {strides = array<i32>} : memref<200x32xf32, #tpu.memory_space<vmem>>, vector<1x16xf32>,
        %get3A_777 = vector.shape_cast %get3A_776 : vector<1x16xf32> to vector<16xf32>
        %get3A_778 = arith.index_cast %add3A_773 : i32 to index
        %get3A_779 = arith.constant 16 : index
        %get3A_780 = tpu.vector_load %arg8[%get3A_778, %get3A_779] {strides = array<i32>} : memref<200x32xf32, #tpu.memory_space<vmem>>, vector<1x16xf32>,
        %get3A_781 = vector.shape_cast %get3A_780 : vector<1x16xf32> to vector<16xf32>
        %add3A_782 = arith.addf %add3A_758, %get3A_777 : vector<16xf32>
        %add3A_783 = arith.addf %add3A_759, %get3A_781 : vector<16xf32>
        %add3A_784 = arith.constant 7 : i32
        %add3A_785 = arith.addi %mul3A_700, %add3A_784 : i32
        %get3A_786 = arith.index_cast %add3A_785 : i32 to index
        %get3A_787 = arith.constant 0 : index
        %get3A_788 = tpu.vector_load %arg8[%get3A_786, %get3A_787] {strides = array<i32>} : memref<200x32xf32, #tpu.memory_space<vmem>>, vector<1x16xf32>,
        %get3A_789 = vector.shape_cast %get3A_788 : vector<1x16xf32> to vector<16xf32>
        %get3A_790 = arith.index_cast %add3A_785 : i32 to index
        %get3A_791 = arith.constant 16 : index
        %get3A_792 = tpu.vector_load %arg8[%get3A_790, %get3A_791] {strides = array<i32>} : memref<200x32xf32, #tpu.memory_space<vmem>>, vector<1x16xf32>,
        %get3A_793 = vector.shape_cast %get3A_792 : vector<1x16xf32> to vector<16xf32>
        %add3A_794 = arith.addf %add3A_770, %get3A_789 : vector<16xf32>
        %add3A_795 = arith.addf %add3A_771, %get3A_793 : vector<16xf32>
        scf.yield %add3A_782, %add3A_783, %add3A_794, %add3A_795 : vector<16xf32>, vector<16xf32>, vector<16xf32>, vector<16xf32>
      }
      %scan3A_436 = arith.constant 25 : i32
      %add3A_437 = arith.addf %scan3A_435#0, %scan3A_435#2 : vector<16xf32>
      %mul3A_438 = arith.constant 5.000000e-03 : f32
      %mul3A_439 = vector.broadcast %mul3A_438 : f32 to vector<16xf32>
      %mul3A_440 = arith.mulf %add3A_437, %mul3A_439 : vector<16xf32>
      %swap3A_441 = arith.index_cast %add3A_421 : i32 to index
      %swap3A_442 = arith.constant 0 : index
      %swap3A_443 = tpu.vector_load %arg14[%swap3A_441, %swap3A_442] {strides = array<i32>} : memref<128x32xf32, #tpu.memory_space<vmem>>, vector<1x16xf32>,
      %swap3A_444 = vector.shape_cast %swap3A_443 : vector<1x16xf32> to vector<16xf32>
      %swap3A_445 = vector.shape_cast %mul3A_440 : vector<16xf32> to vector<1x16xf32>
      tpu.vector_store %arg14[%swap3A_441, %swap3A_442], %swap3A_445 {strides = array<i32>} : memref<128x32xf32, #tpu.memory_space<vmem>>, vector<1x16xf32>,
      %add3A_446 = arith.addf %scan3A_435#1, %scan3A_435#3 : vector<16xf32>
      %mul3A_447 = arith.constant 5.000000e-03 : f32
      %mul3A_448 = vector.broadcast %mul3A_447 : f32 to vector<16xf32>
      %mul3A_449 = arith.mulf %add3A_446, %mul3A_448 : vector<16xf32>
      %swap3A_450 = arith.index_cast %add3A_421 : i32 to index
      %swap3A_451 = arith.constant 16 : index
      %swap3A_452 = tpu.vector_load %arg14[%swap3A_450, %swap3A_451] {strides = array<i32>} : memref<128x32xf32, #tpu.memory_space<vmem>>, vector<1x16xf32>,
      %swap3A_453 = vector.shape_cast %swap3A_452 : vector<1x16xf32> to vector<16xf32>
      %swap3A_454 = vector.shape_cast %mul3A_449 : vector<16xf32> to vector<1x16xf32>
      tpu.vector_store %arg14[%swap3A_450, %swap3A_451], %swap3A_454 {strides = array<i32>} : memref<128x32xf32, #tpu.memory_space<vmem>>, vector<1x16xf32>,
      %add3A_455 = arith.constant 8 : i32
      %add3A_456 = arith.addi %add3A_421, %add3A_455 : i32
      %mul3A_457 = arith.constant 200 : i32
      %mul3A_458 = arith.muli %add3A_456, %mul3A_457 : i32
      %multiple_of3A_459 = tpu.assume_multiple %mul3A_458, 8 : i32
      %dma_start3A_460 = tpu.memref_slice %arg5[%multiple_of3A_459] : memref<25600xi32, #tpu.memory_space<vmem>> -> memref<200xi32, #tpu.memory_space<vmem>>
      %dma_start3A_461 = arith.constant 0 : i32
      %dma_start3A_462 = arith.constant 0 : i32
      %dma_start3A_463 = tpu.memref_slice %arg3[%dma_start3A_461, %dma_start3A_462] : memref<1048576x32xf32, #tpu.memory_space<hbm>> -> memref<1048576x32xf32, #tpu.memory_space<hbm>>
      tpu.enqueue_indirect_dma source(%dma_start3A_463 : memref<1048576x32xf32, #tpu.memory_space<hbm>>) target(%arg8 : memref<200x32xf32, #tpu.memory_space<vmem>>) offsets(%dma_start3A_460 : memref<200xi32, #tpu.memory_space<vmem>>) semaphore(%arg17 : memref<!tpu.dma_semaphore, #tpu.memory_space<semaphore_mem>>)
      %mul3A_464 = arith.constant 8 : i32
      %mul3A_465 = arith.muli %scan3A_325, %mul3A_464 : i32
      %add3A_466 = arith.constant 3 : i32
      %add3A_467 = arith.addi %mul3A_465, %add3A_466 : i32
      %mul3A_468 = arith.constant 200 : i32
      %mul3A_469 = arith.muli %add3A_467, %mul3A_468 : i32
      %multiple_of3A_470 = tpu.assume_multiple %mul3A_469, 8 : i32
      %dma_wait3A_471 = tpu.memref_slice %arg5[%multiple_of3A_470] : memref<25600xi32, #tpu.memory_space<vmem>> -> memref<200xi32, #tpu.memory_space<vmem>>
      %dma_wait3A_472 = arith.constant 0 : i32
      %dma_wait3A_473 = arith.constant 0 : i32
      %dma_wait3A_474 = tpu.memref_slice %arg3[%dma_wait3A_472, %dma_wait3A_473] : memref<1048576x32xf32, #tpu.memory_space<hbm>> -> memref<1048576x32xf32, #tpu.memory_space<hbm>>
      tpu.wait_indirect_dma semaphore(%arg18 : memref<!tpu.dma_semaphore, #tpu.memory_space<semaphore_mem>>) src(%dma_wait3A_474 : memref<1048576x32xf32, #tpu.memory_space<hbm>>) dst(%arg9 : memref<200x32xf32, #tpu.memory_space<vmem>>)
      %broadcast_in_dim3A_475 = arith.constant 0.000000e+00 : f32
      %broadcast_in_dim3A_476 = vector.broadcast %broadcast_in_dim3A_475 : f32 to vector<16xf32>
      %scan3A_477 = arith.constant 0 : i32
      %scan3A_478 = arith.constant 25 : i32
      %scan3A_479 = arith.addi %scan3A_477, %scan3A_478 : i32
      %scan3A_480 = arith.constant 1 : i32
      %scan3A_481:4 = scf.for %scan3A_694 = %scan3A_477 to %scan3A_479 step %scan3A_480 iter_args(%scan3A_695 = %broadcast_in_dim3A_476, %scan3A_696 = %broadcast_in_dim3A_476, %scan3A_697 = %broadcast_in_dim3A_476, %scan3A_698 = %broadcast_in_dim3A_476) -> (vector<16xf32>, vector<16xf32>, vector<16xf32>, vector<16xf32>)  : i32 {
        %mul3A_699 = arith.constant 8 : i32
        %mul3A_700 = arith.muli %scan3A_694, %mul3A_699 : i32
        %add3A_701 = arith.constant 0 : i32
        %add3A_702 = arith.addi %mul3A_700, %add3A_701 : i32
        %get3A = arith.index_cast %add3A_702 : i32 to index
        %get3A_703 = arith.constant 0 : index
        %get3A_704 = tpu.vector_load %arg9[%get3A, %get3A_703] {strides = array<i32>} : memref<200x32xf32, #tpu.memory_space<vmem>>, vector<1x16xf32>,
        %get3A_705 = vector.shape_cast %get3A_704 : vector<1x16xf32> to vector<16xf32>
        %get3A_706 = arith.index_cast %add3A_702 : i32 to index
        %get3A_707 = arith.constant 16 : index
        %get3A_708 = tpu.vector_load %arg9[%get3A_706, %get3A_707] {strides = array<i32>} : memref<200x32xf32, #tpu.memory_space<vmem>>, vector<1x16xf32>,
        %get3A_709 = vector.shape_cast %get3A_708 : vector<1x16xf32> to vector<16xf32>
        %add3A_710 = arith.addf %scan3A_695, %get3A_705 : vector<16xf32>
        %add3A_711 = arith.addf %scan3A_696, %get3A_709 : vector<16xf32>
        %add3A_712 = arith.constant 1 : i32
        %add3A_713 = arith.addi %mul3A_700, %add3A_712 : i32
        %get3A_714 = arith.index_cast %add3A_713 : i32 to index
        %get3A_715 = arith.constant 0 : index
        %get3A_716 = tpu.vector_load %arg9[%get3A_714, %get3A_715] {strides = array<i32>} : memref<200x32xf32, #tpu.memory_space<vmem>>, vector<1x16xf32>,
        %get3A_717 = vector.shape_cast %get3A_716 : vector<1x16xf32> to vector<16xf32>
        %get3A_718 = arith.index_cast %add3A_713 : i32 to index
        %get3A_719 = arith.constant 16 : index
        %get3A_720 = tpu.vector_load %arg9[%get3A_718, %get3A_719] {strides = array<i32>} : memref<200x32xf32, #tpu.memory_space<vmem>>, vector<1x16xf32>,
        %get3A_721 = vector.shape_cast %get3A_720 : vector<1x16xf32> to vector<16xf32>
        %add3A_722 = arith.addf %scan3A_697, %get3A_717 : vector<16xf32>
        %add3A_723 = arith.addf %scan3A_698, %get3A_721 : vector<16xf32>
        %add3A_724 = arith.constant 2 : i32
        %add3A_725 = arith.addi %mul3A_700, %add3A_724 : i32
        %get3A_726 = arith.index_cast %add3A_725 : i32 to index
        %get3A_727 = arith.constant 0 : index
        %get3A_728 = tpu.vector_load %arg9[%get3A_726, %get3A_727] {strides = array<i32>} : memref<200x32xf32, #tpu.memory_space<vmem>>, vector<1x16xf32>,
        %get3A_729 = vector.shape_cast %get3A_728 : vector<1x16xf32> to vector<16xf32>
        %get3A_730 = arith.index_cast %add3A_725 : i32 to index
        %get3A_731 = arith.constant 16 : index
        %get3A_732 = tpu.vector_load %arg9[%get3A_730, %get3A_731] {strides = array<i32>} : memref<200x32xf32, #tpu.memory_space<vmem>>, vector<1x16xf32>,
        %get3A_733 = vector.shape_cast %get3A_732 : vector<1x16xf32> to vector<16xf32>
        %add3A_734 = arith.addf %add3A_710, %get3A_729 : vector<16xf32>
        %add3A_735 = arith.addf %add3A_711, %get3A_733 : vector<16xf32>
        %add3A_736 = arith.constant 3 : i32
        %add3A_737 = arith.addi %mul3A_700, %add3A_736 : i32
        %get3A_738 = arith.index_cast %add3A_737 : i32 to index
        %get3A_739 = arith.constant 0 : index
        %get3A_740 = tpu.vector_load %arg9[%get3A_738, %get3A_739] {strides = array<i32>} : memref<200x32xf32, #tpu.memory_space<vmem>>, vector<1x16xf32>,
        %get3A_741 = vector.shape_cast %get3A_740 : vector<1x16xf32> to vector<16xf32>
        %get3A_742 = arith.index_cast %add3A_737 : i32 to index
        %get3A_743 = arith.constant 16 : index
        %get3A_744 = tpu.vector_load %arg9[%get3A_742, %get3A_743] {strides = array<i32>} : memref<200x32xf32, #tpu.memory_space<vmem>>, vector<1x16xf32>,
        %get3A_745 = vector.shape_cast %get3A_744 : vector<1x16xf32> to vector<16xf32>
        %add3A_746 = arith.addf %add3A_722, %get3A_741 : vector<16xf32>
        %add3A_747 = arith.addf %add3A_723, %get3A_745 : vector<16xf32>
        %add3A_748 = arith.constant 4 : i32
        %add3A_749 = arith.addi %mul3A_700, %add3A_748 : i32
        %get3A_750 = arith.index_cast %add3A_749 : i32 to index
        %get3A_751 = arith.constant 0 : index
        %get3A_752 = tpu.vector_load %arg9[%get3A_750, %get3A_751] {strides = array<i32>} : memref<200x32xf32, #tpu.memory_space<vmem>>, vector<1x16xf32>,
        %get3A_753 = vector.shape_cast %get3A_752 : vector<1x16xf32> to vector<16xf32>
        %get3A_754 = arith.index_cast %add3A_749 : i32 to index
        %get3A_755 = arith.constant 16 : index
        %get3A_756 = tpu.vector_load %arg9[%get3A_754, %get3A_755] {strides = array<i32>} : memref<200x32xf32, #tpu.memory_space<vmem>>, vector<1x16xf32>,
        %get3A_757 = vector.shape_cast %get3A_756 : vector<1x16xf32> to vector<16xf32>
        %add3A_758 = arith.addf %add3A_734, %get3A_753 : vector<16xf32>
        %add3A_759 = arith.addf %add3A_735, %get3A_757 : vector<16xf32>
        %add3A_760 = arith.constant 5 : i32
        %add3A_761 = arith.addi %mul3A_700, %add3A_760 : i32
        %get3A_762 = arith.index_cast %add3A_761 : i32 to index
        %get3A_763 = arith.constant 0 : index
        %get3A_764 = tpu.vector_load %arg9[%get3A_762, %get3A_763] {strides = array<i32>} : memref<200x32xf32, #tpu.memory_space<vmem>>, vector<1x16xf32>,
        %get3A_765 = vector.shape_cast %get3A_764 : vector<1x16xf32> to vector<16xf32>
        %get3A_766 = arith.index_cast %add3A_761 : i32 to index
        %get3A_767 = arith.constant 16 : index
        %get3A_768 = tpu.vector_load %arg9[%get3A_766, %get3A_767] {strides = array<i32>} : memref<200x32xf32, #tpu.memory_space<vmem>>, vector<1x16xf32>,
        %get3A_769 = vector.shape_cast %get3A_768 : vector<1x16xf32> to vector<16xf32>
        %add3A_770 = arith.addf %add3A_746, %get3A_765 : vector<16xf32>
        %add3A_771 = arith.addf %add3A_747, %get3A_769 : vector<16xf32>
        %add3A_772 = arith.constant 6 : i32
        %add3A_773 = arith.addi %mul3A_700, %add3A_772 : i32
        %get3A_774 = arith.index_cast %add3A_773 : i32 to index
        %get3A_775 = arith.constant 0 : index
        %get3A_776 = tpu.vector_load %arg9[%get3A_774, %get3A_775] {strides = array<i32>} : memref<200x32xf32, #tpu.memory_space<vmem>>, vector<1x16xf32>,
        %get3A_777 = vector.shape_cast %get3A_776 : vector<1x16xf32> to vector<16xf32>
        %get3A_778 = arith.index_cast %add3A_773 : i32 to index
        %get3A_779 = arith.constant 16 : index
        %get3A_780 = tpu.vector_load %arg9[%get3A_778, %get3A_779] {strides = array<i32>} : memref<200x32xf32, #tpu.memory_space<vmem>>, vector<1x16xf32>,
        %get3A_781 = vector.shape_cast %get3A_780 : vector<1x16xf32> to vector<16xf32>
        %add3A_782 = arith.addf %add3A_758, %get3A_777 : vector<16xf32>
        %add3A_783 = arith.addf %add3A_759, %get3A_781 : vector<16xf32>
        %add3A_784 = arith.constant 7 : i32
        %add3A_785 = arith.addi %mul3A_700, %add3A_784 : i32
        %get3A_786 = arith.index_cast %add3A_785 : i32 to index
        %get3A_787 = arith.constant 0 : index
        %get3A_788 = tpu.vector_load %arg9[%get3A_786, %get3A_787] {strides = array<i32>} : memref<200x32xf32, #tpu.memory_space<vmem>>, vector<1x16xf32>,
        %get3A_789 = vector.shape_cast %get3A_788 : vector<1x16xf32> to vector<16xf32>
        %get3A_790 = arith.index_cast %add3A_785 : i32 to index
        %get3A_791 = arith.constant 16 : index
        %get3A_792 = tpu.vector_load %arg9[%get3A_790, %get3A_791] {strides = array<i32>} : memref<200x32xf32, #tpu.memory_space<vmem>>, vector<1x16xf32>,
        %get3A_793 = vector.shape_cast %get3A_792 : vector<1x16xf32> to vector<16xf32>
        %add3A_794 = arith.addf %add3A_770, %get3A_789 : vector<16xf32>
        %add3A_795 = arith.addf %add3A_771, %get3A_793 : vector<16xf32>
        scf.yield %add3A_782, %add3A_783, %add3A_794, %add3A_795 : vector<16xf32>, vector<16xf32>, vector<16xf32>, vector<16xf32>
      }
      %scan3A_482 = arith.constant 25 : i32
      %add3A_483 = arith.addf %scan3A_481#0, %scan3A_481#2 : vector<16xf32>
      %mul3A_484 = arith.constant 5.000000e-03 : f32
      %mul3A_485 = vector.broadcast %mul3A_484 : f32 to vector<16xf32>
      %mul3A_486 = arith.mulf %add3A_483, %mul3A_485 : vector<16xf32>
      %swap3A_487 = arith.index_cast %add3A_467 : i32 to index
      %swap3A_488 = arith.constant 0 : index
      %swap3A_489 = tpu.vector_load %arg14[%swap3A_487, %swap3A_488] {strides = array<i32>} : memref<128x32xf32, #tpu.memory_space<vmem>>, vector<1x16xf32>,
      %swap3A_490 = vector.shape_cast %swap3A_489 : vector<1x16xf32> to vector<16xf32>
      %swap3A_491 = vector.shape_cast %mul3A_486 : vector<16xf32> to vector<1x16xf32>
      tpu.vector_store %arg14[%swap3A_487, %swap3A_488], %swap3A_491 {strides = array<i32>} : memref<128x32xf32, #tpu.memory_space<vmem>>, vector<1x16xf32>,
      %add3A_492 = arith.addf %scan3A_481#1, %scan3A_481#3 : vector<16xf32>
      %mul3A_493 = arith.constant 5.000000e-03 : f32
      %mul3A_494 = vector.broadcast %mul3A_493 : f32 to vector<16xf32>
      %mul3A_495 = arith.mulf %add3A_492, %mul3A_494 : vector<16xf32>
      %swap3A_496 = arith.index_cast %add3A_467 : i32 to index
      %swap3A_497 = arith.constant 16 : index
      %swap3A_498 = tpu.vector_load %arg14[%swap3A_496, %swap3A_497] {strides = array<i32>} : memref<128x32xf32, #tpu.memory_space<vmem>>, vector<1x16xf32>,
      %swap3A_499 = vector.shape_cast %swap3A_498 : vector<1x16xf32> to vector<16xf32>
      %swap3A_500 = vector.shape_cast %mul3A_495 : vector<16xf32> to vector<1x16xf32>
      tpu.vector_store %arg14[%swap3A_496, %swap3A_497], %swap3A_500 {strides = array<i32>} : memref<128x32xf32, #tpu.memory_space<vmem>>, vector<1x16xf32>,
      %add3A_501 = arith.constant 8 : i32
      %add3A_502 = arith.addi %add3A_467, %add3A_501 : i32
      %mul3A_503 = arith.constant 200 : i32
      %mul3A_504 = arith.muli %add3A_502, %mul3A_503 : i32
      %multiple_of3A_505 = tpu.assume_multiple %mul3A_504, 8 : i32
      %dma_start3A_506 = tpu.memref_slice %arg5[%multiple_of3A_505] : memref<25600xi32, #tpu.memory_space<vmem>> -> memref<200xi32, #tpu.memory_space<vmem>>
      %dma_start3A_507 = arith.constant 0 : i32
      %dma_start3A_508 = arith.constant 0 : i32
      %dma_start3A_509 = tpu.memref_slice %arg3[%dma_start3A_507, %dma_start3A_508] : memref<1048576x32xf32, #tpu.memory_space<hbm>> -> memref<1048576x32xf32, #tpu.memory_space<hbm>>
      tpu.enqueue_indirect_dma source(%dma_start3A_509 : memref<1048576x32xf32, #tpu.memory_space<hbm>>) target(%arg9 : memref<200x32xf32, #tpu.memory_space<vmem>>) offsets(%dma_start3A_506 : memref<200xi32, #tpu.memory_space<vmem>>) semaphore(%arg18 : memref<!tpu.dma_semaphore, #tpu.memory_space<semaphore_mem>>)
      %mul3A_510 = arith.constant 8 : i32
      %mul3A_511 = arith.muli %scan3A_325, %mul3A_510 : i32
      %add3A_512 = arith.constant 4 : i32
      %add3A_513 = arith.addi %mul3A_511, %add3A_512 : i32
      %mul3A_514 = arith.constant 200 : i32
      %mul3A_515 = arith.muli %add3A_513, %mul3A_514 : i32
      %multiple_of3A_516 = tpu.assume_multiple %mul3A_515, 8 : i32
      %dma_wait3A_517 = tpu.memref_slice %arg5[%multiple_of3A_516] : memref<25600xi32, #tpu.memory_space<vmem>> -> memref<200xi32, #tpu.memory_space<vmem>>
      %dma_wait3A_518 = arith.constant 0 : i32
      %dma_wait3A_519 = arith.constant 0 : i32
      %dma_wait3A_520 = tpu.memref_slice %arg3[%dma_wait3A_518, %dma_wait3A_519] : memref<1048576x32xf32, #tpu.memory_space<hbm>> -> memref<1048576x32xf32, #tpu.memory_space<hbm>>
      tpu.wait_indirect_dma semaphore(%arg19 : memref<!tpu.dma_semaphore, #tpu.memory_space<semaphore_mem>>) src(%dma_wait3A_520 : memref<1048576x32xf32, #tpu.memory_space<hbm>>) dst(%arg10 : memref<200x32xf32, #tpu.memory_space<vmem>>)
      %broadcast_in_dim3A_521 = arith.constant 0.000000e+00 : f32
      %broadcast_in_dim3A_522 = vector.broadcast %broadcast_in_dim3A_521 : f32 to vector<16xf32>
      %scan3A_523 = arith.constant 0 : i32
      %scan3A_524 = arith.constant 25 : i32
      %scan3A_525 = arith.addi %scan3A_523, %scan3A_524 : i32
      %scan3A_526 = arith.constant 1 : i32
      %scan3A_527:4 = scf.for %scan3A_694 = %scan3A_523 to %scan3A_525 step %scan3A_526 iter_args(%scan3A_695 = %broadcast_in_dim3A_522, %scan3A_696 = %broadcast_in_dim3A_522, %scan3A_697 = %broadcast_in_dim3A_522, %scan3A_698 = %broadcast_in_dim3A_522) -> (vector<16xf32>, vector<16xf32>, vector<16xf32>, vector<16xf32>)  : i32 {
        %mul3A_699 = arith.constant 8 : i32
        %mul3A_700 = arith.muli %scan3A_694, %mul3A_699 : i32
        %add3A_701 = arith.constant 0 : i32
        %add3A_702 = arith.addi %mul3A_700, %add3A_701 : i32
        %get3A = arith.index_cast %add3A_702 : i32 to index
        %get3A_703 = arith.constant 0 : index
        %get3A_704 = tpu.vector_load %arg10[%get3A, %get3A_703] {strides = array<i32>} : memref<200x32xf32, #tpu.memory_space<vmem>>, vector<1x16xf32>,
        %get3A_705 = vector.shape_cast %get3A_704 : vector<1x16xf32> to vector<16xf32>
        %get3A_706 = arith.index_cast %add3A_702 : i32 to index
        %get3A_707 = arith.constant 16 : index
        %get3A_708 = tpu.vector_load %arg10[%get3A_706, %get3A_707] {strides = array<i32>} : memref<200x32xf32, #tpu.memory_space<vmem>>, vector<1x16xf32>,
        %get3A_709 = vector.shape_cast %get3A_708 : vector<1x16xf32> to vector<16xf32>
        %add3A_710 = arith.addf %scan3A_695, %get3A_705 : vector<16xf32>
        %add3A_711 = arith.addf %scan3A_696, %get3A_709 : vector<16xf32>
        %add3A_712 = arith.constant 1 : i32
        %add3A_713 = arith.addi %mul3A_700, %add3A_712 : i32
        %get3A_714 = arith.index_cast %add3A_713 : i32 to index
        %get3A_715 = arith.constant 0 : index
        %get3A_716 = tpu.vector_load %arg10[%get3A_714, %get3A_715] {strides = array<i32>} : memref<200x32xf32, #tpu.memory_space<vmem>>, vector<1x16xf32>,
        %get3A_717 = vector.shape_cast %get3A_716 : vector<1x16xf32> to vector<16xf32>
        %get3A_718 = arith.index_cast %add3A_713 : i32 to index
        %get3A_719 = arith.constant 16 : index
        %get3A_720 = tpu.vector_load %arg10[%get3A_718, %get3A_719] {strides = array<i32>} : memref<200x32xf32, #tpu.memory_space<vmem>>, vector<1x16xf32>,
        %get3A_721 = vector.shape_cast %get3A_720 : vector<1x16xf32> to vector<16xf32>
        %add3A_722 = arith.addf %scan3A_697, %get3A_717 : vector<16xf32>
        %add3A_723 = arith.addf %scan3A_698, %get3A_721 : vector<16xf32>
        %add3A_724 = arith.constant 2 : i32
        %add3A_725 = arith.addi %mul3A_700, %add3A_724 : i32
        %get3A_726 = arith.index_cast %add3A_725 : i32 to index
        %get3A_727 = arith.constant 0 : index
        %get3A_728 = tpu.vector_load %arg10[%get3A_726, %get3A_727] {strides = array<i32>} : memref<200x32xf32, #tpu.memory_space<vmem>>, vector<1x16xf32>,
        %get3A_729 = vector.shape_cast %get3A_728 : vector<1x16xf32> to vector<16xf32>
        %get3A_730 = arith.index_cast %add3A_725 : i32 to index
        %get3A_731 = arith.constant 16 : index
        %get3A_732 = tpu.vector_load %arg10[%get3A_730, %get3A_731] {strides = array<i32>} : memref<200x32xf32, #tpu.memory_space<vmem>>, vector<1x16xf32>,
        %get3A_733 = vector.shape_cast %get3A_732 : vector<1x16xf32> to vector<16xf32>
        %add3A_734 = arith.addf %add3A_710, %get3A_729 : vector<16xf32>
        %add3A_735 = arith.addf %add3A_711, %get3A_733 : vector<16xf32>
        %add3A_736 = arith.constant 3 : i32
        %add3A_737 = arith.addi %mul3A_700, %add3A_736 : i32
        %get3A_738 = arith.index_cast %add3A_737 : i32 to index
        %get3A_739 = arith.constant 0 : index
        %get3A_740 = tpu.vector_load %arg10[%get3A_738, %get3A_739] {strides = array<i32>} : memref<200x32xf32, #tpu.memory_space<vmem>>, vector<1x16xf32>,
        %get3A_741 = vector.shape_cast %get3A_740 : vector<1x16xf32> to vector<16xf32>
        %get3A_742 = arith.index_cast %add3A_737 : i32 to index
        %get3A_743 = arith.constant 16 : index
        %get3A_744 = tpu.vector_load %arg10[%get3A_742, %get3A_743] {strides = array<i32>} : memref<200x32xf32, #tpu.memory_space<vmem>>, vector<1x16xf32>,
        %get3A_745 = vector.shape_cast %get3A_744 : vector<1x16xf32> to vector<16xf32>
        %add3A_746 = arith.addf %add3A_722, %get3A_741 : vector<16xf32>
        %add3A_747 = arith.addf %add3A_723, %get3A_745 : vector<16xf32>
        %add3A_748 = arith.constant 4 : i32
        %add3A_749 = arith.addi %mul3A_700, %add3A_748 : i32
        %get3A_750 = arith.index_cast %add3A_749 : i32 to index
        %get3A_751 = arith.constant 0 : index
        %get3A_752 = tpu.vector_load %arg10[%get3A_750, %get3A_751] {strides = array<i32>} : memref<200x32xf32, #tpu.memory_space<vmem>>, vector<1x16xf32>,
        %get3A_753 = vector.shape_cast %get3A_752 : vector<1x16xf32> to vector<16xf32>
        %get3A_754 = arith.index_cast %add3A_749 : i32 to index
        %get3A_755 = arith.constant 16 : index
        %get3A_756 = tpu.vector_load %arg10[%get3A_754, %get3A_755] {strides = array<i32>} : memref<200x32xf32, #tpu.memory_space<vmem>>, vector<1x16xf32>,
        %get3A_757 = vector.shape_cast %get3A_756 : vector<1x16xf32> to vector<16xf32>
        %add3A_758 = arith.addf %add3A_734, %get3A_753 : vector<16xf32>
        %add3A_759 = arith.addf %add3A_735, %get3A_757 : vector<16xf32>
        %add3A_760 = arith.constant 5 : i32
        %add3A_761 = arith.addi %mul3A_700, %add3A_760 : i32
        %get3A_762 = arith.index_cast %add3A_761 : i32 to index
        %get3A_763 = arith.constant 0 : index
        %get3A_764 = tpu.vector_load %arg10[%get3A_762, %get3A_763] {strides = array<i32>} : memref<200x32xf32, #tpu.memory_space<vmem>>, vector<1x16xf32>,
        %get3A_765 = vector.shape_cast %get3A_764 : vector<1x16xf32> to vector<16xf32>
        %get3A_766 = arith.index_cast %add3A_761 : i32 to index
        %get3A_767 = arith.constant 16 : index
        %get3A_768 = tpu.vector_load %arg10[%get3A_766, %get3A_767] {strides = array<i32>} : memref<200x32xf32, #tpu.memory_space<vmem>>, vector<1x16xf32>,
        %get3A_769 = vector.shape_cast %get3A_768 : vector<1x16xf32> to vector<16xf32>
        %add3A_770 = arith.addf %add3A_746, %get3A_765 : vector<16xf32>
        %add3A_771 = arith.addf %add3A_747, %get3A_769 : vector<16xf32>
        %add3A_772 = arith.constant 6 : i32
        %add3A_773 = arith.addi %mul3A_700, %add3A_772 : i32
        %get3A_774 = arith.index_cast %add3A_773 : i32 to index
        %get3A_775 = arith.constant 0 : index
        %get3A_776 = tpu.vector_load %arg10[%get3A_774, %get3A_775] {strides = array<i32>} : memref<200x32xf32, #tpu.memory_space<vmem>>, vector<1x16xf32>,
        %get3A_777 = vector.shape_cast %get3A_776 : vector<1x16xf32> to vector<16xf32>
        %get3A_778 = arith.index_cast %add3A_773 : i32 to index
        %get3A_779 = arith.constant 16 : index
        %get3A_780 = tpu.vector_load %arg10[%get3A_778, %get3A_779] {strides = array<i32>} : memref<200x32xf32, #tpu.memory_space<vmem>>, vector<1x16xf32>,
        %get3A_781 = vector.shape_cast %get3A_780 : vector<1x16xf32> to vector<16xf32>
        %add3A_782 = arith.addf %add3A_758, %get3A_777 : vector<16xf32>
        %add3A_783 = arith.addf %add3A_759, %get3A_781 : vector<16xf32>
        %add3A_784 = arith.constant 7 : i32
        %add3A_785 = arith.addi %mul3A_700, %add3A_784 : i32
        %get3A_786 = arith.index_cast %add3A_785 : i32 to index
        %get3A_787 = arith.constant 0 : index
        %get3A_788 = tpu.vector_load %arg10[%get3A_786, %get3A_787] {strides = array<i32>} : memref<200x32xf32, #tpu.memory_space<vmem>>, vector<1x16xf32>,
        %get3A_789 = vector.shape_cast %get3A_788 : vector<1x16xf32> to vector<16xf32>
        %get3A_790 = arith.index_cast %add3A_785 : i32 to index
        %get3A_791 = arith.constant 16 : index
        %get3A_792 = tpu.vector_load %arg10[%get3A_790, %get3A_791] {strides = array<i32>} : memref<200x32xf32, #tpu.memory_space<vmem>>, vector<1x16xf32>,
        %get3A_793 = vector.shape_cast %get3A_792 : vector<1x16xf32> to vector<16xf32>
        %add3A_794 = arith.addf %add3A_770, %get3A_789 : vector<16xf32>
        %add3A_795 = arith.addf %add3A_771, %get3A_793 : vector<16xf32>
        scf.yield %add3A_782, %add3A_783, %add3A_794, %add3A_795 : vector<16xf32>, vector<16xf32>, vector<16xf32>, vector<16xf32>
      }
      %scan3A_528 = arith.constant 25 : i32
      %add3A_529 = arith.addf %scan3A_527#0, %scan3A_527#2 : vector<16xf32>
      %mul3A_530 = arith.constant 5.000000e-03 : f32
      %mul3A_531 = vector.broadcast %mul3A_530 : f32 to vector<16xf32>
      %mul3A_532 = arith.mulf %add3A_529, %mul3A_531 : vector<16xf32>
      %swap3A_533 = arith.index_cast %add3A_513 : i32 to index
      %swap3A_534 = arith.constant 0 : index
      %swap3A_535 = tpu.vector_load %arg14[%swap3A_533, %swap3A_534] {strides = array<i32>} : memref<128x32xf32, #tpu.memory_space<vmem>>, vector<1x16xf32>,
      %swap3A_536 = vector.shape_cast %swap3A_535 : vector<1x16xf32> to vector<16xf32>
      %swap3A_537 = vector.shape_cast %mul3A_532 : vector<16xf32> to vector<1x16xf32>
      tpu.vector_store %arg14[%swap3A_533, %swap3A_534], %swap3A_537 {strides = array<i32>} : memref<128x32xf32, #tpu.memory_space<vmem>>, vector<1x16xf32>,
      %add3A_538 = arith.addf %scan3A_527#1, %scan3A_527#3 : vector<16xf32>
      %mul3A_539 = arith.constant 5.000000e-03 : f32
      %mul3A_540 = vector.broadcast %mul3A_539 : f32 to vector<16xf32>
      %mul3A_541 = arith.mulf %add3A_538, %mul3A_540 : vector<16xf32>
      %swap3A_542 = arith.index_cast %add3A_513 : i32 to index
      %swap3A_543 = arith.constant 16 : index
      %swap3A_544 = tpu.vector_load %arg14[%swap3A_542, %swap3A_543] {strides = array<i32>} : memref<128x32xf32, #tpu.memory_space<vmem>>, vector<1x16xf32>,
      %swap3A_545 = vector.shape_cast %swap3A_544 : vector<1x16xf32> to vector<16xf32>
      %swap3A_546 = vector.shape_cast %mul3A_541 : vector<16xf32> to vector<1x16xf32>
      tpu.vector_store %arg14[%swap3A_542, %swap3A_543], %swap3A_546 {strides = array<i32>} : memref<128x32xf32, #tpu.memory_space<vmem>>, vector<1x16xf32>,
      %add3A_547 = arith.constant 8 : i32
      %add3A_548 = arith.addi %add3A_513, %add3A_547 : i32
      %mul3A_549 = arith.constant 200 : i32
      %mul3A_550 = arith.muli %add3A_548, %mul3A_549 : i32
      %multiple_of3A_551 = tpu.assume_multiple %mul3A_550, 8 : i32
      %dma_start3A_552 = tpu.memref_slice %arg5[%multiple_of3A_551] : memref<25600xi32, #tpu.memory_space<vmem>> -> memref<200xi32, #tpu.memory_space<vmem>>
      %dma_start3A_553 = arith.constant 0 : i32
      %dma_start3A_554 = arith.constant 0 : i32
      %dma_start3A_555 = tpu.memref_slice %arg3[%dma_start3A_553, %dma_start3A_554] : memref<1048576x32xf32, #tpu.memory_space<hbm>> -> memref<1048576x32xf32, #tpu.memory_space<hbm>>
      tpu.enqueue_indirect_dma source(%dma_start3A_555 : memref<1048576x32xf32, #tpu.memory_space<hbm>>) target(%arg10 : memref<200x32xf32, #tpu.memory_space<vmem>>) offsets(%dma_start3A_552 : memref<200xi32, #tpu.memory_space<vmem>>) semaphore(%arg19 : memref<!tpu.dma_semaphore, #tpu.memory_space<semaphore_mem>>)
      %mul3A_556 = arith.constant 8 : i32
      %mul3A_557 = arith.muli %scan3A_325, %mul3A_556 : i32
      %add3A_558 = arith.constant 5 : i32
      %add3A_559 = arith.addi %mul3A_557, %add3A_558 : i32
      %mul3A_560 = arith.constant 200 : i32
      %mul3A_561 = arith.muli %add3A_559, %mul3A_560 : i32
      %multiple_of3A_562 = tpu.assume_multiple %mul3A_561, 8 : i32
      %dma_wait3A_563 = tpu.memref_slice %arg5[%multiple_of3A_562] : memref<25600xi32, #tpu.memory_space<vmem>> -> memref<200xi32, #tpu.memory_space<vmem>>
      %dma_wait3A_564 = arith.constant 0 : i32
      %dma_wait3A_565 = arith.constant 0 : i32
      %dma_wait3A_566 = tpu.memref_slice %arg3[%dma_wait3A_564, %dma_wait3A_565] : memref<1048576x32xf32, #tpu.memory_space<hbm>> -> memref<1048576x32xf32, #tpu.memory_space<hbm>>
      tpu.wait_indirect_dma semaphore(%arg20 : memref<!tpu.dma_semaphore, #tpu.memory_space<semaphore_mem>>) src(%dma_wait3A_566 : memref<1048576x32xf32, #tpu.memory_space<hbm>>) dst(%arg11 : memref<200x32xf32, #tpu.memory_space<vmem>>)
      %broadcast_in_dim3A_567 = arith.constant 0.000000e+00 : f32
      %broadcast_in_dim3A_568 = vector.broadcast %broadcast_in_dim3A_567 : f32 to vector<16xf32>
      %scan3A_569 = arith.constant 0 : i32
      %scan3A_570 = arith.constant 25 : i32
      %scan3A_571 = arith.addi %scan3A_569, %scan3A_570 : i32
      %scan3A_572 = arith.constant 1 : i32
      %scan3A_573:4 = scf.for %scan3A_694 = %scan3A_569 to %scan3A_571 step %scan3A_572 iter_args(%scan3A_695 = %broadcast_in_dim3A_568, %scan3A_696 = %broadcast_in_dim3A_568, %scan3A_697 = %broadcast_in_dim3A_568, %scan3A_698 = %broadcast_in_dim3A_568) -> (vector<16xf32>, vector<16xf32>, vector<16xf32>, vector<16xf32>)  : i32 {
        %mul3A_699 = arith.constant 8 : i32
        %mul3A_700 = arith.muli %scan3A_694, %mul3A_699 : i32
        %add3A_701 = arith.constant 0 : i32
        %add3A_702 = arith.addi %mul3A_700, %add3A_701 : i32
        %get3A = arith.index_cast %add3A_702 : i32 to index
        %get3A_703 = arith.constant 0 : index
        %get3A_704 = tpu.vector_load %arg11[%get3A, %get3A_703] {strides = array<i32>} : memref<200x32xf32, #tpu.memory_space<vmem>>, vector<1x16xf32>,
        %get3A_705 = vector.shape_cast %get3A_704 : vector<1x16xf32> to vector<16xf32>
        %get3A_706 = arith.index_cast %add3A_702 : i32 to index
        %get3A_707 = arith.constant 16 : index
        %get3A_708 = tpu.vector_load %arg11[%get3A_706, %get3A_707] {strides = array<i32>} : memref<200x32xf32, #tpu.memory_space<vmem>>, vector<1x16xf32>,
        %get3A_709 = vector.shape_cast %get3A_708 : vector<1x16xf32> to vector<16xf32>
        %add3A_710 = arith.addf %scan3A_695, %get3A_705 : vector<16xf32>
        %add3A_711 = arith.addf %scan3A_696, %get3A_709 : vector<16xf32>
        %add3A_712 = arith.constant 1 : i32
        %add3A_713 = arith.addi %mul3A_700, %add3A_712 : i32
        %get3A_714 = arith.index_cast %add3A_713 : i32 to index
        %get3A_715 = arith.constant 0 : index
        %get3A_716 = tpu.vector_load %arg11[%get3A_714, %get3A_715] {strides = array<i32>} : memref<200x32xf32, #tpu.memory_space<vmem>>, vector<1x16xf32>,
        %get3A_717 = vector.shape_cast %get3A_716 : vector<1x16xf32> to vector<16xf32>
        %get3A_718 = arith.index_cast %add3A_713 : i32 to index
        %get3A_719 = arith.constant 16 : index
        %get3A_720 = tpu.vector_load %arg11[%get3A_718, %get3A_719] {strides = array<i32>} : memref<200x32xf32, #tpu.memory_space<vmem>>, vector<1x16xf32>,
        %get3A_721 = vector.shape_cast %get3A_720 : vector<1x16xf32> to vector<16xf32>
        %add3A_722 = arith.addf %scan3A_697, %get3A_717 : vector<16xf32>
        %add3A_723 = arith.addf %scan3A_698, %get3A_721 : vector<16xf32>
        %add3A_724 = arith.constant 2 : i32
        %add3A_725 = arith.addi %mul3A_700, %add3A_724 : i32
        %get3A_726 = arith.index_cast %add3A_725 : i32 to index
        %get3A_727 = arith.constant 0 : index
        %get3A_728 = tpu.vector_load %arg11[%get3A_726, %get3A_727] {strides = array<i32>} : memref<200x32xf32, #tpu.memory_space<vmem>>, vector<1x16xf32>,
        %get3A_729 = vector.shape_cast %get3A_728 : vector<1x16xf32> to vector<16xf32>
        %get3A_730 = arith.index_cast %add3A_725 : i32 to index
        %get3A_731 = arith.constant 16 : index
        %get3A_732 = tpu.vector_load %arg11[%get3A_730, %get3A_731] {strides = array<i32>} : memref<200x32xf32, #tpu.memory_space<vmem>>, vector<1x16xf32>,
        %get3A_733 = vector.shape_cast %get3A_732 : vector<1x16xf32> to vector<16xf32>
        %add3A_734 = arith.addf %add3A_710, %get3A_729 : vector<16xf32>
        %add3A_735 = arith.addf %add3A_711, %get3A_733 : vector<16xf32>
        %add3A_736 = arith.constant 3 : i32
        %add3A_737 = arith.addi %mul3A_700, %add3A_736 : i32
        %get3A_738 = arith.index_cast %add3A_737 : i32 to index
        %get3A_739 = arith.constant 0 : index
        %get3A_740 = tpu.vector_load %arg11[%get3A_738, %get3A_739] {strides = array<i32>} : memref<200x32xf32, #tpu.memory_space<vmem>>, vector<1x16xf32>,
        %get3A_741 = vector.shape_cast %get3A_740 : vector<1x16xf32> to vector<16xf32>
        %get3A_742 = arith.index_cast %add3A_737 : i32 to index
        %get3A_743 = arith.constant 16 : index
        %get3A_744 = tpu.vector_load %arg11[%get3A_742, %get3A_743] {strides = array<i32>} : memref<200x32xf32, #tpu.memory_space<vmem>>, vector<1x16xf32>,
        %get3A_745 = vector.shape_cast %get3A_744 : vector<1x16xf32> to vector<16xf32>
        %add3A_746 = arith.addf %add3A_722, %get3A_741 : vector<16xf32>
        %add3A_747 = arith.addf %add3A_723, %get3A_745 : vector<16xf32>
        %add3A_748 = arith.constant 4 : i32
        %add3A_749 = arith.addi %mul3A_700, %add3A_748 : i32
        %get3A_750 = arith.index_cast %add3A_749 : i32 to index
        %get3A_751 = arith.constant 0 : index
        %get3A_752 = tpu.vector_load %arg11[%get3A_750, %get3A_751] {strides = array<i32>} : memref<200x32xf32, #tpu.memory_space<vmem>>, vector<1x16xf32>,
        %get3A_753 = vector.shape_cast %get3A_752 : vector<1x16xf32> to vector<16xf32>
        %get3A_754 = arith.index_cast %add3A_749 : i32 to index
        %get3A_755 = arith.constant 16 : index
        %get3A_756 = tpu.vector_load %arg11[%get3A_754, %get3A_755] {strides = array<i32>} : memref<200x32xf32, #tpu.memory_space<vmem>>, vector<1x16xf32>,
        %get3A_757 = vector.shape_cast %get3A_756 : vector<1x16xf32> to vector<16xf32>
        %add3A_758 = arith.addf %add3A_734, %get3A_753 : vector<16xf32>
        %add3A_759 = arith.addf %add3A_735, %get3A_757 : vector<16xf32>
        %add3A_760 = arith.constant 5 : i32
        %add3A_761 = arith.addi %mul3A_700, %add3A_760 : i32
        %get3A_762 = arith.index_cast %add3A_761 : i32 to index
        %get3A_763 = arith.constant 0 : index
        %get3A_764 = tpu.vector_load %arg11[%get3A_762, %get3A_763] {strides = array<i32>} : memref<200x32xf32, #tpu.memory_space<vmem>>, vector<1x16xf32>,
        %get3A_765 = vector.shape_cast %get3A_764 : vector<1x16xf32> to vector<16xf32>
        %get3A_766 = arith.index_cast %add3A_761 : i32 to index
        %get3A_767 = arith.constant 16 : index
        %get3A_768 = tpu.vector_load %arg11[%get3A_766, %get3A_767] {strides = array<i32>} : memref<200x32xf32, #tpu.memory_space<vmem>>, vector<1x16xf32>,
        %get3A_769 = vector.shape_cast %get3A_768 : vector<1x16xf32> to vector<16xf32>
        %add3A_770 = arith.addf %add3A_746, %get3A_765 : vector<16xf32>
        %add3A_771 = arith.addf %add3A_747, %get3A_769 : vector<16xf32>
        %add3A_772 = arith.constant 6 : i32
        %add3A_773 = arith.addi %mul3A_700, %add3A_772 : i32
        %get3A_774 = arith.index_cast %add3A_773 : i32 to index
        %get3A_775 = arith.constant 0 : index
        %get3A_776 = tpu.vector_load %arg11[%get3A_774, %get3A_775] {strides = array<i32>} : memref<200x32xf32, #tpu.memory_space<vmem>>, vector<1x16xf32>,
        %get3A_777 = vector.shape_cast %get3A_776 : vector<1x16xf32> to vector<16xf32>
        %get3A_778 = arith.index_cast %add3A_773 : i32 to index
        %get3A_779 = arith.constant 16 : index
        %get3A_780 = tpu.vector_load %arg11[%get3A_778, %get3A_779] {strides = array<i32>} : memref<200x32xf32, #tpu.memory_space<vmem>>, vector<1x16xf32>,
        %get3A_781 = vector.shape_cast %get3A_780 : vector<1x16xf32> to vector<16xf32>
        %add3A_782 = arith.addf %add3A_758, %get3A_777 : vector<16xf32>
        %add3A_783 = arith.addf %add3A_759, %get3A_781 : vector<16xf32>
        %add3A_784 = arith.constant 7 : i32
        %add3A_785 = arith.addi %mul3A_700, %add3A_784 : i32
        %get3A_786 = arith.index_cast %add3A_785 : i32 to index
        %get3A_787 = arith.constant 0 : index
        %get3A_788 = tpu.vector_load %arg11[%get3A_786, %get3A_787] {strides = array<i32>} : memref<200x32xf32, #tpu.memory_space<vmem>>, vector<1x16xf32>,
        %get3A_789 = vector.shape_cast %get3A_788 : vector<1x16xf32> to vector<16xf32>
        %get3A_790 = arith.index_cast %add3A_785 : i32 to index
        %get3A_791 = arith.constant 16 : index
        %get3A_792 = tpu.vector_load %arg11[%get3A_790, %get3A_791] {strides = array<i32>} : memref<200x32xf32, #tpu.memory_space<vmem>>, vector<1x16xf32>,
        %get3A_793 = vector.shape_cast %get3A_792 : vector<1x16xf32> to vector<16xf32>
        %add3A_794 = arith.addf %add3A_770, %get3A_789 : vector<16xf32>
        %add3A_795 = arith.addf %add3A_771, %get3A_793 : vector<16xf32>
        scf.yield %add3A_782, %add3A_783, %add3A_794, %add3A_795 : vector<16xf32>, vector<16xf32>, vector<16xf32>, vector<16xf32>
      }
      %scan3A_574 = arith.constant 25 : i32
      %add3A_575 = arith.addf %scan3A_573#0, %scan3A_573#2 : vector<16xf32>
      %mul3A_576 = arith.constant 5.000000e-03 : f32
      %mul3A_577 = vector.broadcast %mul3A_576 : f32 to vector<16xf32>
      %mul3A_578 = arith.mulf %add3A_575, %mul3A_577 : vector<16xf32>
      %swap3A_579 = arith.index_cast %add3A_559 : i32 to index
      %swap3A_580 = arith.constant 0 : index
      %swap3A_581 = tpu.vector_load %arg14[%swap3A_579, %swap3A_580] {strides = array<i32>} : memref<128x32xf32, #tpu.memory_space<vmem>>, vector<1x16xf32>,
      %swap3A_582 = vector.shape_cast %swap3A_581 : vector<1x16xf32> to vector<16xf32>
      %swap3A_583 = vector.shape_cast %mul3A_578 : vector<16xf32> to vector<1x16xf32>
      tpu.vector_store %arg14[%swap3A_579, %swap3A_580], %swap3A_583 {strides = array<i32>} : memref<128x32xf32, #tpu.memory_space<vmem>>, vector<1x16xf32>,
      %add3A_584 = arith.addf %scan3A_573#1, %scan3A_573#3 : vector<16xf32>
      %mul3A_585 = arith.constant 5.000000e-03 : f32
      %mul3A_586 = vector.broadcast %mul3A_585 : f32 to vector<16xf32>
      %mul3A_587 = arith.mulf %add3A_584, %mul3A_586 : vector<16xf32>
      %swap3A_588 = arith.index_cast %add3A_559 : i32 to index
      %swap3A_589 = arith.constant 16 : index
      %swap3A_590 = tpu.vector_load %arg14[%swap3A_588, %swap3A_589] {strides = array<i32>} : memref<128x32xf32, #tpu.memory_space<vmem>>, vector<1x16xf32>,
      %swap3A_591 = vector.shape_cast %swap3A_590 : vector<1x16xf32> to vector<16xf32>
      %swap3A_592 = vector.shape_cast %mul3A_587 : vector<16xf32> to vector<1x16xf32>
      tpu.vector_store %arg14[%swap3A_588, %swap3A_589], %swap3A_592 {strides = array<i32>} : memref<128x32xf32, #tpu.memory_space<vmem>>, vector<1x16xf32>,
      %add3A_593 = arith.constant 8 : i32
      %add3A_594 = arith.addi %add3A_559, %add3A_593 : i32
      %mul3A_595 = arith.constant 200 : i32
      %mul3A_596 = arith.muli %add3A_594, %mul3A_595 : i32
      %multiple_of3A_597 = tpu.assume_multiple %mul3A_596, 8 : i32
      %dma_start3A_598 = tpu.memref_slice %arg5[%multiple_of3A_597] : memref<25600xi32, #tpu.memory_space<vmem>> -> memref<200xi32, #tpu.memory_space<vmem>>
      %dma_start3A_599 = arith.constant 0 : i32
      %dma_start3A_600 = arith.constant 0 : i32
      %dma_start3A_601 = tpu.memref_slice %arg3[%dma_start3A_599, %dma_start3A_600] : memref<1048576x32xf32, #tpu.memory_space<hbm>> -> memref<1048576x32xf32, #tpu.memory_space<hbm>>
      tpu.enqueue_indirect_dma source(%dma_start3A_601 : memref<1048576x32xf32, #tpu.memory_space<hbm>>) target(%arg11 : memref<200x32xf32, #tpu.memory_space<vmem>>) offsets(%dma_start3A_598 : memref<200xi32, #tpu.memory_space<vmem>>) semaphore(%arg20 : memref<!tpu.dma_semaphore, #tpu.memory_space<semaphore_mem>>)
      %mul3A_602 = arith.constant 8 : i32
      %mul3A_603 = arith.muli %scan3A_325, %mul3A_602 : i32
      %add3A_604 = arith.constant 6 : i32
      %add3A_605 = arith.addi %mul3A_603, %add3A_604 : i32
      %mul3A_606 = arith.constant 200 : i32
      %mul3A_607 = arith.muli %add3A_605, %mul3A_606 : i32
      %multiple_of3A_608 = tpu.assume_multiple %mul3A_607, 8 : i32
      %dma_wait3A_609 = tpu.memref_slice %arg5[%multiple_of3A_608] : memref<25600xi32, #tpu.memory_space<vmem>> -> memref<200xi32, #tpu.memory_space<vmem>>
      %dma_wait3A_610 = arith.constant 0 : i32
      %dma_wait3A_611 = arith.constant 0 : i32
      %dma_wait3A_612 = tpu.memref_slice %arg3[%dma_wait3A_610, %dma_wait3A_611] : memref<1048576x32xf32, #tpu.memory_space<hbm>> -> memref<1048576x32xf32, #tpu.memory_space<hbm>>
      tpu.wait_indirect_dma semaphore(%arg21 : memref<!tpu.dma_semaphore, #tpu.memory_space<semaphore_mem>>) src(%dma_wait3A_612 : memref<1048576x32xf32, #tpu.memory_space<hbm>>) dst(%arg12 : memref<200x32xf32, #tpu.memory_space<vmem>>)
      %broadcast_in_dim3A_613 = arith.constant 0.000000e+00 : f32
      %broadcast_in_dim3A_614 = vector.broadcast %broadcast_in_dim3A_613 : f32 to vector<16xf32>
      %scan3A_615 = arith.constant 0 : i32
      %scan3A_616 = arith.constant 25 : i32
      %scan3A_617 = arith.addi %scan3A_615, %scan3A_616 : i32
      %scan3A_618 = arith.constant 1 : i32
      %scan3A_619:4 = scf.for %scan3A_694 = %scan3A_615 to %scan3A_617 step %scan3A_618 iter_args(%scan3A_695 = %broadcast_in_dim3A_614, %scan3A_696 = %broadcast_in_dim3A_614, %scan3A_697 = %broadcast_in_dim3A_614, %scan3A_698 = %broadcast_in_dim3A_614) -> (vector<16xf32>, vector<16xf32>, vector<16xf32>, vector<16xf32>)  : i32 {
        %mul3A_699 = arith.constant 8 : i32
        %mul3A_700 = arith.muli %scan3A_694, %mul3A_699 : i32
        %add3A_701 = arith.constant 0 : i32
        %add3A_702 = arith.addi %mul3A_700, %add3A_701 : i32
        %get3A = arith.index_cast %add3A_702 : i32 to index
        %get3A_703 = arith.constant 0 : index
        %get3A_704 = tpu.vector_load %arg12[%get3A, %get3A_703] {strides = array<i32>} : memref<200x32xf32, #tpu.memory_space<vmem>>, vector<1x16xf32>,
        %get3A_705 = vector.shape_cast %get3A_704 : vector<1x16xf32> to vector<16xf32>
        %get3A_706 = arith.index_cast %add3A_702 : i32 to index
        %get3A_707 = arith.constant 16 : index
        %get3A_708 = tpu.vector_load %arg12[%get3A_706, %get3A_707] {strides = array<i32>} : memref<200x32xf32, #tpu.memory_space<vmem>>, vector<1x16xf32>,
        %get3A_709 = vector.shape_cast %get3A_708 : vector<1x16xf32> to vector<16xf32>
        %add3A_710 = arith.addf %scan3A_695, %get3A_705 : vector<16xf32>
        %add3A_711 = arith.addf %scan3A_696, %get3A_709 : vector<16xf32>
        %add3A_712 = arith.constant 1 : i32
        %add3A_713 = arith.addi %mul3A_700, %add3A_712 : i32
        %get3A_714 = arith.index_cast %add3A_713 : i32 to index
        %get3A_715 = arith.constant 0 : index
        %get3A_716 = tpu.vector_load %arg12[%get3A_714, %get3A_715] {strides = array<i32>} : memref<200x32xf32, #tpu.memory_space<vmem>>, vector<1x16xf32>,
        %get3A_717 = vector.shape_cast %get3A_716 : vector<1x16xf32> to vector<16xf32>
        %get3A_718 = arith.index_cast %add3A_713 : i32 to index
        %get3A_719 = arith.constant 16 : index
        %get3A_720 = tpu.vector_load %arg12[%get3A_718, %get3A_719] {strides = array<i32>} : memref<200x32xf32, #tpu.memory_space<vmem>>, vector<1x16xf32>,
        %get3A_721 = vector.shape_cast %get3A_720 : vector<1x16xf32> to vector<16xf32>
        %add3A_722 = arith.addf %scan3A_697, %get3A_717 : vector<16xf32>
        %add3A_723 = arith.addf %scan3A_698, %get3A_721 : vector<16xf32>
        %add3A_724 = arith.constant 2 : i32
        %add3A_725 = arith.addi %mul3A_700, %add3A_724 : i32
        %get3A_726 = arith.index_cast %add3A_725 : i32 to index
        %get3A_727 = arith.constant 0 : index
        %get3A_728 = tpu.vector_load %arg12[%get3A_726, %get3A_727] {strides = array<i32>} : memref<200x32xf32, #tpu.memory_space<vmem>>, vector<1x16xf32>,
        %get3A_729 = vector.shape_cast %get3A_728 : vector<1x16xf32> to vector<16xf32>
        %get3A_730 = arith.index_cast %add3A_725 : i32 to index
        %get3A_731 = arith.constant 16 : index
        %get3A_732 = tpu.vector_load %arg12[%get3A_730, %get3A_731] {strides = array<i32>} : memref<200x32xf32, #tpu.memory_space<vmem>>, vector<1x16xf32>,
        %get3A_733 = vector.shape_cast %get3A_732 : vector<1x16xf32> to vector<16xf32>
        %add3A_734 = arith.addf %add3A_710, %get3A_729 : vector<16xf32>
        %add3A_735 = arith.addf %add3A_711, %get3A_733 : vector<16xf32>
        %add3A_736 = arith.constant 3 : i32
        %add3A_737 = arith.addi %mul3A_700, %add3A_736 : i32
        %get3A_738 = arith.index_cast %add3A_737 : i32 to index
        %get3A_739 = arith.constant 0 : index
        %get3A_740 = tpu.vector_load %arg12[%get3A_738, %get3A_739] {strides = array<i32>} : memref<200x32xf32, #tpu.memory_space<vmem>>, vector<1x16xf32>,
        %get3A_741 = vector.shape_cast %get3A_740 : vector<1x16xf32> to vector<16xf32>
        %get3A_742 = arith.index_cast %add3A_737 : i32 to index
        %get3A_743 = arith.constant 16 : index
        %get3A_744 = tpu.vector_load %arg12[%get3A_742, %get3A_743] {strides = array<i32>} : memref<200x32xf32, #tpu.memory_space<vmem>>, vector<1x16xf32>,
        %get3A_745 = vector.shape_cast %get3A_744 : vector<1x16xf32> to vector<16xf32>
        %add3A_746 = arith.addf %add3A_722, %get3A_741 : vector<16xf32>
        %add3A_747 = arith.addf %add3A_723, %get3A_745 : vector<16xf32>
        %add3A_748 = arith.constant 4 : i32
        %add3A_749 = arith.addi %mul3A_700, %add3A_748 : i32
        %get3A_750 = arith.index_cast %add3A_749 : i32 to index
        %get3A_751 = arith.constant 0 : index
        %get3A_752 = tpu.vector_load %arg12[%get3A_750, %get3A_751] {strides = array<i32>} : memref<200x32xf32, #tpu.memory_space<vmem>>, vector<1x16xf32>,
        %get3A_753 = vector.shape_cast %get3A_752 : vector<1x16xf32> to vector<16xf32>
        %get3A_754 = arith.index_cast %add3A_749 : i32 to index
        %get3A_755 = arith.constant 16 : index
        %get3A_756 = tpu.vector_load %arg12[%get3A_754, %get3A_755] {strides = array<i32>} : memref<200x32xf32, #tpu.memory_space<vmem>>, vector<1x16xf32>,
        %get3A_757 = vector.shape_cast %get3A_756 : vector<1x16xf32> to vector<16xf32>
        %add3A_758 = arith.addf %add3A_734, %get3A_753 : vector<16xf32>
        %add3A_759 = arith.addf %add3A_735, %get3A_757 : vector<16xf32>
        %add3A_760 = arith.constant 5 : i32
        %add3A_761 = arith.addi %mul3A_700, %add3A_760 : i32
        %get3A_762 = arith.index_cast %add3A_761 : i32 to index
        %get3A_763 = arith.constant 0 : index
        %get3A_764 = tpu.vector_load %arg12[%get3A_762, %get3A_763] {strides = array<i32>} : memref<200x32xf32, #tpu.memory_space<vmem>>, vector<1x16xf32>,
        %get3A_765 = vector.shape_cast %get3A_764 : vector<1x16xf32> to vector<16xf32>
        %get3A_766 = arith.index_cast %add3A_761 : i32 to index
        %get3A_767 = arith.constant 16 : index
        %get3A_768 = tpu.vector_load %arg12[%get3A_766, %get3A_767] {strides = array<i32>} : memref<200x32xf32, #tpu.memory_space<vmem>>, vector<1x16xf32>,
        %get3A_769 = vector.shape_cast %get3A_768 : vector<1x16xf32> to vector<16xf32>
        %add3A_770 = arith.addf %add3A_746, %get3A_765 : vector<16xf32>
        %add3A_771 = arith.addf %add3A_747, %get3A_769 : vector<16xf32>
        %add3A_772 = arith.constant 6 : i32
        %add3A_773 = arith.addi %mul3A_700, %add3A_772 : i32
        %get3A_774 = arith.index_cast %add3A_773 : i32 to index
        %get3A_775 = arith.constant 0 : index
        %get3A_776 = tpu.vector_load %arg12[%get3A_774, %get3A_775] {strides = array<i32>} : memref<200x32xf32, #tpu.memory_space<vmem>>, vector<1x16xf32>,
        %get3A_777 = vector.shape_cast %get3A_776 : vector<1x16xf32> to vector<16xf32>
        %get3A_778 = arith.index_cast %add3A_773 : i32 to index
        %get3A_779 = arith.constant 16 : index
        %get3A_780 = tpu.vector_load %arg12[%get3A_778, %get3A_779] {strides = array<i32>} : memref<200x32xf32, #tpu.memory_space<vmem>>, vector<1x16xf32>,
        %get3A_781 = vector.shape_cast %get3A_780 : vector<1x16xf32> to vector<16xf32>
        %add3A_782 = arith.addf %add3A_758, %get3A_777 : vector<16xf32>
        %add3A_783 = arith.addf %add3A_759, %get3A_781 : vector<16xf32>
        %add3A_784 = arith.constant 7 : i32
        %add3A_785 = arith.addi %mul3A_700, %add3A_784 : i32
        %get3A_786 = arith.index_cast %add3A_785 : i32 to index
        %get3A_787 = arith.constant 0 : index
        %get3A_788 = tpu.vector_load %arg12[%get3A_786, %get3A_787] {strides = array<i32>} : memref<200x32xf32, #tpu.memory_space<vmem>>, vector<1x16xf32>,
        %get3A_789 = vector.shape_cast %get3A_788 : vector<1x16xf32> to vector<16xf32>
        %get3A_790 = arith.index_cast %add3A_785 : i32 to index
        %get3A_791 = arith.constant 16 : index
        %get3A_792 = tpu.vector_load %arg12[%get3A_790, %get3A_791] {strides = array<i32>} : memref<200x32xf32, #tpu.memory_space<vmem>>, vector<1x16xf32>,
        %get3A_793 = vector.shape_cast %get3A_792 : vector<1x16xf32> to vector<16xf32>
        %add3A_794 = arith.addf %add3A_770, %get3A_789 : vector<16xf32>
        %add3A_795 = arith.addf %add3A_771, %get3A_793 : vector<16xf32>
        scf.yield %add3A_782, %add3A_783, %add3A_794, %add3A_795 : vector<16xf32>, vector<16xf32>, vector<16xf32>, vector<16xf32>
      }
      %scan3A_620 = arith.constant 25 : i32
      %add3A_621 = arith.addf %scan3A_619#0, %scan3A_619#2 : vector<16xf32>
      %mul3A_622 = arith.constant 5.000000e-03 : f32
      %mul3A_623 = vector.broadcast %mul3A_622 : f32 to vector<16xf32>
      %mul3A_624 = arith.mulf %add3A_621, %mul3A_623 : vector<16xf32>
      %swap3A_625 = arith.index_cast %add3A_605 : i32 to index
      %swap3A_626 = arith.constant 0 : index
      %swap3A_627 = tpu.vector_load %arg14[%swap3A_625, %swap3A_626] {strides = array<i32>} : memref<128x32xf32, #tpu.memory_space<vmem>>, vector<1x16xf32>,
      %swap3A_628 = vector.shape_cast %swap3A_627 : vector<1x16xf32> to vector<16xf32>
      %swap3A_629 = vector.shape_cast %mul3A_624 : vector<16xf32> to vector<1x16xf32>
      tpu.vector_store %arg14[%swap3A_625, %swap3A_626], %swap3A_629 {strides = array<i32>} : memref<128x32xf32, #tpu.memory_space<vmem>>, vector<1x16xf32>,
      %add3A_630 = arith.addf %scan3A_619#1, %scan3A_619#3 : vector<16xf32>
      %mul3A_631 = arith.constant 5.000000e-03 : f32
      %mul3A_632 = vector.broadcast %mul3A_631 : f32 to vector<16xf32>
      %mul3A_633 = arith.mulf %add3A_630, %mul3A_632 : vector<16xf32>
      %swap3A_634 = arith.index_cast %add3A_605 : i32 to index
      %swap3A_635 = arith.constant 16 : index
      %swap3A_636 = tpu.vector_load %arg14[%swap3A_634, %swap3A_635] {strides = array<i32>} : memref<128x32xf32, #tpu.memory_space<vmem>>, vector<1x16xf32>,
      %swap3A_637 = vector.shape_cast %swap3A_636 : vector<1x16xf32> to vector<16xf32>
      %swap3A_638 = vector.shape_cast %mul3A_633 : vector<16xf32> to vector<1x16xf32>
      tpu.vector_store %arg14[%swap3A_634, %swap3A_635], %swap3A_638 {strides = array<i32>} : memref<128x32xf32, #tpu.memory_space<vmem>>, vector<1x16xf32>,
      %add3A_639 = arith.constant 8 : i32
      %add3A_640 = arith.addi %add3A_605, %add3A_639 : i32
      %mul3A_641 = arith.constant 200 : i32
      %mul3A_642 = arith.muli %add3A_640, %mul3A_641 : i32
      %multiple_of3A_643 = tpu.assume_multiple %mul3A_642, 8 : i32
      %dma_start3A_644 = tpu.memref_slice %arg5[%multiple_of3A_643] : memref<25600xi32, #tpu.memory_space<vmem>> -> memref<200xi32, #tpu.memory_space<vmem>>
      %dma_start3A_645 = arith.constant 0 : i32
      %dma_start3A_646 = arith.constant 0 : i32
      %dma_start3A_647 = tpu.memref_slice %arg3[%dma_start3A_645, %dma_start3A_646] : memref<1048576x32xf32, #tpu.memory_space<hbm>> -> memref<1048576x32xf32, #tpu.memory_space<hbm>>
      tpu.enqueue_indirect_dma source(%dma_start3A_647 : memref<1048576x32xf32, #tpu.memory_space<hbm>>) target(%arg12 : memref<200x32xf32, #tpu.memory_space<vmem>>) offsets(%dma_start3A_644 : memref<200xi32, #tpu.memory_space<vmem>>) semaphore(%arg21 : memref<!tpu.dma_semaphore, #tpu.memory_space<semaphore_mem>>)
      %mul3A_648 = arith.constant 8 : i32
      %mul3A_649 = arith.muli %scan3A_325, %mul3A_648 : i32
      %add3A_650 = arith.constant 7 : i32
      %add3A_651 = arith.addi %mul3A_649, %add3A_650 : i32
      %mul3A_652 = arith.constant 200 : i32
      %mul3A_653 = arith.muli %add3A_651, %mul3A_652 : i32
      %multiple_of3A_654 = tpu.assume_multiple %mul3A_653, 8 : i32
      %dma_wait3A_655 = tpu.memref_slice %arg5[%multiple_of3A_654] : memref<25600xi32, #tpu.memory_space<vmem>> -> memref<200xi32, #tpu.memory_space<vmem>>
      %dma_wait3A_656 = arith.constant 0 : i32
      %dma_wait3A_657 = arith.constant 0 : i32
      %dma_wait3A_658 = tpu.memref_slice %arg3[%dma_wait3A_656, %dma_wait3A_657] : memref<1048576x32xf32, #tpu.memory_space<hbm>> -> memref<1048576x32xf32, #tpu.memory_space<hbm>>
      tpu.wait_indirect_dma semaphore(%arg22 : memref<!tpu.dma_semaphore, #tpu.memory_space<semaphore_mem>>) src(%dma_wait3A_658 : memref<1048576x32xf32, #tpu.memory_space<hbm>>) dst(%arg13 : memref<200x32xf32, #tpu.memory_space<vmem>>)
      %broadcast_in_dim3A_659 = arith.constant 0.000000e+00 : f32
      %broadcast_in_dim3A_660 = vector.broadcast %broadcast_in_dim3A_659 : f32 to vector<16xf32>
      %scan3A_661 = arith.constant 0 : i32
      %scan3A_662 = arith.constant 25 : i32
      %scan3A_663 = arith.addi %scan3A_661, %scan3A_662 : i32
      %scan3A_664 = arith.constant 1 : i32
      %scan3A_665:4 = scf.for %scan3A_694 = %scan3A_661 to %scan3A_663 step %scan3A_664 iter_args(%scan3A_695 = %broadcast_in_dim3A_660, %scan3A_696 = %broadcast_in_dim3A_660, %scan3A_697 = %broadcast_in_dim3A_660, %scan3A_698 = %broadcast_in_dim3A_660) -> (vector<16xf32>, vector<16xf32>, vector<16xf32>, vector<16xf32>)  : i32 {
        %mul3A_699 = arith.constant 8 : i32
        %mul3A_700 = arith.muli %scan3A_694, %mul3A_699 : i32
        %add3A_701 = arith.constant 0 : i32
        %add3A_702 = arith.addi %mul3A_700, %add3A_701 : i32
        %get3A = arith.index_cast %add3A_702 : i32 to index
        %get3A_703 = arith.constant 0 : index
        %get3A_704 = tpu.vector_load %arg13[%get3A, %get3A_703] {strides = array<i32>} : memref<200x32xf32, #tpu.memory_space<vmem>>, vector<1x16xf32>,
        %get3A_705 = vector.shape_cast %get3A_704 : vector<1x16xf32> to vector<16xf32>
        %get3A_706 = arith.index_cast %add3A_702 : i32 to index
        %get3A_707 = arith.constant 16 : index
        %get3A_708 = tpu.vector_load %arg13[%get3A_706, %get3A_707] {strides = array<i32>} : memref<200x32xf32, #tpu.memory_space<vmem>>, vector<1x16xf32>,
        %get3A_709 = vector.shape_cast %get3A_708 : vector<1x16xf32> to vector<16xf32>
        %add3A_710 = arith.addf %scan3A_695, %get3A_705 : vector<16xf32>
        %add3A_711 = arith.addf %scan3A_696, %get3A_709 : vector<16xf32>
        %add3A_712 = arith.constant 1 : i32
        %add3A_713 = arith.addi %mul3A_700, %add3A_712 : i32
        %get3A_714 = arith.index_cast %add3A_713 : i32 to index
        %get3A_715 = arith.constant 0 : index
        %get3A_716 = tpu.vector_load %arg13[%get3A_714, %get3A_715] {strides = array<i32>} : memref<200x32xf32, #tpu.memory_space<vmem>>, vector<1x16xf32>,
        %get3A_717 = vector.shape_cast %get3A_716 : vector<1x16xf32> to vector<16xf32>
        %get3A_718 = arith.index_cast %add3A_713 : i32 to index
        %get3A_719 = arith.constant 16 : index
        %get3A_720 = tpu.vector_load %arg13[%get3A_718, %get3A_719] {strides = array<i32>} : memref<200x32xf32, #tpu.memory_space<vmem>>, vector<1x16xf32>,
        %get3A_721 = vector.shape_cast %get3A_720 : vector<1x16xf32> to vector<16xf32>
        %add3A_722 = arith.addf %scan3A_697, %get3A_717 : vector<16xf32>
        %add3A_723 = arith.addf %scan3A_698, %get3A_721 : vector<16xf32>
        %add3A_724 = arith.constant 2 : i32
        %add3A_725 = arith.addi %mul3A_700, %add3A_724 : i32
        %get3A_726 = arith.index_cast %add3A_725 : i32 to index
        %get3A_727 = arith.constant 0 : index
        %get3A_728 = tpu.vector_load %arg13[%get3A_726, %get3A_727] {strides = array<i32>} : memref<200x32xf32, #tpu.memory_space<vmem>>, vector<1x16xf32>,
        %get3A_729 = vector.shape_cast %get3A_728 : vector<1x16xf32> to vector<16xf32>
        %get3A_730 = arith.index_cast %add3A_725 : i32 to index
        %get3A_731 = arith.constant 16 : index
        %get3A_732 = tpu.vector_load %arg13[%get3A_730, %get3A_731] {strides = array<i32>} : memref<200x32xf32, #tpu.memory_space<vmem>>, vector<1x16xf32>,
        %get3A_733 = vector.shape_cast %get3A_732 : vector<1x16xf32> to vector<16xf32>
        %add3A_734 = arith.addf %add3A_710, %get3A_729 : vector<16xf32>
        %add3A_735 = arith.addf %add3A_711, %get3A_733 : vector<16xf32>
        %add3A_736 = arith.constant 3 : i32
        %add3A_737 = arith.addi %mul3A_700, %add3A_736 : i32
        %get3A_738 = arith.index_cast %add3A_737 : i32 to index
        %get3A_739 = arith.constant 0 : index
        %get3A_740 = tpu.vector_load %arg13[%get3A_738, %get3A_739] {strides = array<i32>} : memref<200x32xf32, #tpu.memory_space<vmem>>, vector<1x16xf32>,
        %get3A_741 = vector.shape_cast %get3A_740 : vector<1x16xf32> to vector<16xf32>
        %get3A_742 = arith.index_cast %add3A_737 : i32 to index
        %get3A_743 = arith.constant 16 : index
        %get3A_744 = tpu.vector_load %arg13[%get3A_742, %get3A_743] {strides = array<i32>} : memref<200x32xf32, #tpu.memory_space<vmem>>, vector<1x16xf32>,
        %get3A_745 = vector.shape_cast %get3A_744 : vector<1x16xf32> to vector<16xf32>
        %add3A_746 = arith.addf %add3A_722, %get3A_741 : vector<16xf32>
        %add3A_747 = arith.addf %add3A_723, %get3A_745 : vector<16xf32>
        %add3A_748 = arith.constant 4 : i32
        %add3A_749 = arith.addi %mul3A_700, %add3A_748 : i32
        %get3A_750 = arith.index_cast %add3A_749 : i32 to index
        %get3A_751 = arith.constant 0 : index
        %get3A_752 = tpu.vector_load %arg13[%get3A_750, %get3A_751] {strides = array<i32>} : memref<200x32xf32, #tpu.memory_space<vmem>>, vector<1x16xf32>,
        %get3A_753 = vector.shape_cast %get3A_752 : vector<1x16xf32> to vector<16xf32>
        %get3A_754 = arith.index_cast %add3A_749 : i32 to index
        %get3A_755 = arith.constant 16 : index
        %get3A_756 = tpu.vector_load %arg13[%get3A_754, %get3A_755] {strides = array<i32>} : memref<200x32xf32, #tpu.memory_space<vmem>>, vector<1x16xf32>,
        %get3A_757 = vector.shape_cast %get3A_756 : vector<1x16xf32> to vector<16xf32>
        %add3A_758 = arith.addf %add3A_734, %get3A_753 : vector<16xf32>
        %add3A_759 = arith.addf %add3A_735, %get3A_757 : vector<16xf32>
        %add3A_760 = arith.constant 5 : i32
        %add3A_761 = arith.addi %mul3A_700, %add3A_760 : i32
        %get3A_762 = arith.index_cast %add3A_761 : i32 to index
        %get3A_763 = arith.constant 0 : index
        %get3A_764 = tpu.vector_load %arg13[%get3A_762, %get3A_763] {strides = array<i32>} : memref<200x32xf32, #tpu.memory_space<vmem>>, vector<1x16xf32>,
        %get3A_765 = vector.shape_cast %get3A_764 : vector<1x16xf32> to vector<16xf32>
        %get3A_766 = arith.index_cast %add3A_761 : i32 to index
        %get3A_767 = arith.constant 16 : index
        %get3A_768 = tpu.vector_load %arg13[%get3A_766, %get3A_767] {strides = array<i32>} : memref<200x32xf32, #tpu.memory_space<vmem>>, vector<1x16xf32>,
        %get3A_769 = vector.shape_cast %get3A_768 : vector<1x16xf32> to vector<16xf32>
        %add3A_770 = arith.addf %add3A_746, %get3A_765 : vector<16xf32>
        %add3A_771 = arith.addf %add3A_747, %get3A_769 : vector<16xf32>
        %add3A_772 = arith.constant 6 : i32
        %add3A_773 = arith.addi %mul3A_700, %add3A_772 : i32
        %get3A_774 = arith.index_cast %add3A_773 : i32 to index
        %get3A_775 = arith.constant 0 : index
        %get3A_776 = tpu.vector_load %arg13[%get3A_774, %get3A_775] {strides = array<i32>} : memref<200x32xf32, #tpu.memory_space<vmem>>, vector<1x16xf32>,
        %get3A_777 = vector.shape_cast %get3A_776 : vector<1x16xf32> to vector<16xf32>
        %get3A_778 = arith.index_cast %add3A_773 : i32 to index
        %get3A_779 = arith.constant 16 : index
        %get3A_780 = tpu.vector_load %arg13[%get3A_778, %get3A_779] {strides = array<i32>} : memref<200x32xf32, #tpu.memory_space<vmem>>, vector<1x16xf32>,
        %get3A_781 = vector.shape_cast %get3A_780 : vector<1x16xf32> to vector<16xf32>
        %add3A_782 = arith.addf %add3A_758, %get3A_777 : vector<16xf32>
        %add3A_783 = arith.addf %add3A_759, %get3A_781 : vector<16xf32>
        %add3A_784 = arith.constant 7 : i32
        %add3A_785 = arith.addi %mul3A_700, %add3A_784 : i32
        %get3A_786 = arith.index_cast %add3A_785 : i32 to index
        %get3A_787 = arith.constant 0 : index
        %get3A_788 = tpu.vector_load %arg13[%get3A_786, %get3A_787] {strides = array<i32>} : memref<200x32xf32, #tpu.memory_space<vmem>>, vector<1x16xf32>,
        %get3A_789 = vector.shape_cast %get3A_788 : vector<1x16xf32> to vector<16xf32>
        %get3A_790 = arith.index_cast %add3A_785 : i32 to index
        %get3A_791 = arith.constant 16 : index
        %get3A_792 = tpu.vector_load %arg13[%get3A_790, %get3A_791] {strides = array<i32>} : memref<200x32xf32, #tpu.memory_space<vmem>>, vector<1x16xf32>,
        %get3A_793 = vector.shape_cast %get3A_792 : vector<1x16xf32> to vector<16xf32>
        %add3A_794 = arith.addf %add3A_770, %get3A_789 : vector<16xf32>
        %add3A_795 = arith.addf %add3A_771, %get3A_793 : vector<16xf32>
        scf.yield %add3A_782, %add3A_783, %add3A_794, %add3A_795 : vector<16xf32>, vector<16xf32>, vector<16xf32>, vector<16xf32>
      }
      %scan3A_666 = arith.constant 25 : i32
      %add3A_667 = arith.addf %scan3A_665#0, %scan3A_665#2 : vector<16xf32>
      %mul3A_668 = arith.constant 5.000000e-03 : f32
      %mul3A_669 = vector.broadcast %mul3A_668 : f32 to vector<16xf32>
      %mul3A_670 = arith.mulf %add3A_667, %mul3A_669 : vector<16xf32>
      %swap3A_671 = arith.index_cast %add3A_651 : i32 to index
      %swap3A_672 = arith.constant 0 : index
      %swap3A_673 = tpu.vector_load %arg14[%swap3A_671, %swap3A_672] {strides = array<i32>} : memref<128x32xf32, #tpu.memory_space<vmem>>, vector<1x16xf32>,
      %swap3A_674 = vector.shape_cast %swap3A_673 : vector<1x16xf32> to vector<16xf32>
      %swap3A_675 = vector.shape_cast %mul3A_670 : vector<16xf32> to vector<1x16xf32>
      tpu.vector_store %arg14[%swap3A_671, %swap3A_672], %swap3A_675 {strides = array<i32>} : memref<128x32xf32, #tpu.memory_space<vmem>>, vector<1x16xf32>,
      %add3A_676 = arith.addf %scan3A_665#1, %scan3A_665#3 : vector<16xf32>
      %mul3A_677 = arith.constant 5.000000e-03 : f32
      %mul3A_678 = vector.broadcast %mul3A_677 : f32 to vector<16xf32>
      %mul3A_679 = arith.mulf %add3A_676, %mul3A_678 : vector<16xf32>
      %swap3A_680 = arith.index_cast %add3A_651 : i32 to index
      %swap3A_681 = arith.constant 16 : index
      %swap3A_682 = tpu.vector_load %arg14[%swap3A_680, %swap3A_681] {strides = array<i32>} : memref<128x32xf32, #tpu.memory_space<vmem>>, vector<1x16xf32>,
      %swap3A_683 = vector.shape_cast %swap3A_682 : vector<1x16xf32> to vector<16xf32>
      %swap3A_684 = vector.shape_cast %mul3A_679 : vector<16xf32> to vector<1x16xf32>
      tpu.vector_store %arg14[%swap3A_680, %swap3A_681], %swap3A_684 {strides = array<i32>} : memref<128x32xf32, #tpu.memory_space<vmem>>, vector<1x16xf32>,
      %add3A_685 = arith.constant 8 : i32
      %add3A_686 = arith.addi %add3A_651, %add3A_685 : i32
      %mul3A_687 = arith.constant 200 : i32
      %mul3A_688 = arith.muli %add3A_686, %mul3A_687 : i32
      %multiple_of3A_689 = tpu.assume_multiple %mul3A_688, 8 : i32
      %dma_start3A_690 = tpu.memref_slice %arg5[%multiple_of3A_689] : memref<25600xi32, #tpu.memory_space<vmem>> -> memref<200xi32, #tpu.memory_space<vmem>>
      %dma_start3A_691 = arith.constant 0 : i32
      %dma_start3A_692 = arith.constant 0 : i32
      %dma_start3A_693 = tpu.memref_slice %arg3[%dma_start3A_691, %dma_start3A_692] : memref<1048576x32xf32, #tpu.memory_space<hbm>> -> memref<1048576x32xf32, #tpu.memory_space<hbm>>
      tpu.enqueue_indirect_dma source(%dma_start3A_693 : memref<1048576x32xf32, #tpu.memory_space<hbm>>) target(%arg13 : memref<200x32xf32, #tpu.memory_space<vmem>>) offsets(%dma_start3A_690 : memref<200xi32, #tpu.memory_space<vmem>>) semaphore(%arg22 : memref<!tpu.dma_semaphore, #tpu.memory_space<semaphore_mem>>)
    }
    %scan3A_53 = arith.constant 15 : i32
    %multiple_of3A_54 = arith.constant 24000 : i32
    %multiple_of3A_55 = tpu.assume_multiple %multiple_of3A_54, 8 : i32
    %dma_wait3A = tpu.memref_slice %arg5[%multiple_of3A_55] : memref<25600xi32, #tpu.memory_space<vmem>> -> memref<200xi32, #tpu.memory_space<vmem>>
    %dma_wait3A_56 = arith.constant 0 : i32
    %dma_wait3A_57 = arith.constant 0 : i32
    %dma_wait3A_58 = tpu.memref_slice %arg3[%dma_wait3A_56, %dma_wait3A_57] : memref<1048576x32xf32, #tpu.memory_space<hbm>> -> memref<1048576x32xf32, #tpu.memory_space<hbm>>
    tpu.wait_indirect_dma semaphore(%arg15 : memref<!tpu.dma_semaphore, #tpu.memory_space<semaphore_mem>>) src(%dma_wait3A_58 : memref<1048576x32xf32, #tpu.memory_space<hbm>>) dst(%arg6 : memref<200x32xf32, #tpu.memory_space<vmem>>)
    %broadcast_in_dim3A = arith.constant 0.000000e+00 : f32
    %broadcast_in_dim3A_59 = vector.broadcast %broadcast_in_dim3A : f32 to vector<16xf32>
    %scan3A_60 = arith.constant 0 : i32
    %scan3A_61 = arith.constant 25 : i32
    %scan3A_62 = arith.addi %scan3A_60, %scan3A_61 : i32
    %scan3A_63 = arith.constant 1 : i32
    %scan3A_64:4 = scf.for %scan3A_325 = %scan3A_60 to %scan3A_62 step %scan3A_63 iter_args(%scan3A_326 = %broadcast_in_dim3A_59, %scan3A_327 = %broadcast_in_dim3A_59, %scan3A_328 = %broadcast_in_dim3A_59, %scan3A_329 = %broadcast_in_dim3A_59) -> (vector<16xf32>, vector<16xf32>, vector<16xf32>, vector<16xf32>)  : i32 {
      %mul3A_330 = arith.constant 8 : i32
      %mul3A_331 = arith.muli %scan3A_325, %mul3A_330 : i32
      %add3A_332 = arith.constant 0 : i32
      %add3A_333 = arith.addi %mul3A_331, %add3A_332 : i32
      %get3A = arith.index_cast %add3A_333 : i32 to index
      %get3A_334 = arith.constant 0 : index
      %get3A_335 = tpu.vector_load %arg6[%get3A, %get3A_334] {strides = array<i32>} : memref<200x32xf32, #tpu.memory_space<vmem>>, vector<1x16xf32>,
      %get3A_336 = vector.shape_cast %get3A_335 : vector<1x16xf32> to vector<16xf32>
      %get3A_337 = arith.index_cast %add3A_333 : i32 to index
      %get3A_338 = arith.constant 16 : index
      %get3A_339 = tpu.vector_load %arg6[%get3A_337, %get3A_338] {strides = array<i32>} : memref<200x32xf32, #tpu.memory_space<vmem>>, vector<1x16xf32>,
      %get3A_340 = vector.shape_cast %get3A_339 : vector<1x16xf32> to vector<16xf32>
      %add3A_341 = arith.addf %scan3A_326, %get3A_336 : vector<16xf32>
      %add3A_342 = arith.addf %scan3A_327, %get3A_340 : vector<16xf32>
      %add3A_343 = arith.constant 1 : i32
      %add3A_344 = arith.addi %mul3A_331, %add3A_343 : i32
      %get3A_345 = arith.index_cast %add3A_344 : i32 to index
      %get3A_346 = arith.constant 0 : index
      %get3A_347 = tpu.vector_load %arg6[%get3A_345, %get3A_346] {strides = array<i32>} : memref<200x32xf32, #tpu.memory_space<vmem>>, vector<1x16xf32>,
      %get3A_348 = vector.shape_cast %get3A_347 : vector<1x16xf32> to vector<16xf32>
      %get3A_349 = arith.index_cast %add3A_344 : i32 to index
      %get3A_350 = arith.constant 16 : index
      %get3A_351 = tpu.vector_load %arg6[%get3A_349, %get3A_350] {strides = array<i32>} : memref<200x32xf32, #tpu.memory_space<vmem>>, vector<1x16xf32>,
      %get3A_352 = vector.shape_cast %get3A_351 : vector<1x16xf32> to vector<16xf32>
      %add3A_353 = arith.addf %scan3A_328, %get3A_348 : vector<16xf32>
      %add3A_354 = arith.addf %scan3A_329, %get3A_352 : vector<16xf32>
      %add3A_355 = arith.constant 2 : i32
      %add3A_356 = arith.addi %mul3A_331, %add3A_355 : i32
      %get3A_357 = arith.index_cast %add3A_356 : i32 to index
      %get3A_358 = arith.constant 0 : index
      %get3A_359 = tpu.vector_load %arg6[%get3A_357, %get3A_358] {strides = array<i32>} : memref<200x32xf32, #tpu.memory_space<vmem>>, vector<1x16xf32>,
      %get3A_360 = vector.shape_cast %get3A_359 : vector<1x16xf32> to vector<16xf32>
      %get3A_361 = arith.index_cast %add3A_356 : i32 to index
      %get3A_362 = arith.constant 16 : index
      %get3A_363 = tpu.vector_load %arg6[%get3A_361, %get3A_362] {strides = array<i32>} : memref<200x32xf32, #tpu.memory_space<vmem>>, vector<1x16xf32>,
      %get3A_364 = vector.shape_cast %get3A_363 : vector<1x16xf32> to vector<16xf32>
      %add3A_365 = arith.addf %add3A_341, %get3A_360 : vector<16xf32>
      %add3A_366 = arith.addf %add3A_342, %get3A_364 : vector<16xf32>
      %add3A_367 = arith.constant 3 : i32
      %add3A_368 = arith.addi %mul3A_331, %add3A_367 : i32
      %get3A_369 = arith.index_cast %add3A_368 : i32 to index
      %get3A_370 = arith.constant 0 : index
      %get3A_371 = tpu.vector_load %arg6[%get3A_369, %get3A_370] {strides = array<i32>} : memref<200x32xf32, #tpu.memory_space<vmem>>, vector<1x16xf32>,
      %get3A_372 = vector.shape_cast %get3A_371 : vector<1x16xf32> to vector<16xf32>
      %get3A_373 = arith.index_cast %add3A_368 : i32 to index
      %get3A_374 = arith.constant 16 : index
      %get3A_375 = tpu.vector_load %arg6[%get3A_373, %get3A_374] {strides = array<i32>} : memref<200x32xf32, #tpu.memory_space<vmem>>, vector<1x16xf32>,
      %get3A_376 = vector.shape_cast %get3A_375 : vector<1x16xf32> to vector<16xf32>
      %add3A_377 = arith.addf %add3A_353, %get3A_372 : vector<16xf32>
      %add3A_378 = arith.addf %add3A_354, %get3A_376 : vector<16xf32>
      %add3A_379 = arith.constant 4 : i32
      %add3A_380 = arith.addi %mul3A_331, %add3A_379 : i32
      %get3A_381 = arith.index_cast %add3A_380 : i32 to index
      %get3A_382 = arith.constant 0 : index
      %get3A_383 = tpu.vector_load %arg6[%get3A_381, %get3A_382] {strides = array<i32>} : memref<200x32xf32, #tpu.memory_space<vmem>>, vector<1x16xf32>,
      %get3A_384 = vector.shape_cast %get3A_383 : vector<1x16xf32> to vector<16xf32>
      %get3A_385 = arith.index_cast %add3A_380 : i32 to index
      %get3A_386 = arith.constant 16 : index
      %get3A_387 = tpu.vector_load %arg6[%get3A_385, %get3A_386] {strides = array<i32>} : memref<200x32xf32, #tpu.memory_space<vmem>>, vector<1x16xf32>,
      %get3A_388 = vector.shape_cast %get3A_387 : vector<1x16xf32> to vector<16xf32>
      %add3A_389 = arith.addf %add3A_365, %get3A_384 : vector<16xf32>
      %add3A_390 = arith.addf %add3A_366, %get3A_388 : vector<16xf32>
      %add3A_391 = arith.constant 5 : i32
      %add3A_392 = arith.addi %mul3A_331, %add3A_391 : i32
      %get3A_393 = arith.index_cast %add3A_392 : i32 to index
      %get3A_394 = arith.constant 0 : index
      %get3A_395 = tpu.vector_load %arg6[%get3A_393, %get3A_394] {strides = array<i32>} : memref<200x32xf32, #tpu.memory_space<vmem>>, vector<1x16xf32>,
      %get3A_396 = vector.shape_cast %get3A_395 : vector<1x16xf32> to vector<16xf32>
      %get3A_397 = arith.index_cast %add3A_392 : i32 to index
      %get3A_398 = arith.constant 16 : index
      %get3A_399 = tpu.vector_load %arg6[%get3A_397, %get3A_398] {strides = array<i32>} : memref<200x32xf32, #tpu.memory_space<vmem>>, vector<1x16xf32>,
      %get3A_400 = vector.shape_cast %get3A_399 : vector<1x16xf32> to vector<16xf32>
      %add3A_401 = arith.addf %add3A_377, %get3A_396 : vector<16xf32>
      %add3A_402 = arith.addf %add3A_378, %get3A_400 : vector<16xf32>
      %add3A_403 = arith.constant 6 : i32
      %add3A_404 = arith.addi %mul3A_331, %add3A_403 : i32
      %get3A_405 = arith.index_cast %add3A_404 : i32 to index
      %get3A_406 = arith.constant 0 : index
      %get3A_407 = tpu.vector_load %arg6[%get3A_405, %get3A_406] {strides = array<i32>} : memref<200x32xf32, #tpu.memory_space<vmem>>, vector<1x16xf32>,
      %get3A_408 = vector.shape_cast %get3A_407 : vector<1x16xf32> to vector<16xf32>
      %get3A_409 = arith.index_cast %add3A_404 : i32 to index
      %get3A_410 = arith.constant 16 : index
      %get3A_411 = tpu.vector_load %arg6[%get3A_409, %get3A_410] {strides = array<i32>} : memref<200x32xf32, #tpu.memory_space<vmem>>, vector<1x16xf32>,
      %get3A_412 = vector.shape_cast %get3A_411 : vector<1x16xf32> to vector<16xf32>
      %add3A_413 = arith.addf %add3A_389, %get3A_408 : vector<16xf32>
      %add3A_414 = arith.addf %add3A_390, %get3A_412 : vector<16xf32>
      %add3A_415 = arith.constant 7 : i32
      %add3A_416 = arith.addi %mul3A_331, %add3A_415 : i32
      %get3A_417 = arith.index_cast %add3A_416 : i32 to index
      %get3A_418 = arith.constant 0 : index
      %get3A_419 = tpu.vector_load %arg6[%get3A_417, %get3A_418] {strides = array<i32>} : memref<200x32xf32, #tpu.memory_space<vmem>>, vector<1x16xf32>,
      %get3A_420 = vector.shape_cast %get3A_419 : vector<1x16xf32> to vector<16xf32>
      %get3A_421 = arith.index_cast %add3A_416 : i32 to index
      %get3A_422 = arith.constant 16 : index
      %get3A_423 = tpu.vector_load %arg6[%get3A_421, %get3A_422] {strides = array<i32>} : memref<200x32xf32, #tpu.memory_space<vmem>>, vector<1x16xf32>,
      %get3A_424 = vector.shape_cast %get3A_423 : vector<1x16xf32> to vector<16xf32>
      %add3A_425 = arith.addf %add3A_401, %get3A_420 : vector<16xf32>
      %add3A_426 = arith.addf %add3A_402, %get3A_424 : vector<16xf32>
      scf.yield %add3A_413, %add3A_414, %add3A_425, %add3A_426 : vector<16xf32>, vector<16xf32>, vector<16xf32>, vector<16xf32>
    }
    %scan3A_65 = arith.constant 25 : i32
    %add3A_66 = arith.addf %scan3A_64#0, %scan3A_64#2 : vector<16xf32>
    %mul3A_67 = arith.constant 5.000000e-03 : f32
    %mul3A_68 = vector.broadcast %mul3A_67 : f32 to vector<16xf32>
    %mul3A_69 = arith.mulf %add3A_66, %mul3A_68 : vector<16xf32>
    %swap3A = arith.constant 120 : i32
    %swap3A_70 = arith.index_cast %swap3A : i32 to index
    %swap3A_71 = arith.constant 0 : index
    %swap3A_72 = tpu.vector_load %arg14[%swap3A_70, %swap3A_71] {strides = array<i32>} : memref<128x32xf32, #tpu.memory_space<vmem>>, vector<1x16xf32>,
    %swap3A_73 = vector.shape_cast %swap3A_72 : vector<1x16xf32> to vector<16xf32>
    %swap3A_74 = vector.shape_cast %mul3A_69 : vector<16xf32> to vector<1x16xf32>
    tpu.vector_store %arg14[%swap3A_70, %swap3A_71], %swap3A_74 {strides = array<i32>} : memref<128x32xf32, #tpu.memory_space<vmem>>, vector<1x16xf32>,
    %add3A_75 = arith.addf %scan3A_64#1, %scan3A_64#3 : vector<16xf32>
    %mul3A_76 = arith.constant 5.000000e-03 : f32
    %mul3A_77 = vector.broadcast %mul3A_76 : f32 to vector<16xf32>
    %mul3A_78 = arith.mulf %add3A_75, %mul3A_77 : vector<16xf32>
    %swap3A_79 = arith.constant 120 : i32
    %swap3A_80 = arith.index_cast %swap3A_79 : i32 to index
    %swap3A_81 = arith.constant 16 : index
    %swap3A_82 = tpu.vector_load %arg14[%swap3A_80, %swap3A_81] {strides = array<i32>} : memref<128x32xf32, #tpu.memory_space<vmem>>, vector<1x16xf32>,
    %swap3A_83 = vector.shape_cast %swap3A_82 : vector<1x16xf32> to vector<16xf32>
    %swap3A_84 = vector.shape_cast %mul3A_78 : vector<16xf32> to vector<1x16xf32>
    tpu.vector_store %arg14[%swap3A_80, %swap3A_81], %swap3A_84 {strides = array<i32>} : memref<128x32xf32, #tpu.memory_space<vmem>>, vector<1x16xf32>,
    %multiple_of3A_85 = arith.constant 24200 : i32
    %multiple_of3A_86 = tpu.assume_multiple %multiple_of3A_85, 8 : i32
    %dma_wait3A_87 = tpu.memref_slice %arg5[%multiple_of3A_86] : memref<25600xi32, #tpu.memory_space<vmem>> -> memref<200xi32, #tpu.memory_space<vmem>>
    %dma_wait3A_88 = arith.constant 0 : i32
    %dma_wait3A_89 = arith.constant 0 : i32
    %dma_wait3A_90 = tpu.memref_slice %arg3[%dma_wait3A_88, %dma_wait3A_89] : memref<1048576x32xf32, #tpu.memory_space<hbm>> -> memref<1048576x32xf32, #tpu.memory_space<hbm>>
    tpu.wait_indirect_dma semaphore(%arg16 : memref<!tpu.dma_semaphore, #tpu.memory_space<semaphore_mem>>) src(%dma_wait3A_90 : memref<1048576x32xf32, #tpu.memory_space<hbm>>) dst(%arg7 : memref<200x32xf32, #tpu.memory_space<vmem>>)
    %broadcast_in_dim3A_91 = arith.constant 0.000000e+00 : f32
    %broadcast_in_dim3A_92 = vector.broadcast %broadcast_in_dim3A_91 : f32 to vector<16xf32>
    %scan3A_93 = arith.constant 0 : i32
    %scan3A_94 = arith.constant 25 : i32
    %scan3A_95 = arith.addi %scan3A_93, %scan3A_94 : i32
    %scan3A_96 = arith.constant 1 : i32
    %scan3A_97:4 = scf.for %scan3A_325 = %scan3A_93 to %scan3A_95 step %scan3A_96 iter_args(%scan3A_326 = %broadcast_in_dim3A_92, %scan3A_327 = %broadcast_in_dim3A_92, %scan3A_328 = %broadcast_in_dim3A_92, %scan3A_329 = %broadcast_in_dim3A_92) -> (vector<16xf32>, vector<16xf32>, vector<16xf32>, vector<16xf32>)  : i32 {
      %mul3A_330 = arith.constant 8 : i32
      %mul3A_331 = arith.muli %scan3A_325, %mul3A_330 : i32
      %add3A_332 = arith.constant 0 : i32
      %add3A_333 = arith.addi %mul3A_331, %add3A_332 : i32
      %get3A = arith.index_cast %add3A_333 : i32 to index
      %get3A_334 = arith.constant 0 : index
      %get3A_335 = tpu.vector_load %arg7[%get3A, %get3A_334] {strides = array<i32>} : memref<200x32xf32, #tpu.memory_space<vmem>>, vector<1x16xf32>,
      %get3A_336 = vector.shape_cast %get3A_335 : vector<1x16xf32> to vector<16xf32>
      %get3A_337 = arith.index_cast %add3A_333 : i32 to index
      %get3A_338 = arith.constant 16 : index
      %get3A_339 = tpu.vector_load %arg7[%get3A_337, %get3A_338] {strides = array<i32>} : memref<200x32xf32, #tpu.memory_space<vmem>>, vector<1x16xf32>,
      %get3A_340 = vector.shape_cast %get3A_339 : vector<1x16xf32> to vector<16xf32>
      %add3A_341 = arith.addf %scan3A_326, %get3A_336 : vector<16xf32>
      %add3A_342 = arith.addf %scan3A_327, %get3A_340 : vector<16xf32>
      %add3A_343 = arith.constant 1 : i32
      %add3A_344 = arith.addi %mul3A_331, %add3A_343 : i32
      %get3A_345 = arith.index_cast %add3A_344 : i32 to index
      %get3A_346 = arith.constant 0 : index
      %get3A_347 = tpu.vector_load %arg7[%get3A_345, %get3A_346] {strides = array<i32>} : memref<200x32xf32, #tpu.memory_space<vmem>>, vector<1x16xf32>,
      %get3A_348 = vector.shape_cast %get3A_347 : vector<1x16xf32> to vector<16xf32>
      %get3A_349 = arith.index_cast %add3A_344 : i32 to index
      %get3A_350 = arith.constant 16 : index
      %get3A_351 = tpu.vector_load %arg7[%get3A_349, %get3A_350] {strides = array<i32>} : memref<200x32xf32, #tpu.memory_space<vmem>>, vector<1x16xf32>,
      %get3A_352 = vector.shape_cast %get3A_351 : vector<1x16xf32> to vector<16xf32>
      %add3A_353 = arith.addf %scan3A_328, %get3A_348 : vector<16xf32>
      %add3A_354 = arith.addf %scan3A_329, %get3A_352 : vector<16xf32>
      %add3A_355 = arith.constant 2 : i32
      %add3A_356 = arith.addi %mul3A_331, %add3A_355 : i32
      %get3A_357 = arith.index_cast %add3A_356 : i32 to index
      %get3A_358 = arith.constant 0 : index
      %get3A_359 = tpu.vector_load %arg7[%get3A_357, %get3A_358] {strides = array<i32>} : memref<200x32xf32, #tpu.memory_space<vmem>>, vector<1x16xf32>,
      %get3A_360 = vector.shape_cast %get3A_359 : vector<1x16xf32> to vector<16xf32>
      %get3A_361 = arith.index_cast %add3A_356 : i32 to index
      %get3A_362 = arith.constant 16 : index
      %get3A_363 = tpu.vector_load %arg7[%get3A_361, %get3A_362] {strides = array<i32>} : memref<200x32xf32, #tpu.memory_space<vmem>>, vector<1x16xf32>,
      %get3A_364 = vector.shape_cast %get3A_363 : vector<1x16xf32> to vector<16xf32>
      %add3A_365 = arith.addf %add3A_341, %get3A_360 : vector<16xf32>
      %add3A_366 = arith.addf %add3A_342, %get3A_364 : vector<16xf32>
      %add3A_367 = arith.constant 3 : i32
      %add3A_368 = arith.addi %mul3A_331, %add3A_367 : i32
      %get3A_369 = arith.index_cast %add3A_368 : i32 to index
      %get3A_370 = arith.constant 0 : index
      %get3A_371 = tpu.vector_load %arg7[%get3A_369, %get3A_370] {strides = array<i32>} : memref<200x32xf32, #tpu.memory_space<vmem>>, vector<1x16xf32>,
      %get3A_372 = vector.shape_cast %get3A_371 : vector<1x16xf32> to vector<16xf32>
      %get3A_373 = arith.index_cast %add3A_368 : i32 to index
      %get3A_374 = arith.constant 16 : index
      %get3A_375 = tpu.vector_load %arg7[%get3A_373, %get3A_374] {strides = array<i32>} : memref<200x32xf32, #tpu.memory_space<vmem>>, vector<1x16xf32>,
      %get3A_376 = vector.shape_cast %get3A_375 : vector<1x16xf32> to vector<16xf32>
      %add3A_377 = arith.addf %add3A_353, %get3A_372 : vector<16xf32>
      %add3A_378 = arith.addf %add3A_354, %get3A_376 : vector<16xf32>
      %add3A_379 = arith.constant 4 : i32
      %add3A_380 = arith.addi %mul3A_331, %add3A_379 : i32
      %get3A_381 = arith.index_cast %add3A_380 : i32 to index
      %get3A_382 = arith.constant 0 : index
      %get3A_383 = tpu.vector_load %arg7[%get3A_381, %get3A_382] {strides = array<i32>} : memref<200x32xf32, #tpu.memory_space<vmem>>, vector<1x16xf32>,
      %get3A_384 = vector.shape_cast %get3A_383 : vector<1x16xf32> to vector<16xf32>
      %get3A_385 = arith.index_cast %add3A_380 : i32 to index
      %get3A_386 = arith.constant 16 : index
      %get3A_387 = tpu.vector_load %arg7[%get3A_385, %get3A_386] {strides = array<i32>} : memref<200x32xf32, #tpu.memory_space<vmem>>, vector<1x16xf32>,
      %get3A_388 = vector.shape_cast %get3A_387 : vector<1x16xf32> to vector<16xf32>
      %add3A_389 = arith.addf %add3A_365, %get3A_384 : vector<16xf32>
      %add3A_390 = arith.addf %add3A_366, %get3A_388 : vector<16xf32>
      %add3A_391 = arith.constant 5 : i32
      %add3A_392 = arith.addi %mul3A_331, %add3A_391 : i32
      %get3A_393 = arith.index_cast %add3A_392 : i32 to index
      %get3A_394 = arith.constant 0 : index
      %get3A_395 = tpu.vector_load %arg7[%get3A_393, %get3A_394] {strides = array<i32>} : memref<200x32xf32, #tpu.memory_space<vmem>>, vector<1x16xf32>,
      %get3A_396 = vector.shape_cast %get3A_395 : vector<1x16xf32> to vector<16xf32>
      %get3A_397 = arith.index_cast %add3A_392 : i32 to index
      %get3A_398 = arith.constant 16 : index
      %get3A_399 = tpu.vector_load %arg7[%get3A_397, %get3A_398] {strides = array<i32>} : memref<200x32xf32, #tpu.memory_space<vmem>>, vector<1x16xf32>,
      %get3A_400 = vector.shape_cast %get3A_399 : vector<1x16xf32> to vector<16xf32>
      %add3A_401 = arith.addf %add3A_377, %get3A_396 : vector<16xf32>
      %add3A_402 = arith.addf %add3A_378, %get3A_400 : vector<16xf32>
      %add3A_403 = arith.constant 6 : i32
      %add3A_404 = arith.addi %mul3A_331, %add3A_403 : i32
      %get3A_405 = arith.index_cast %add3A_404 : i32 to index
      %get3A_406 = arith.constant 0 : index
      %get3A_407 = tpu.vector_load %arg7[%get3A_405, %get3A_406] {strides = array<i32>} : memref<200x32xf32, #tpu.memory_space<vmem>>, vector<1x16xf32>,
      %get3A_408 = vector.shape_cast %get3A_407 : vector<1x16xf32> to vector<16xf32>
      %get3A_409 = arith.index_cast %add3A_404 : i32 to index
      %get3A_410 = arith.constant 16 : index
      %get3A_411 = tpu.vector_load %arg7[%get3A_409, %get3A_410] {strides = array<i32>} : memref<200x32xf32, #tpu.memory_space<vmem>>, vector<1x16xf32>,
      %get3A_412 = vector.shape_cast %get3A_411 : vector<1x16xf32> to vector<16xf32>
      %add3A_413 = arith.addf %add3A_389, %get3A_408 : vector<16xf32>
      %add3A_414 = arith.addf %add3A_390, %get3A_412 : vector<16xf32>
      %add3A_415 = arith.constant 7 : i32
      %add3A_416 = arith.addi %mul3A_331, %add3A_415 : i32
      %get3A_417 = arith.index_cast %add3A_416 : i32 to index
      %get3A_418 = arith.constant 0 : index
      %get3A_419 = tpu.vector_load %arg7[%get3A_417, %get3A_418] {strides = array<i32>} : memref<200x32xf32, #tpu.memory_space<vmem>>, vector<1x16xf32>,
      %get3A_420 = vector.shape_cast %get3A_419 : vector<1x16xf32> to vector<16xf32>
      %get3A_421 = arith.index_cast %add3A_416 : i32 to index
      %get3A_422 = arith.constant 16 : index
      %get3A_423 = tpu.vector_load %arg7[%get3A_421, %get3A_422] {strides = array<i32>} : memref<200x32xf32, #tpu.memory_space<vmem>>, vector<1x16xf32>,
      %get3A_424 = vector.shape_cast %get3A_423 : vector<1x16xf32> to vector<16xf32>
      %add3A_425 = arith.addf %add3A_401, %get3A_420 : vector<16xf32>
      %add3A_426 = arith.addf %add3A_402, %get3A_424 : vector<16xf32>
      scf.yield %add3A_413, %add3A_414, %add3A_425, %add3A_426 : vector<16xf32>, vector<16xf32>, vector<16xf32>, vector<16xf32>
    }
    %scan3A_98 = arith.constant 25 : i32
    %add3A_99 = arith.addf %scan3A_97#0, %scan3A_97#2 : vector<16xf32>
    %mul3A_100 = arith.constant 5.000000e-03 : f32
    %mul3A_101 = vector.broadcast %mul3A_100 : f32 to vector<16xf32>
    %mul3A_102 = arith.mulf %add3A_99, %mul3A_101 : vector<16xf32>
    %swap3A_103 = arith.constant 121 : i32
    %swap3A_104 = arith.index_cast %swap3A_103 : i32 to index
    %swap3A_105 = arith.constant 0 : index
    %swap3A_106 = tpu.vector_load %arg14[%swap3A_104, %swap3A_105] {strides = array<i32>} : memref<128x32xf32, #tpu.memory_space<vmem>>, vector<1x16xf32>,
    %swap3A_107 = vector.shape_cast %swap3A_106 : vector<1x16xf32> to vector<16xf32>
    %swap3A_108 = vector.shape_cast %mul3A_102 : vector<16xf32> to vector<1x16xf32>
    tpu.vector_store %arg14[%swap3A_104, %swap3A_105], %swap3A_108 {strides = array<i32>} : memref<128x32xf32, #tpu.memory_space<vmem>>, vector<1x16xf32>,
    %add3A_109 = arith.addf %scan3A_97#1, %scan3A_97#3 : vector<16xf32>
    %mul3A_110 = arith.constant 5.000000e-03 : f32
    %mul3A_111 = vector.broadcast %mul3A_110 : f32 to vector<16xf32>
    %mul3A_112 = arith.mulf %add3A_109, %mul3A_111 : vector<16xf32>
    %swap3A_113 = arith.constant 121 : i32
    %swap3A_114 = arith.index_cast %swap3A_113 : i32 to index
    %swap3A_115 = arith.constant 16 : index
    %swap3A_116 = tpu.vector_load %arg14[%swap3A_114, %swap3A_115] {strides = array<i32>} : memref<128x32xf32, #tpu.memory_space<vmem>>, vector<1x16xf32>,
    %swap3A_117 = vector.shape_cast %swap3A_116 : vector<1x16xf32> to vector<16xf32>
    %swap3A_118 = vector.shape_cast %mul3A_112 : vector<16xf32> to vector<1x16xf32>
    tpu.vector_store %arg14[%swap3A_114, %swap3A_115], %swap3A_118 {strides = array<i32>} : memref<128x32xf32, #tpu.memory_space<vmem>>, vector<1x16xf32>,
    %multiple_of3A_119 = arith.constant 24400 : i32
    %multiple_of3A_120 = tpu.assume_multiple %multiple_of3A_119, 8 : i32
    %dma_wait3A_121 = tpu.memref_slice %arg5[%multiple_of3A_120] : memref<25600xi32, #tpu.memory_space<vmem>> -> memref<200xi32, #tpu.memory_space<vmem>>
    %dma_wait3A_122 = arith.constant 0 : i32
    %dma_wait3A_123 = arith.constant 0 : i32
    %dma_wait3A_124 = tpu.memref_slice %arg3[%dma_wait3A_122, %dma_wait3A_123] : memref<1048576x32xf32, #tpu.memory_space<hbm>> -> memref<1048576x32xf32, #tpu.memory_space<hbm>>
    tpu.wait_indirect_dma semaphore(%arg17 : memref<!tpu.dma_semaphore, #tpu.memory_space<semaphore_mem>>) src(%dma_wait3A_124 : memref<1048576x32xf32, #tpu.memory_space<hbm>>) dst(%arg8 : memref<200x32xf32, #tpu.memory_space<vmem>>)
    %broadcast_in_dim3A_125 = arith.constant 0.000000e+00 : f32
    %broadcast_in_dim3A_126 = vector.broadcast %broadcast_in_dim3A_125 : f32 to vector<16xf32>
    %scan3A_127 = arith.constant 0 : i32
    %scan3A_128 = arith.constant 25 : i32
    %scan3A_129 = arith.addi %scan3A_127, %scan3A_128 : i32
    %scan3A_130 = arith.constant 1 : i32
    %scan3A_131:4 = scf.for %scan3A_325 = %scan3A_127 to %scan3A_129 step %scan3A_130 iter_args(%scan3A_326 = %broadcast_in_dim3A_126, %scan3A_327 = %broadcast_in_dim3A_126, %scan3A_328 = %broadcast_in_dim3A_126, %scan3A_329 = %broadcast_in_dim3A_126) -> (vector<16xf32>, vector<16xf32>, vector<16xf32>, vector<16xf32>)  : i32 {
      %mul3A_330 = arith.constant 8 : i32
      %mul3A_331 = arith.muli %scan3A_325, %mul3A_330 : i32
      %add3A_332 = arith.constant 0 : i32
      %add3A_333 = arith.addi %mul3A_331, %add3A_332 : i32
      %get3A = arith.index_cast %add3A_333 : i32 to index
      %get3A_334 = arith.constant 0 : index
      %get3A_335 = tpu.vector_load %arg8[%get3A, %get3A_334] {strides = array<i32>} : memref<200x32xf32, #tpu.memory_space<vmem>>, vector<1x16xf32>,
      %get3A_336 = vector.shape_cast %get3A_335 : vector<1x16xf32> to vector<16xf32>
      %get3A_337 = arith.index_cast %add3A_333 : i32 to index
      %get3A_338 = arith.constant 16 : index
      %get3A_339 = tpu.vector_load %arg8[%get3A_337, %get3A_338] {strides = array<i32>} : memref<200x32xf32, #tpu.memory_space<vmem>>, vector<1x16xf32>,
      %get3A_340 = vector.shape_cast %get3A_339 : vector<1x16xf32> to vector<16xf32>
      %add3A_341 = arith.addf %scan3A_326, %get3A_336 : vector<16xf32>
      %add3A_342 = arith.addf %scan3A_327, %get3A_340 : vector<16xf32>
      %add3A_343 = arith.constant 1 : i32
      %add3A_344 = arith.addi %mul3A_331, %add3A_343 : i32
      %get3A_345 = arith.index_cast %add3A_344 : i32 to index
      %get3A_346 = arith.constant 0 : index
      %get3A_347 = tpu.vector_load %arg8[%get3A_345, %get3A_346] {strides = array<i32>} : memref<200x32xf32, #tpu.memory_space<vmem>>, vector<1x16xf32>,
      %get3A_348 = vector.shape_cast %get3A_347 : vector<1x16xf32> to vector<16xf32>
      %get3A_349 = arith.index_cast %add3A_344 : i32 to index
      %get3A_350 = arith.constant 16 : index
      %get3A_351 = tpu.vector_load %arg8[%get3A_349, %get3A_350] {strides = array<i32>} : memref<200x32xf32, #tpu.memory_space<vmem>>, vector<1x16xf32>,
      %get3A_352 = vector.shape_cast %get3A_351 : vector<1x16xf32> to vector<16xf32>
      %add3A_353 = arith.addf %scan3A_328, %get3A_348 : vector<16xf32>
      %add3A_354 = arith.addf %scan3A_329, %get3A_352 : vector<16xf32>
      %add3A_355 = arith.constant 2 : i32
      %add3A_356 = arith.addi %mul3A_331, %add3A_355 : i32
      %get3A_357 = arith.index_cast %add3A_356 : i32 to index
      %get3A_358 = arith.constant 0 : index
      %get3A_359 = tpu.vector_load %arg8[%get3A_357, %get3A_358] {strides = array<i32>} : memref<200x32xf32, #tpu.memory_space<vmem>>, vector<1x16xf32>,
      %get3A_360 = vector.shape_cast %get3A_359 : vector<1x16xf32> to vector<16xf32>
      %get3A_361 = arith.index_cast %add3A_356 : i32 to index
      %get3A_362 = arith.constant 16 : index
      %get3A_363 = tpu.vector_load %arg8[%get3A_361, %get3A_362] {strides = array<i32>} : memref<200x32xf32, #tpu.memory_space<vmem>>, vector<1x16xf32>,
      %get3A_364 = vector.shape_cast %get3A_363 : vector<1x16xf32> to vector<16xf32>
      %add3A_365 = arith.addf %add3A_341, %get3A_360 : vector<16xf32>
      %add3A_366 = arith.addf %add3A_342, %get3A_364 : vector<16xf32>
      %add3A_367 = arith.constant 3 : i32
      %add3A_368 = arith.addi %mul3A_331, %add3A_367 : i32
      %get3A_369 = arith.index_cast %add3A_368 : i32 to index
      %get3A_370 = arith.constant 0 : index
      %get3A_371 = tpu.vector_load %arg8[%get3A_369, %get3A_370] {strides = array<i32>} : memref<200x32xf32, #tpu.memory_space<vmem>>, vector<1x16xf32>,
      %get3A_372 = vector.shape_cast %get3A_371 : vector<1x16xf32> to vector<16xf32>
      %get3A_373 = arith.index_cast %add3A_368 : i32 to index
      %get3A_374 = arith.constant 16 : index
      %get3A_375 = tpu.vector_load %arg8[%get3A_373, %get3A_374] {strides = array<i32>} : memref<200x32xf32, #tpu.memory_space<vmem>>, vector<1x16xf32>,
      %get3A_376 = vector.shape_cast %get3A_375 : vector<1x16xf32> to vector<16xf32>
      %add3A_377 = arith.addf %add3A_353, %get3A_372 : vector<16xf32>
      %add3A_378 = arith.addf %add3A_354, %get3A_376 : vector<16xf32>
      %add3A_379 = arith.constant 4 : i32
      %add3A_380 = arith.addi %mul3A_331, %add3A_379 : i32
      %get3A_381 = arith.index_cast %add3A_380 : i32 to index
      %get3A_382 = arith.constant 0 : index
      %get3A_383 = tpu.vector_load %arg8[%get3A_381, %get3A_382] {strides = array<i32>} : memref<200x32xf32, #tpu.memory_space<vmem>>, vector<1x16xf32>,
      %get3A_384 = vector.shape_cast %get3A_383 : vector<1x16xf32> to vector<16xf32>
      %get3A_385 = arith.index_cast %add3A_380 : i32 to index
      %get3A_386 = arith.constant 16 : index
      %get3A_387 = tpu.vector_load %arg8[%get3A_385, %get3A_386] {strides = array<i32>} : memref<200x32xf32, #tpu.memory_space<vmem>>, vector<1x16xf32>,
      %get3A_388 = vector.shape_cast %get3A_387 : vector<1x16xf32> to vector<16xf32>
      %add3A_389 = arith.addf %add3A_365, %get3A_384 : vector<16xf32>
      %add3A_390 = arith.addf %add3A_366, %get3A_388 : vector<16xf32>
      %add3A_391 = arith.constant 5 : i32
      %add3A_392 = arith.addi %mul3A_331, %add3A_391 : i32
      %get3A_393 = arith.index_cast %add3A_392 : i32 to index
      %get3A_394 = arith.constant 0 : index
      %get3A_395 = tpu.vector_load %arg8[%get3A_393, %get3A_394] {strides = array<i32>} : memref<200x32xf32, #tpu.memory_space<vmem>>, vector<1x16xf32>,
      %get3A_396 = vector.shape_cast %get3A_395 : vector<1x16xf32> to vector<16xf32>
      %get3A_397 = arith.index_cast %add3A_392 : i32 to index
      %get3A_398 = arith.constant 16 : index
      %get3A_399 = tpu.vector_load %arg8[%get3A_397, %get3A_398] {strides = array<i32>} : memref<200x32xf32, #tpu.memory_space<vmem>>, vector<1x16xf32>,
      %get3A_400 = vector.shape_cast %get3A_399 : vector<1x16xf32> to vector<16xf32>
      %add3A_401 = arith.addf %add3A_377, %get3A_396 : vector<16xf32>
      %add3A_402 = arith.addf %add3A_378, %get3A_400 : vector<16xf32>
      %add3A_403 = arith.constant 6 : i32
      %add3A_404 = arith.addi %mul3A_331, %add3A_403 : i32
      %get3A_405 = arith.index_cast %add3A_404 : i32 to index
      %get3A_406 = arith.constant 0 : index
      %get3A_407 = tpu.vector_load %arg8[%get3A_405, %get3A_406] {strides = array<i32>} : memref<200x32xf32, #tpu.memory_space<vmem>>, vector<1x16xf32>,
      %get3A_408 = vector.shape_cast %get3A_407 : vector<1x16xf32> to vector<16xf32>
      %get3A_409 = arith.index_cast %add3A_404 : i32 to index
      %get3A_410 = arith.constant 16 : index
      %get3A_411 = tpu.vector_load %arg8[%get3A_409, %get3A_410] {strides = array<i32>} : memref<200x32xf32, #tpu.memory_space<vmem>>, vector<1x16xf32>,
      %get3A_412 = vector.shape_cast %get3A_411 : vector<1x16xf32> to vector<16xf32>
      %add3A_413 = arith.addf %add3A_389, %get3A_408 : vector<16xf32>
      %add3A_414 = arith.addf %add3A_390, %get3A_412 : vector<16xf32>
      %add3A_415 = arith.constant 7 : i32
      %add3A_416 = arith.addi %mul3A_331, %add3A_415 : i32
      %get3A_417 = arith.index_cast %add3A_416 : i32 to index
      %get3A_418 = arith.constant 0 : index
      %get3A_419 = tpu.vector_load %arg8[%get3A_417, %get3A_418] {strides = array<i32>} : memref<200x32xf32, #tpu.memory_space<vmem>>, vector<1x16xf32>,
      %get3A_420 = vector.shape_cast %get3A_419 : vector<1x16xf32> to vector<16xf32>
      %get3A_421 = arith.index_cast %add3A_416 : i32 to index
      %get3A_422 = arith.constant 16 : index
      %get3A_423 = tpu.vector_load %arg8[%get3A_421, %get3A_422] {strides = array<i32>} : memref<200x32xf32, #tpu.memory_space<vmem>>, vector<1x16xf32>,
      %get3A_424 = vector.shape_cast %get3A_423 : vector<1x16xf32> to vector<16xf32>
      %add3A_425 = arith.addf %add3A_401, %get3A_420 : vector<16xf32>
      %add3A_426 = arith.addf %add3A_402, %get3A_424 : vector<16xf32>
      scf.yield %add3A_413, %add3A_414, %add3A_425, %add3A_426 : vector<16xf32>, vector<16xf32>, vector<16xf32>, vector<16xf32>
    }
    %scan3A_132 = arith.constant 25 : i32
    %add3A_133 = arith.addf %scan3A_131#0, %scan3A_131#2 : vector<16xf32>
    %mul3A_134 = arith.constant 5.000000e-03 : f32
    %mul3A_135 = vector.broadcast %mul3A_134 : f32 to vector<16xf32>
    %mul3A_136 = arith.mulf %add3A_133, %mul3A_135 : vector<16xf32>
    %swap3A_137 = arith.constant 122 : i32
    %swap3A_138 = arith.index_cast %swap3A_137 : i32 to index
    %swap3A_139 = arith.constant 0 : index
    %swap3A_140 = tpu.vector_load %arg14[%swap3A_138, %swap3A_139] {strides = array<i32>} : memref<128x32xf32, #tpu.memory_space<vmem>>, vector<1x16xf32>,
    %swap3A_141 = vector.shape_cast %swap3A_140 : vector<1x16xf32> to vector<16xf32>
    %swap3A_142 = vector.shape_cast %mul3A_136 : vector<16xf32> to vector<1x16xf32>
    tpu.vector_store %arg14[%swap3A_138, %swap3A_139], %swap3A_142 {strides = array<i32>} : memref<128x32xf32, #tpu.memory_space<vmem>>, vector<1x16xf32>,
    %add3A_143 = arith.addf %scan3A_131#1, %scan3A_131#3 : vector<16xf32>
    %mul3A_144 = arith.constant 5.000000e-03 : f32
    %mul3A_145 = vector.broadcast %mul3A_144 : f32 to vector<16xf32>
    %mul3A_146 = arith.mulf %add3A_143, %mul3A_145 : vector<16xf32>
    %swap3A_147 = arith.constant 122 : i32
    %swap3A_148 = arith.index_cast %swap3A_147 : i32 to index
    %swap3A_149 = arith.constant 16 : index
    %swap3A_150 = tpu.vector_load %arg14[%swap3A_148, %swap3A_149] {strides = array<i32>} : memref<128x32xf32, #tpu.memory_space<vmem>>, vector<1x16xf32>,
    %swap3A_151 = vector.shape_cast %swap3A_150 : vector<1x16xf32> to vector<16xf32>
    %swap3A_152 = vector.shape_cast %mul3A_146 : vector<16xf32> to vector<1x16xf32>
    tpu.vector_store %arg14[%swap3A_148, %swap3A_149], %swap3A_152 {strides = array<i32>} : memref<128x32xf32, #tpu.memory_space<vmem>>, vector<1x16xf32>,
    %multiple_of3A_153 = arith.constant 24600 : i32
    %multiple_of3A_154 = tpu.assume_multiple %multiple_of3A_153, 8 : i32
    %dma_wait3A_155 = tpu.memref_slice %arg5[%multiple_of3A_154] : memref<25600xi32, #tpu.memory_space<vmem>> -> memref<200xi32, #tpu.memory_space<vmem>>
    %dma_wait3A_156 = arith.constant 0 : i32
    %dma_wait3A_157 = arith.constant 0 : i32
    %dma_wait3A_158 = tpu.memref_slice %arg3[%dma_wait3A_156, %dma_wait3A_157] : memref<1048576x32xf32, #tpu.memory_space<hbm>> -> memref<1048576x32xf32, #tpu.memory_space<hbm>>
    tpu.wait_indirect_dma semaphore(%arg18 : memref<!tpu.dma_semaphore, #tpu.memory_space<semaphore_mem>>) src(%dma_wait3A_158 : memref<1048576x32xf32, #tpu.memory_space<hbm>>) dst(%arg9 : memref<200x32xf32, #tpu.memory_space<vmem>>)
    %broadcast_in_dim3A_159 = arith.constant 0.000000e+00 : f32
    %broadcast_in_dim3A_160 = vector.broadcast %broadcast_in_dim3A_159 : f32 to vector<16xf32>
    %scan3A_161 = arith.constant 0 : i32
    %scan3A_162 = arith.constant 25 : i32
    %scan3A_163 = arith.addi %scan3A_161, %scan3A_162 : i32
    %scan3A_164 = arith.constant 1 : i32
    %scan3A_165:4 = scf.for %scan3A_325 = %scan3A_161 to %scan3A_163 step %scan3A_164 iter_args(%scan3A_326 = %broadcast_in_dim3A_160, %scan3A_327 = %broadcast_in_dim3A_160, %scan3A_328 = %broadcast_in_dim3A_160, %scan3A_329 = %broadcast_in_dim3A_160) -> (vector<16xf32>, vector<16xf32>, vector<16xf32>, vector<16xf32>)  : i32 {
      %mul3A_330 = arith.constant 8 : i32
      %mul3A_331 = arith.muli %scan3A_325, %mul3A_330 : i32
      %add3A_332 = arith.constant 0 : i32
      %add3A_333 = arith.addi %mul3A_331, %add3A_332 : i32
      %get3A = arith.index_cast %add3A_333 : i32 to index
      %get3A_334 = arith.constant 0 : index
      %get3A_335 = tpu.vector_load %arg9[%get3A, %get3A_334] {strides = array<i32>} : memref<200x32xf32, #tpu.memory_space<vmem>>, vector<1x16xf32>,
      %get3A_336 = vector.shape_cast %get3A_335 : vector<1x16xf32> to vector<16xf32>
      %get3A_337 = arith.index_cast %add3A_333 : i32 to index
      %get3A_338 = arith.constant 16 : index
      %get3A_339 = tpu.vector_load %arg9[%get3A_337, %get3A_338] {strides = array<i32>} : memref<200x32xf32, #tpu.memory_space<vmem>>, vector<1x16xf32>,
      %get3A_340 = vector.shape_cast %get3A_339 : vector<1x16xf32> to vector<16xf32>
      %add3A_341 = arith.addf %scan3A_326, %get3A_336 : vector<16xf32>
      %add3A_342 = arith.addf %scan3A_327, %get3A_340 : vector<16xf32>
      %add3A_343 = arith.constant 1 : i32
      %add3A_344 = arith.addi %mul3A_331, %add3A_343 : i32
      %get3A_345 = arith.index_cast %add3A_344 : i32 to index
      %get3A_346 = arith.constant 0 : index
      %get3A_347 = tpu.vector_load %arg9[%get3A_345, %get3A_346] {strides = array<i32>} : memref<200x32xf32, #tpu.memory_space<vmem>>, vector<1x16xf32>,
      %get3A_348 = vector.shape_cast %get3A_347 : vector<1x16xf32> to vector<16xf32>
      %get3A_349 = arith.index_cast %add3A_344 : i32 to index
      %get3A_350 = arith.constant 16 : index
      %get3A_351 = tpu.vector_load %arg9[%get3A_349, %get3A_350] {strides = array<i32>} : memref<200x32xf32, #tpu.memory_space<vmem>>, vector<1x16xf32>,
      %get3A_352 = vector.shape_cast %get3A_351 : vector<1x16xf32> to vector<16xf32>
      %add3A_353 = arith.addf %scan3A_328, %get3A_348 : vector<16xf32>
      %add3A_354 = arith.addf %scan3A_329, %get3A_352 : vector<16xf32>
      %add3A_355 = arith.constant 2 : i32
      %add3A_356 = arith.addi %mul3A_331, %add3A_355 : i32
      %get3A_357 = arith.index_cast %add3A_356 : i32 to index
      %get3A_358 = arith.constant 0 : index
      %get3A_359 = tpu.vector_load %arg9[%get3A_357, %get3A_358] {strides = array<i32>} : memref<200x32xf32, #tpu.memory_space<vmem>>, vector<1x16xf32>,
      %get3A_360 = vector.shape_cast %get3A_359 : vector<1x16xf32> to vector<16xf32>
      %get3A_361 = arith.index_cast %add3A_356 : i32 to index
      %get3A_362 = arith.constant 16 : index
      %get3A_363 = tpu.vector_load %arg9[%get3A_361, %get3A_362] {strides = array<i32>} : memref<200x32xf32, #tpu.memory_space<vmem>>, vector<1x16xf32>,
      %get3A_364 = vector.shape_cast %get3A_363 : vector<1x16xf32> to vector<16xf32>
      %add3A_365 = arith.addf %add3A_341, %get3A_360 : vector<16xf32>
      %add3A_366 = arith.addf %add3A_342, %get3A_364 : vector<16xf32>
      %add3A_367 = arith.constant 3 : i32
      %add3A_368 = arith.addi %mul3A_331, %add3A_367 : i32
      %get3A_369 = arith.index_cast %add3A_368 : i32 to index
      %get3A_370 = arith.constant 0 : index
      %get3A_371 = tpu.vector_load %arg9[%get3A_369, %get3A_370] {strides = array<i32>} : memref<200x32xf32, #tpu.memory_space<vmem>>, vector<1x16xf32>,
      %get3A_372 = vector.shape_cast %get3A_371 : vector<1x16xf32> to vector<16xf32>
      %get3A_373 = arith.index_cast %add3A_368 : i32 to index
      %get3A_374 = arith.constant 16 : index
      %get3A_375 = tpu.vector_load %arg9[%get3A_373, %get3A_374] {strides = array<i32>} : memref<200x32xf32, #tpu.memory_space<vmem>>, vector<1x16xf32>,
      %get3A_376 = vector.shape_cast %get3A_375 : vector<1x16xf32> to vector<16xf32>
      %add3A_377 = arith.addf %add3A_353, %get3A_372 : vector<16xf32>
      %add3A_378 = arith.addf %add3A_354, %get3A_376 : vector<16xf32>
      %add3A_379 = arith.constant 4 : i32
      %add3A_380 = arith.addi %mul3A_331, %add3A_379 : i32
      %get3A_381 = arith.index_cast %add3A_380 : i32 to index
      %get3A_382 = arith.constant 0 : index
      %get3A_383 = tpu.vector_load %arg9[%get3A_381, %get3A_382] {strides = array<i32>} : memref<200x32xf32, #tpu.memory_space<vmem>>, vector<1x16xf32>,
      %get3A_384 = vector.shape_cast %get3A_383 : vector<1x16xf32> to vector<16xf32>
      %get3A_385 = arith.index_cast %add3A_380 : i32 to index
      %get3A_386 = arith.constant 16 : index
      %get3A_387 = tpu.vector_load %arg9[%get3A_385, %get3A_386] {strides = array<i32>} : memref<200x32xf32, #tpu.memory_space<vmem>>, vector<1x16xf32>,
      %get3A_388 = vector.shape_cast %get3A_387 : vector<1x16xf32> to vector<16xf32>
      %add3A_389 = arith.addf %add3A_365, %get3A_384 : vector<16xf32>
      %add3A_390 = arith.addf %add3A_366, %get3A_388 : vector<16xf32>
      %add3A_391 = arith.constant 5 : i32
      %add3A_392 = arith.addi %mul3A_331, %add3A_391 : i32
      %get3A_393 = arith.index_cast %add3A_392 : i32 to index
      %get3A_394 = arith.constant 0 : index
      %get3A_395 = tpu.vector_load %arg9[%get3A_393, %get3A_394] {strides = array<i32>} : memref<200x32xf32, #tpu.memory_space<vmem>>, vector<1x16xf32>,
      %get3A_396 = vector.shape_cast %get3A_395 : vector<1x16xf32> to vector<16xf32>
      %get3A_397 = arith.index_cast %add3A_392 : i32 to index
      %get3A_398 = arith.constant 16 : index
      %get3A_399 = tpu.vector_load %arg9[%get3A_397, %get3A_398] {strides = array<i32>} : memref<200x32xf32, #tpu.memory_space<vmem>>, vector<1x16xf32>,
      %get3A_400 = vector.shape_cast %get3A_399 : vector<1x16xf32> to vector<16xf32>
      %add3A_401 = arith.addf %add3A_377, %get3A_396 : vector<16xf32>
      %add3A_402 = arith.addf %add3A_378, %get3A_400 : vector<16xf32>
      %add3A_403 = arith.constant 6 : i32
      %add3A_404 = arith.addi %mul3A_331, %add3A_403 : i32
      %get3A_405 = arith.index_cast %add3A_404 : i32 to index
      %get3A_406 = arith.constant 0 : index
      %get3A_407 = tpu.vector_load %arg9[%get3A_405, %get3A_406] {strides = array<i32>} : memref<200x32xf32, #tpu.memory_space<vmem>>, vector<1x16xf32>,
      %get3A_408 = vector.shape_cast %get3A_407 : vector<1x16xf32> to vector<16xf32>
      %get3A_409 = arith.index_cast %add3A_404 : i32 to index
      %get3A_410 = arith.constant 16 : index
      %get3A_411 = tpu.vector_load %arg9[%get3A_409, %get3A_410] {strides = array<i32>} : memref<200x32xf32, #tpu.memory_space<vmem>>, vector<1x16xf32>,
      %get3A_412 = vector.shape_cast %get3A_411 : vector<1x16xf32> to vector<16xf32>
      %add3A_413 = arith.addf %add3A_389, %get3A_408 : vector<16xf32>
      %add3A_414 = arith.addf %add3A_390, %get3A_412 : vector<16xf32>
      %add3A_415 = arith.constant 7 : i32
      %add3A_416 = arith.addi %mul3A_331, %add3A_415 : i32
      %get3A_417 = arith.index_cast %add3A_416 : i32 to index
      %get3A_418 = arith.constant 0 : index
      %get3A_419 = tpu.vector_load %arg9[%get3A_417, %get3A_418] {strides = array<i32>} : memref<200x32xf32, #tpu.memory_space<vmem>>, vector<1x16xf32>,
      %get3A_420 = vector.shape_cast %get3A_419 : vector<1x16xf32> to vector<16xf32>
      %get3A_421 = arith.index_cast %add3A_416 : i32 to index
      %get3A_422 = arith.constant 16 : index
      %get3A_423 = tpu.vector_load %arg9[%get3A_421, %get3A_422] {strides = array<i32>} : memref<200x32xf32, #tpu.memory_space<vmem>>, vector<1x16xf32>,
      %get3A_424 = vector.shape_cast %get3A_423 : vector<1x16xf32> to vector<16xf32>
      %add3A_425 = arith.addf %add3A_401, %get3A_420 : vector<16xf32>
      %add3A_426 = arith.addf %add3A_402, %get3A_424 : vector<16xf32>
      scf.yield %add3A_413, %add3A_414, %add3A_425, %add3A_426 : vector<16xf32>, vector<16xf32>, vector<16xf32>, vector<16xf32>
    }
    %scan3A_166 = arith.constant 25 : i32
    %add3A_167 = arith.addf %scan3A_165#0, %scan3A_165#2 : vector<16xf32>
    %mul3A_168 = arith.constant 5.000000e-03 : f32
    %mul3A_169 = vector.broadcast %mul3A_168 : f32 to vector<16xf32>
    %mul3A_170 = arith.mulf %add3A_167, %mul3A_169 : vector<16xf32>
    %swap3A_171 = arith.constant 123 : i32
    %swap3A_172 = arith.index_cast %swap3A_171 : i32 to index
    %swap3A_173 = arith.constant 0 : index
    %swap3A_174 = tpu.vector_load %arg14[%swap3A_172, %swap3A_173] {strides = array<i32>} : memref<128x32xf32, #tpu.memory_space<vmem>>, vector<1x16xf32>,
    %swap3A_175 = vector.shape_cast %swap3A_174 : vector<1x16xf32> to vector<16xf32>
    %swap3A_176 = vector.shape_cast %mul3A_170 : vector<16xf32> to vector<1x16xf32>
    tpu.vector_store %arg14[%swap3A_172, %swap3A_173], %swap3A_176 {strides = array<i32>} : memref<128x32xf32, #tpu.memory_space<vmem>>, vector<1x16xf32>,
    %add3A_177 = arith.addf %scan3A_165#1, %scan3A_165#3 : vector<16xf32>
    %mul3A_178 = arith.constant 5.000000e-03 : f32
    %mul3A_179 = vector.broadcast %mul3A_178 : f32 to vector<16xf32>
    %mul3A_180 = arith.mulf %add3A_177, %mul3A_179 : vector<16xf32>
    %swap3A_181 = arith.constant 123 : i32
    %swap3A_182 = arith.index_cast %swap3A_181 : i32 to index
    %swap3A_183 = arith.constant 16 : index
    %swap3A_184 = tpu.vector_load %arg14[%swap3A_182, %swap3A_183] {strides = array<i32>} : memref<128x32xf32, #tpu.memory_space<vmem>>, vector<1x16xf32>,
    %swap3A_185 = vector.shape_cast %swap3A_184 : vector<1x16xf32> to vector<16xf32>
    %swap3A_186 = vector.shape_cast %mul3A_180 : vector<16xf32> to vector<1x16xf32>
    tpu.vector_store %arg14[%swap3A_182, %swap3A_183], %swap3A_186 {strides = array<i32>} : memref<128x32xf32, #tpu.memory_space<vmem>>, vector<1x16xf32>,
    %multiple_of3A_187 = arith.constant 24800 : i32
    %multiple_of3A_188 = tpu.assume_multiple %multiple_of3A_187, 8 : i32
    %dma_wait3A_189 = tpu.memref_slice %arg5[%multiple_of3A_188] : memref<25600xi32, #tpu.memory_space<vmem>> -> memref<200xi32, #tpu.memory_space<vmem>>
    %dma_wait3A_190 = arith.constant 0 : i32
    %dma_wait3A_191 = arith.constant 0 : i32
    %dma_wait3A_192 = tpu.memref_slice %arg3[%dma_wait3A_190, %dma_wait3A_191] : memref<1048576x32xf32, #tpu.memory_space<hbm>> -> memref<1048576x32xf32, #tpu.memory_space<hbm>>
    tpu.wait_indirect_dma semaphore(%arg19 : memref<!tpu.dma_semaphore, #tpu.memory_space<semaphore_mem>>) src(%dma_wait3A_192 : memref<1048576x32xf32, #tpu.memory_space<hbm>>) dst(%arg10 : memref<200x32xf32, #tpu.memory_space<vmem>>)
    %broadcast_in_dim3A_193 = arith.constant 0.000000e+00 : f32
    %broadcast_in_dim3A_194 = vector.broadcast %broadcast_in_dim3A_193 : f32 to vector<16xf32>
    %scan3A_195 = arith.constant 0 : i32
    %scan3A_196 = arith.constant 25 : i32
    %scan3A_197 = arith.addi %scan3A_195, %scan3A_196 : i32
    %scan3A_198 = arith.constant 1 : i32
    %scan3A_199:4 = scf.for %scan3A_325 = %scan3A_195 to %scan3A_197 step %scan3A_198 iter_args(%scan3A_326 = %broadcast_in_dim3A_194, %scan3A_327 = %broadcast_in_dim3A_194, %scan3A_328 = %broadcast_in_dim3A_194, %scan3A_329 = %broadcast_in_dim3A_194) -> (vector<16xf32>, vector<16xf32>, vector<16xf32>, vector<16xf32>)  : i32 {
      %mul3A_330 = arith.constant 8 : i32
      %mul3A_331 = arith.muli %scan3A_325, %mul3A_330 : i32
      %add3A_332 = arith.constant 0 : i32
      %add3A_333 = arith.addi %mul3A_331, %add3A_332 : i32
      %get3A = arith.index_cast %add3A_333 : i32 to index
      %get3A_334 = arith.constant 0 : index
      %get3A_335 = tpu.vector_load %arg10[%get3A, %get3A_334] {strides = array<i32>} : memref<200x32xf32, #tpu.memory_space<vmem>>, vector<1x16xf32>,
      %get3A_336 = vector.shape_cast %get3A_335 : vector<1x16xf32> to vector<16xf32>
      %get3A_337 = arith.index_cast %add3A_333 : i32 to index
      %get3A_338 = arith.constant 16 : index
      %get3A_339 = tpu.vector_load %arg10[%get3A_337, %get3A_338] {strides = array<i32>} : memref<200x32xf32, #tpu.memory_space<vmem>>, vector<1x16xf32>,
      %get3A_340 = vector.shape_cast %get3A_339 : vector<1x16xf32> to vector<16xf32>
      %add3A_341 = arith.addf %scan3A_326, %get3A_336 : vector<16xf32>
      %add3A_342 = arith.addf %scan3A_327, %get3A_340 : vector<16xf32>
      %add3A_343 = arith.constant 1 : i32
      %add3A_344 = arith.addi %mul3A_331, %add3A_343 : i32
      %get3A_345 = arith.index_cast %add3A_344 : i32 to index
      %get3A_346 = arith.constant 0 : index
      %get3A_347 = tpu.vector_load %arg10[%get3A_345, %get3A_346] {strides = array<i32>} : memref<200x32xf32, #tpu.memory_space<vmem>>, vector<1x16xf32>,
      %get3A_348 = vector.shape_cast %get3A_347 : vector<1x16xf32> to vector<16xf32>
      %get3A_349 = arith.index_cast %add3A_344 : i32 to index
      %get3A_350 = arith.constant 16 : index
      %get3A_351 = tpu.vector_load %arg10[%get3A_349, %get3A_350] {strides = array<i32>} : memref<200x32xf32, #tpu.memory_space<vmem>>, vector<1x16xf32>,
      %get3A_352 = vector.shape_cast %get3A_351 : vector<1x16xf32> to vector<16xf32>
      %add3A_353 = arith.addf %scan3A_328, %get3A_348 : vector<16xf32>
      %add3A_354 = arith.addf %scan3A_329, %get3A_352 : vector<16xf32>
      %add3A_355 = arith.constant 2 : i32
      %add3A_356 = arith.addi %mul3A_331, %add3A_355 : i32
      %get3A_357 = arith.index_cast %add3A_356 : i32 to index
      %get3A_358 = arith.constant 0 : index
      %get3A_359 = tpu.vector_load %arg10[%get3A_357, %get3A_358] {strides = array<i32>} : memref<200x32xf32, #tpu.memory_space<vmem>>, vector<1x16xf32>,
      %get3A_360 = vector.shape_cast %get3A_359 : vector<1x16xf32> to vector<16xf32>
      %get3A_361 = arith.index_cast %add3A_356 : i32 to index
      %get3A_362 = arith.constant 16 : index
      %get3A_363 = tpu.vector_load %arg10[%get3A_361, %get3A_362] {strides = array<i32>} : memref<200x32xf32, #tpu.memory_space<vmem>>, vector<1x16xf32>,
      %get3A_364 = vector.shape_cast %get3A_363 : vector<1x16xf32> to vector<16xf32>
      %add3A_365 = arith.addf %add3A_341, %get3A_360 : vector<16xf32>
      %add3A_366 = arith.addf %add3A_342, %get3A_364 : vector<16xf32>
      %add3A_367 = arith.constant 3 : i32
      %add3A_368 = arith.addi %mul3A_331, %add3A_367 : i32
      %get3A_369 = arith.index_cast %add3A_368 : i32 to index
      %get3A_370 = arith.constant 0 : index
      %get3A_371 = tpu.vector_load %arg10[%get3A_369, %get3A_370] {strides = array<i32>} : memref<200x32xf32, #tpu.memory_space<vmem>>, vector<1x16xf32>,
      %get3A_372 = vector.shape_cast %get3A_371 : vector<1x16xf32> to vector<16xf32>
      %get3A_373 = arith.index_cast %add3A_368 : i32 to index
      %get3A_374 = arith.constant 16 : index
      %get3A_375 = tpu.vector_load %arg10[%get3A_373, %get3A_374] {strides = array<i32>} : memref<200x32xf32, #tpu.memory_space<vmem>>, vector<1x16xf32>,
      %get3A_376 = vector.shape_cast %get3A_375 : vector<1x16xf32> to vector<16xf32>
      %add3A_377 = arith.addf %add3A_353, %get3A_372 : vector<16xf32>
      %add3A_378 = arith.addf %add3A_354, %get3A_376 : vector<16xf32>
      %add3A_379 = arith.constant 4 : i32
      %add3A_380 = arith.addi %mul3A_331, %add3A_379 : i32
      %get3A_381 = arith.index_cast %add3A_380 : i32 to index
      %get3A_382 = arith.constant 0 : index
      %get3A_383 = tpu.vector_load %arg10[%get3A_381, %get3A_382] {strides = array<i32>} : memref<200x32xf32, #tpu.memory_space<vmem>>, vector<1x16xf32>,
      %get3A_384 = vector.shape_cast %get3A_383 : vector<1x16xf32> to vector<16xf32>
      %get3A_385 = arith.index_cast %add3A_380 : i32 to index
      %get3A_386 = arith.constant 16 : index
      %get3A_387 = tpu.vector_load %arg10[%get3A_385, %get3A_386] {strides = array<i32>} : memref<200x32xf32, #tpu.memory_space<vmem>>, vector<1x16xf32>,
      %get3A_388 = vector.shape_cast %get3A_387 : vector<1x16xf32> to vector<16xf32>
      %add3A_389 = arith.addf %add3A_365, %get3A_384 : vector<16xf32>
      %add3A_390 = arith.addf %add3A_366, %get3A_388 : vector<16xf32>
      %add3A_391 = arith.constant 5 : i32
      %add3A_392 = arith.addi %mul3A_331, %add3A_391 : i32
      %get3A_393 = arith.index_cast %add3A_392 : i32 to index
      %get3A_394 = arith.constant 0 : index
      %get3A_395 = tpu.vector_load %arg10[%get3A_393, %get3A_394] {strides = array<i32>} : memref<200x32xf32, #tpu.memory_space<vmem>>, vector<1x16xf32>,
      %get3A_396 = vector.shape_cast %get3A_395 : vector<1x16xf32> to vector<16xf32>
      %get3A_397 = arith.index_cast %add3A_392 : i32 to index
      %get3A_398 = arith.constant 16 : index
      %get3A_399 = tpu.vector_load %arg10[%get3A_397, %get3A_398] {strides = array<i32>} : memref<200x32xf32, #tpu.memory_space<vmem>>, vector<1x16xf32>,
      %get3A_400 = vector.shape_cast %get3A_399 : vector<1x16xf32> to vector<16xf32>
      %add3A_401 = arith.addf %add3A_377, %get3A_396 : vector<16xf32>
      %add3A_402 = arith.addf %add3A_378, %get3A_400 : vector<16xf32>
      %add3A_403 = arith.constant 6 : i32
      %add3A_404 = arith.addi %mul3A_331, %add3A_403 : i32
      %get3A_405 = arith.index_cast %add3A_404 : i32 to index
      %get3A_406 = arith.constant 0 : index
      %get3A_407 = tpu.vector_load %arg10[%get3A_405, %get3A_406] {strides = array<i32>} : memref<200x32xf32, #tpu.memory_space<vmem>>, vector<1x16xf32>,
      %get3A_408 = vector.shape_cast %get3A_407 : vector<1x16xf32> to vector<16xf32>
      %get3A_409 = arith.index_cast %add3A_404 : i32 to index
      %get3A_410 = arith.constant 16 : index
      %get3A_411 = tpu.vector_load %arg10[%get3A_409, %get3A_410] {strides = array<i32>} : memref<200x32xf32, #tpu.memory_space<vmem>>, vector<1x16xf32>,
      %get3A_412 = vector.shape_cast %get3A_411 : vector<1x16xf32> to vector<16xf32>
      %add3A_413 = arith.addf %add3A_389, %get3A_408 : vector<16xf32>
      %add3A_414 = arith.addf %add3A_390, %get3A_412 : vector<16xf32>
      %add3A_415 = arith.constant 7 : i32
      %add3A_416 = arith.addi %mul3A_331, %add3A_415 : i32
      %get3A_417 = arith.index_cast %add3A_416 : i32 to index
      %get3A_418 = arith.constant 0 : index
      %get3A_419 = tpu.vector_load %arg10[%get3A_417, %get3A_418] {strides = array<i32>} : memref<200x32xf32, #tpu.memory_space<vmem>>, vector<1x16xf32>,
      %get3A_420 = vector.shape_cast %get3A_419 : vector<1x16xf32> to vector<16xf32>
      %get3A_421 = arith.index_cast %add3A_416 : i32 to index
      %get3A_422 = arith.constant 16 : index
      %get3A_423 = tpu.vector_load %arg10[%get3A_421, %get3A_422] {strides = array<i32>} : memref<200x32xf32, #tpu.memory_space<vmem>>, vector<1x16xf32>,
      %get3A_424 = vector.shape_cast %get3A_423 : vector<1x16xf32> to vector<16xf32>
      %add3A_425 = arith.addf %add3A_401, %get3A_420 : vector<16xf32>
      %add3A_426 = arith.addf %add3A_402, %get3A_424 : vector<16xf32>
      scf.yield %add3A_413, %add3A_414, %add3A_425, %add3A_426 : vector<16xf32>, vector<16xf32>, vector<16xf32>, vector<16xf32>
    }
    %scan3A_200 = arith.constant 25 : i32
    %add3A_201 = arith.addf %scan3A_199#0, %scan3A_199#2 : vector<16xf32>
    %mul3A_202 = arith.constant 5.000000e-03 : f32
    %mul3A_203 = vector.broadcast %mul3A_202 : f32 to vector<16xf32>
    %mul3A_204 = arith.mulf %add3A_201, %mul3A_203 : vector<16xf32>
    %swap3A_205 = arith.constant 124 : i32
    %swap3A_206 = arith.index_cast %swap3A_205 : i32 to index
    %swap3A_207 = arith.constant 0 : index
    %swap3A_208 = tpu.vector_load %arg14[%swap3A_206, %swap3A_207] {strides = array<i32>} : memref<128x32xf32, #tpu.memory_space<vmem>>, vector<1x16xf32>,
    %swap3A_209 = vector.shape_cast %swap3A_208 : vector<1x16xf32> to vector<16xf32>
    %swap3A_210 = vector.shape_cast %mul3A_204 : vector<16xf32> to vector<1x16xf32>
    tpu.vector_store %arg14[%swap3A_206, %swap3A_207], %swap3A_210 {strides = array<i32>} : memref<128x32xf32, #tpu.memory_space<vmem>>, vector<1x16xf32>,
    %add3A_211 = arith.addf %scan3A_199#1, %scan3A_199#3 : vector<16xf32>
    %mul3A_212 = arith.constant 5.000000e-03 : f32
    %mul3A_213 = vector.broadcast %mul3A_212 : f32 to vector<16xf32>
    %mul3A_214 = arith.mulf %add3A_211, %mul3A_213 : vector<16xf32>
    %swap3A_215 = arith.constant 124 : i32
    %swap3A_216 = arith.index_cast %swap3A_215 : i32 to index
    %swap3A_217 = arith.constant 16 : index
    %swap3A_218 = tpu.vector_load %arg14[%swap3A_216, %swap3A_217] {strides = array<i32>} : memref<128x32xf32, #tpu.memory_space<vmem>>, vector<1x16xf32>,
    %swap3A_219 = vector.shape_cast %swap3A_218 : vector<1x16xf32> to vector<16xf32>
    %swap3A_220 = vector.shape_cast %mul3A_214 : vector<16xf32> to vector<1x16xf32>
    tpu.vector_store %arg14[%swap3A_216, %swap3A_217], %swap3A_220 {strides = array<i32>} : memref<128x32xf32, #tpu.memory_space<vmem>>, vector<1x16xf32>,
    %multiple_of3A_221 = arith.constant 25000 : i32
    %multiple_of3A_222 = tpu.assume_multiple %multiple_of3A_221, 8 : i32
    %dma_wait3A_223 = tpu.memref_slice %arg5[%multiple_of3A_222] : memref<25600xi32, #tpu.memory_space<vmem>> -> memref<200xi32, #tpu.memory_space<vmem>>
    %dma_wait3A_224 = arith.constant 0 : i32
    %dma_wait3A_225 = arith.constant 0 : i32
    %dma_wait3A_226 = tpu.memref_slice %arg3[%dma_wait3A_224, %dma_wait3A_225] : memref<1048576x32xf32, #tpu.memory_space<hbm>> -> memref<1048576x32xf32, #tpu.memory_space<hbm>>
    tpu.wait_indirect_dma semaphore(%arg20 : memref<!tpu.dma_semaphore, #tpu.memory_space<semaphore_mem>>) src(%dma_wait3A_226 : memref<1048576x32xf32, #tpu.memory_space<hbm>>) dst(%arg11 : memref<200x32xf32, #tpu.memory_space<vmem>>)
    %broadcast_in_dim3A_227 = arith.constant 0.000000e+00 : f32
    %broadcast_in_dim3A_228 = vector.broadcast %broadcast_in_dim3A_227 : f32 to vector<16xf32>
    %scan3A_229 = arith.constant 0 : i32
    %scan3A_230 = arith.constant 25 : i32
    %scan3A_231 = arith.addi %scan3A_229, %scan3A_230 : i32
    %scan3A_232 = arith.constant 1 : i32
    %scan3A_233:4 = scf.for %scan3A_325 = %scan3A_229 to %scan3A_231 step %scan3A_232 iter_args(%scan3A_326 = %broadcast_in_dim3A_228, %scan3A_327 = %broadcast_in_dim3A_228, %scan3A_328 = %broadcast_in_dim3A_228, %scan3A_329 = %broadcast_in_dim3A_228) -> (vector<16xf32>, vector<16xf32>, vector<16xf32>, vector<16xf32>)  : i32 {
      %mul3A_330 = arith.constant 8 : i32
      %mul3A_331 = arith.muli %scan3A_325, %mul3A_330 : i32
      %add3A_332 = arith.constant 0 : i32
      %add3A_333 = arith.addi %mul3A_331, %add3A_332 : i32
      %get3A = arith.index_cast %add3A_333 : i32 to index
      %get3A_334 = arith.constant 0 : index
      %get3A_335 = tpu.vector_load %arg11[%get3A, %get3A_334] {strides = array<i32>} : memref<200x32xf32, #tpu.memory_space<vmem>>, vector<1x16xf32>,
      %get3A_336 = vector.shape_cast %get3A_335 : vector<1x16xf32> to vector<16xf32>
      %get3A_337 = arith.index_cast %add3A_333 : i32 to index
      %get3A_338 = arith.constant 16 : index
      %get3A_339 = tpu.vector_load %arg11[%get3A_337, %get3A_338] {strides = array<i32>} : memref<200x32xf32, #tpu.memory_space<vmem>>, vector<1x16xf32>,
      %get3A_340 = vector.shape_cast %get3A_339 : vector<1x16xf32> to vector<16xf32>
      %add3A_341 = arith.addf %scan3A_326, %get3A_336 : vector<16xf32>
      %add3A_342 = arith.addf %scan3A_327, %get3A_340 : vector<16xf32>
      %add3A_343 = arith.constant 1 : i32
      %add3A_344 = arith.addi %mul3A_331, %add3A_343 : i32
      %get3A_345 = arith.index_cast %add3A_344 : i32 to index
      %get3A_346 = arith.constant 0 : index
      %get3A_347 = tpu.vector_load %arg11[%get3A_345, %get3A_346] {strides = array<i32>} : memref<200x32xf32, #tpu.memory_space<vmem>>, vector<1x16xf32>,
      %get3A_348 = vector.shape_cast %get3A_347 : vector<1x16xf32> to vector<16xf32>
      %get3A_349 = arith.index_cast %add3A_344 : i32 to index
      %get3A_350 = arith.constant 16 : index
      %get3A_351 = tpu.vector_load %arg11[%get3A_349, %get3A_350] {strides = array<i32>} : memref<200x32xf32, #tpu.memory_space<vmem>>, vector<1x16xf32>,
      %get3A_352 = vector.shape_cast %get3A_351 : vector<1x16xf32> to vector<16xf32>
      %add3A_353 = arith.addf %scan3A_328, %get3A_348 : vector<16xf32>
      %add3A_354 = arith.addf %scan3A_329, %get3A_352 : vector<16xf32>
      %add3A_355 = arith.constant 2 : i32
      %add3A_356 = arith.addi %mul3A_331, %add3A_355 : i32
      %get3A_357 = arith.index_cast %add3A_356 : i32 to index
      %get3A_358 = arith.constant 0 : index
      %get3A_359 = tpu.vector_load %arg11[%get3A_357, %get3A_358] {strides = array<i32>} : memref<200x32xf32, #tpu.memory_space<vmem>>, vector<1x16xf32>,
      %get3A_360 = vector.shape_cast %get3A_359 : vector<1x16xf32> to vector<16xf32>
      %get3A_361 = arith.index_cast %add3A_356 : i32 to index
      %get3A_362 = arith.constant 16 : index
      %get3A_363 = tpu.vector_load %arg11[%get3A_361, %get3A_362] {strides = array<i32>} : memref<200x32xf32, #tpu.memory_space<vmem>>, vector<1x16xf32>,
      %get3A_364 = vector.shape_cast %get3A_363 : vector<1x16xf32> to vector<16xf32>
      %add3A_365 = arith.addf %add3A_341, %get3A_360 : vector<16xf32>
      %add3A_366 = arith.addf %add3A_342, %get3A_364 : vector<16xf32>
      %add3A_367 = arith.constant 3 : i32
      %add3A_368 = arith.addi %mul3A_331, %add3A_367 : i32
      %get3A_369 = arith.index_cast %add3A_368 : i32 to index
      %get3A_370 = arith.constant 0 : index
      %get3A_371 = tpu.vector_load %arg11[%get3A_369, %get3A_370] {strides = array<i32>} : memref<200x32xf32, #tpu.memory_space<vmem>>, vector<1x16xf32>,
      %get3A_372 = vector.shape_cast %get3A_371 : vector<1x16xf32> to vector<16xf32>
      %get3A_373 = arith.index_cast %add3A_368 : i32 to index
      %get3A_374 = arith.constant 16 : index
      %get3A_375 = tpu.vector_load %arg11[%get3A_373, %get3A_374] {strides = array<i32>} : memref<200x32xf32, #tpu.memory_space<vmem>>, vector<1x16xf32>,
      %get3A_376 = vector.shape_cast %get3A_375 : vector<1x16xf32> to vector<16xf32>
      %add3A_377 = arith.addf %add3A_353, %get3A_372 : vector<16xf32>
      %add3A_378 = arith.addf %add3A_354, %get3A_376 : vector<16xf32>
      %add3A_379 = arith.constant 4 : i32
      %add3A_380 = arith.addi %mul3A_331, %add3A_379 : i32
      %get3A_381 = arith.index_cast %add3A_380 : i32 to index
      %get3A_382 = arith.constant 0 : index
      %get3A_383 = tpu.vector_load %arg11[%get3A_381, %get3A_382] {strides = array<i32>} : memref<200x32xf32, #tpu.memory_space<vmem>>, vector<1x16xf32>,
      %get3A_384 = vector.shape_cast %get3A_383 : vector<1x16xf32> to vector<16xf32>
      %get3A_385 = arith.index_cast %add3A_380 : i32 to index
      %get3A_386 = arith.constant 16 : index
      %get3A_387 = tpu.vector_load %arg11[%get3A_385, %get3A_386] {strides = array<i32>} : memref<200x32xf32, #tpu.memory_space<vmem>>, vector<1x16xf32>,
      %get3A_388 = vector.shape_cast %get3A_387 : vector<1x16xf32> to vector<16xf32>
      %add3A_389 = arith.addf %add3A_365, %get3A_384 : vector<16xf32>
      %add3A_390 = arith.addf %add3A_366, %get3A_388 : vector<16xf32>
      %add3A_391 = arith.constant 5 : i32
      %add3A_392 = arith.addi %mul3A_331, %add3A_391 : i32
      %get3A_393 = arith.index_cast %add3A_392 : i32 to index
      %get3A_394 = arith.constant 0 : index
      %get3A_395 = tpu.vector_load %arg11[%get3A_393, %get3A_394] {strides = array<i32>} : memref<200x32xf32, #tpu.memory_space<vmem>>, vector<1x16xf32>,
      %get3A_396 = vector.shape_cast %get3A_395 : vector<1x16xf32> to vector<16xf32>
      %get3A_397 = arith.index_cast %add3A_392 : i32 to index
      %get3A_398 = arith.constant 16 : index
      %get3A_399 = tpu.vector_load %arg11[%get3A_397, %get3A_398] {strides = array<i32>} : memref<200x32xf32, #tpu.memory_space<vmem>>, vector<1x16xf32>,
      %get3A_400 = vector.shape_cast %get3A_399 : vector<1x16xf32> to vector<16xf32>
      %add3A_401 = arith.addf %add3A_377, %get3A_396 : vector<16xf32>
      %add3A_402 = arith.addf %add3A_378, %get3A_400 : vector<16xf32>
      %add3A_403 = arith.constant 6 : i32
      %add3A_404 = arith.addi %mul3A_331, %add3A_403 : i32
      %get3A_405 = arith.index_cast %add3A_404 : i32 to index
      %get3A_406 = arith.constant 0 : index
      %get3A_407 = tpu.vector_load %arg11[%get3A_405, %get3A_406] {strides = array<i32>} : memref<200x32xf32, #tpu.memory_space<vmem>>, vector<1x16xf32>,
      %get3A_408 = vector.shape_cast %get3A_407 : vector<1x16xf32> to vector<16xf32>
      %get3A_409 = arith.index_cast %add3A_404 : i32 to index
      %get3A_410 = arith.constant 16 : index
      %get3A_411 = tpu.vector_load %arg11[%get3A_409, %get3A_410] {strides = array<i32>} : memref<200x32xf32, #tpu.memory_space<vmem>>, vector<1x16xf32>,
      %get3A_412 = vector.shape_cast %get3A_411 : vector<1x16xf32> to vector<16xf32>
      %add3A_413 = arith.addf %add3A_389, %get3A_408 : vector<16xf32>
      %add3A_414 = arith.addf %add3A_390, %get3A_412 : vector<16xf32>
      %add3A_415 = arith.constant 7 : i32
      %add3A_416 = arith.addi %mul3A_331, %add3A_415 : i32
      %get3A_417 = arith.index_cast %add3A_416 : i32 to index
      %get3A_418 = arith.constant 0 : index
      %get3A_419 = tpu.vector_load %arg11[%get3A_417, %get3A_418] {strides = array<i32>} : memref<200x32xf32, #tpu.memory_space<vmem>>, vector<1x16xf32>,
      %get3A_420 = vector.shape_cast %get3A_419 : vector<1x16xf32> to vector<16xf32>
      %get3A_421 = arith.index_cast %add3A_416 : i32 to index
      %get3A_422 = arith.constant 16 : index
      %get3A_423 = tpu.vector_load %arg11[%get3A_421, %get3A_422] {strides = array<i32>} : memref<200x32xf32, #tpu.memory_space<vmem>>, vector<1x16xf32>,
      %get3A_424 = vector.shape_cast %get3A_423 : vector<1x16xf32> to vector<16xf32>
      %add3A_425 = arith.addf %add3A_401, %get3A_420 : vector<16xf32>
      %add3A_426 = arith.addf %add3A_402, %get3A_424 : vector<16xf32>
      scf.yield %add3A_413, %add3A_414, %add3A_425, %add3A_426 : vector<16xf32>, vector<16xf32>, vector<16xf32>, vector<16xf32>
    }
    %scan3A_234 = arith.constant 25 : i32
    %add3A_235 = arith.addf %scan3A_233#0, %scan3A_233#2 : vector<16xf32>
    %mul3A_236 = arith.constant 5.000000e-03 : f32
    %mul3A_237 = vector.broadcast %mul3A_236 : f32 to vector<16xf32>
    %mul3A_238 = arith.mulf %add3A_235, %mul3A_237 : vector<16xf32>
    %swap3A_239 = arith.constant 125 : i32
    %swap3A_240 = arith.index_cast %swap3A_239 : i32 to index
    %swap3A_241 = arith.constant 0 : index
    %swap3A_242 = tpu.vector_load %arg14[%swap3A_240, %swap3A_241] {strides = array<i32>} : memref<128x32xf32, #tpu.memory_space<vmem>>, vector<1x16xf32>,
    %swap3A_243 = vector.shape_cast %swap3A_242 : vector<1x16xf32> to vector<16xf32>
    %swap3A_244 = vector.shape_cast %mul3A_238 : vector<16xf32> to vector<1x16xf32>
    tpu.vector_store %arg14[%swap3A_240, %swap3A_241], %swap3A_244 {strides = array<i32>} : memref<128x32xf32, #tpu.memory_space<vmem>>, vector<1x16xf32>,
    %add3A_245 = arith.addf %scan3A_233#1, %scan3A_233#3 : vector<16xf32>
    %mul3A_246 = arith.constant 5.000000e-03 : f32
    %mul3A_247 = vector.broadcast %mul3A_246 : f32 to vector<16xf32>
    %mul3A_248 = arith.mulf %add3A_245, %mul3A_247 : vector<16xf32>
    %swap3A_249 = arith.constant 125 : i32
    %swap3A_250 = arith.index_cast %swap3A_249 : i32 to index
    %swap3A_251 = arith.constant 16 : index
    %swap3A_252 = tpu.vector_load %arg14[%swap3A_250, %swap3A_251] {strides = array<i32>} : memref<128x32xf32, #tpu.memory_space<vmem>>, vector<1x16xf32>,
    %swap3A_253 = vector.shape_cast %swap3A_252 : vector<1x16xf32> to vector<16xf32>
    %swap3A_254 = vector.shape_cast %mul3A_248 : vector<16xf32> to vector<1x16xf32>
    tpu.vector_store %arg14[%swap3A_250, %swap3A_251], %swap3A_254 {strides = array<i32>} : memref<128x32xf32, #tpu.memory_space<vmem>>, vector<1x16xf32>,
    %multiple_of3A_255 = arith.constant 25200 : i32
    %multiple_of3A_256 = tpu.assume_multiple %multiple_of3A_255, 8 : i32
    %dma_wait3A_257 = tpu.memref_slice %arg5[%multiple_of3A_256] : memref<25600xi32, #tpu.memory_space<vmem>> -> memref<200xi32, #tpu.memory_space<vmem>>
    %dma_wait3A_258 = arith.constant 0 : i32
    %dma_wait3A_259 = arith.constant 0 : i32
    %dma_wait3A_260 = tpu.memref_slice %arg3[%dma_wait3A_258, %dma_wait3A_259] : memref<1048576x32xf32, #tpu.memory_space<hbm>> -> memref<1048576x32xf32, #tpu.memory_space<hbm>>
    tpu.wait_indirect_dma semaphore(%arg21 : memref<!tpu.dma_semaphore, #tpu.memory_space<semaphore_mem>>) src(%dma_wait3A_260 : memref<1048576x32xf32, #tpu.memory_space<hbm>>) dst(%arg12 : memref<200x32xf32, #tpu.memory_space<vmem>>)
    %broadcast_in_dim3A_261 = arith.constant 0.000000e+00 : f32
    %broadcast_in_dim3A_262 = vector.broadcast %broadcast_in_dim3A_261 : f32 to vector<16xf32>
    %scan3A_263 = arith.constant 0 : i32
    %scan3A_264 = arith.constant 25 : i32
    %scan3A_265 = arith.addi %scan3A_263, %scan3A_264 : i32
    %scan3A_266 = arith.constant 1 : i32
    %scan3A_267:4 = scf.for %scan3A_325 = %scan3A_263 to %scan3A_265 step %scan3A_266 iter_args(%scan3A_326 = %broadcast_in_dim3A_262, %scan3A_327 = %broadcast_in_dim3A_262, %scan3A_328 = %broadcast_in_dim3A_262, %scan3A_329 = %broadcast_in_dim3A_262) -> (vector<16xf32>, vector<16xf32>, vector<16xf32>, vector<16xf32>)  : i32 {
      %mul3A_330 = arith.constant 8 : i32
      %mul3A_331 = arith.muli %scan3A_325, %mul3A_330 : i32
      %add3A_332 = arith.constant 0 : i32
      %add3A_333 = arith.addi %mul3A_331, %add3A_332 : i32
      %get3A = arith.index_cast %add3A_333 : i32 to index
      %get3A_334 = arith.constant 0 : index
      %get3A_335 = tpu.vector_load %arg12[%get3A, %get3A_334] {strides = array<i32>} : memref<200x32xf32, #tpu.memory_space<vmem>>, vector<1x16xf32>,
      %get3A_336 = vector.shape_cast %get3A_335 : vector<1x16xf32> to vector<16xf32>
      %get3A_337 = arith.index_cast %add3A_333 : i32 to index
      %get3A_338 = arith.constant 16 : index
      %get3A_339 = tpu.vector_load %arg12[%get3A_337, %get3A_338] {strides = array<i32>} : memref<200x32xf32, #tpu.memory_space<vmem>>, vector<1x16xf32>,
      %get3A_340 = vector.shape_cast %get3A_339 : vector<1x16xf32> to vector<16xf32>
      %add3A_341 = arith.addf %scan3A_326, %get3A_336 : vector<16xf32>
      %add3A_342 = arith.addf %scan3A_327, %get3A_340 : vector<16xf32>
      %add3A_343 = arith.constant 1 : i32
      %add3A_344 = arith.addi %mul3A_331, %add3A_343 : i32
      %get3A_345 = arith.index_cast %add3A_344 : i32 to index
      %get3A_346 = arith.constant 0 : index
      %get3A_347 = tpu.vector_load %arg12[%get3A_345, %get3A_346] {strides = array<i32>} : memref<200x32xf32, #tpu.memory_space<vmem>>, vector<1x16xf32>,
      %get3A_348 = vector.shape_cast %get3A_347 : vector<1x16xf32> to vector<16xf32>
      %get3A_349 = arith.index_cast %add3A_344 : i32 to index
      %get3A_350 = arith.constant 16 : index
      %get3A_351 = tpu.vector_load %arg12[%get3A_349, %get3A_350] {strides = array<i32>} : memref<200x32xf32, #tpu.memory_space<vmem>>, vector<1x16xf32>,
      %get3A_352 = vector.shape_cast %get3A_351 : vector<1x16xf32> to vector<16xf32>
      %add3A_353 = arith.addf %scan3A_328, %get3A_348 : vector<16xf32>
      %add3A_354 = arith.addf %scan3A_329, %get3A_352 : vector<16xf32>
      %add3A_355 = arith.constant 2 : i32
      %add3A_356 = arith.addi %mul3A_331, %add3A_355 : i32
      %get3A_357 = arith.index_cast %add3A_356 : i32 to index
      %get3A_358 = arith.constant 0 : index
      %get3A_359 = tpu.vector_load %arg12[%get3A_357, %get3A_358] {strides = array<i32>} : memref<200x32xf32, #tpu.memory_space<vmem>>, vector<1x16xf32>,
      %get3A_360 = vector.shape_cast %get3A_359 : vector<1x16xf32> to vector<16xf32>
      %get3A_361 = arith.index_cast %add3A_356 : i32 to index
      %get3A_362 = arith.constant 16 : index
      %get3A_363 = tpu.vector_load %arg12[%get3A_361, %get3A_362] {strides = array<i32>} : memref<200x32xf32, #tpu.memory_space<vmem>>, vector<1x16xf32>,
      %get3A_364 = vector.shape_cast %get3A_363 : vector<1x16xf32> to vector<16xf32>
      %add3A_365 = arith.addf %add3A_341, %get3A_360 : vector<16xf32>
      %add3A_366 = arith.addf %add3A_342, %get3A_364 : vector<16xf32>
      %add3A_367 = arith.constant 3 : i32
      %add3A_368 = arith.addi %mul3A_331, %add3A_367 : i32
      %get3A_369 = arith.index_cast %add3A_368 : i32 to index
      %get3A_370 = arith.constant 0 : index
      %get3A_371 = tpu.vector_load %arg12[%get3A_369, %get3A_370] {strides = array<i32>} : memref<200x32xf32, #tpu.memory_space<vmem>>, vector<1x16xf32>,
      %get3A_372 = vector.shape_cast %get3A_371 : vector<1x16xf32> to vector<16xf32>
      %get3A_373 = arith.index_cast %add3A_368 : i32 to index
      %get3A_374 = arith.constant 16 : index
      %get3A_375 = tpu.vector_load %arg12[%get3A_373, %get3A_374] {strides = array<i32>} : memref<200x32xf32, #tpu.memory_space<vmem>>, vector<1x16xf32>,
      %get3A_376 = vector.shape_cast %get3A_375 : vector<1x16xf32> to vector<16xf32>
      %add3A_377 = arith.addf %add3A_353, %get3A_372 : vector<16xf32>
      %add3A_378 = arith.addf %add3A_354, %get3A_376 : vector<16xf32>
      %add3A_379 = arith.constant 4 : i32
      %add3A_380 = arith.addi %mul3A_331, %add3A_379 : i32
      %get3A_381 = arith.index_cast %add3A_380 : i32 to index
      %get3A_382 = arith.constant 0 : index
      %get3A_383 = tpu.vector_load %arg12[%get3A_381, %get3A_382] {strides = array<i32>} : memref<200x32xf32, #tpu.memory_space<vmem>>, vector<1x16xf32>,
      %get3A_384 = vector.shape_cast %get3A_383 : vector<1x16xf32> to vector<16xf32>
      %get3A_385 = arith.index_cast %add3A_380 : i32 to index
      %get3A_386 = arith.constant 16 : index
      %get3A_387 = tpu.vector_load %arg12[%get3A_385, %get3A_386] {strides = array<i32>} : memref<200x32xf32, #tpu.memory_space<vmem>>, vector<1x16xf32>,
      %get3A_388 = vector.shape_cast %get3A_387 : vector<1x16xf32> to vector<16xf32>
      %add3A_389 = arith.addf %add3A_365, %get3A_384 : vector<16xf32>
      %add3A_390 = arith.addf %add3A_366, %get3A_388 : vector<16xf32>
      %add3A_391 = arith.constant 5 : i32
      %add3A_392 = arith.addi %mul3A_331, %add3A_391 : i32
      %get3A_393 = arith.index_cast %add3A_392 : i32 to index
      %get3A_394 = arith.constant 0 : index
      %get3A_395 = tpu.vector_load %arg12[%get3A_393, %get3A_394] {strides = array<i32>} : memref<200x32xf32, #tpu.memory_space<vmem>>, vector<1x16xf32>,
      %get3A_396 = vector.shape_cast %get3A_395 : vector<1x16xf32> to vector<16xf32>
      %get3A_397 = arith.index_cast %add3A_392 : i32 to index
      %get3A_398 = arith.constant 16 : index
      %get3A_399 = tpu.vector_load %arg12[%get3A_397, %get3A_398] {strides = array<i32>} : memref<200x32xf32, #tpu.memory_space<vmem>>, vector<1x16xf32>,
      %get3A_400 = vector.shape_cast %get3A_399 : vector<1x16xf32> to vector<16xf32>
      %add3A_401 = arith.addf %add3A_377, %get3A_396 : vector<16xf32>
      %add3A_402 = arith.addf %add3A_378, %get3A_400 : vector<16xf32>
      %add3A_403 = arith.constant 6 : i32
      %add3A_404 = arith.addi %mul3A_331, %add3A_403 : i32
      %get3A_405 = arith.index_cast %add3A_404 : i32 to index
      %get3A_406 = arith.constant 0 : index
      %get3A_407 = tpu.vector_load %arg12[%get3A_405, %get3A_406] {strides = array<i32>} : memref<200x32xf32, #tpu.memory_space<vmem>>, vector<1x16xf32>,
      %get3A_408 = vector.shape_cast %get3A_407 : vector<1x16xf32> to vector<16xf32>
      %get3A_409 = arith.index_cast %add3A_404 : i32 to index
      %get3A_410 = arith.constant 16 : index
      %get3A_411 = tpu.vector_load %arg12[%get3A_409, %get3A_410] {strides = array<i32>} : memref<200x32xf32, #tpu.memory_space<vmem>>, vector<1x16xf32>,
      %get3A_412 = vector.shape_cast %get3A_411 : vector<1x16xf32> to vector<16xf32>
      %add3A_413 = arith.addf %add3A_389, %get3A_408 : vector<16xf32>
      %add3A_414 = arith.addf %add3A_390, %get3A_412 : vector<16xf32>
      %add3A_415 = arith.constant 7 : i32
      %add3A_416 = arith.addi %mul3A_331, %add3A_415 : i32
      %get3A_417 = arith.index_cast %add3A_416 : i32 to index
      %get3A_418 = arith.constant 0 : index
      %get3A_419 = tpu.vector_load %arg12[%get3A_417, %get3A_418] {strides = array<i32>} : memref<200x32xf32, #tpu.memory_space<vmem>>, vector<1x16xf32>,
      %get3A_420 = vector.shape_cast %get3A_419 : vector<1x16xf32> to vector<16xf32>
      %get3A_421 = arith.index_cast %add3A_416 : i32 to index
      %get3A_422 = arith.constant 16 : index
      %get3A_423 = tpu.vector_load %arg12[%get3A_421, %get3A_422] {strides = array<i32>} : memref<200x32xf32, #tpu.memory_space<vmem>>, vector<1x16xf32>,
      %get3A_424 = vector.shape_cast %get3A_423 : vector<1x16xf32> to vector<16xf32>
      %add3A_425 = arith.addf %add3A_401, %get3A_420 : vector<16xf32>
      %add3A_426 = arith.addf %add3A_402, %get3A_424 : vector<16xf32>
      scf.yield %add3A_413, %add3A_414, %add3A_425, %add3A_426 : vector<16xf32>, vector<16xf32>, vector<16xf32>, vector<16xf32>
    }
    %scan3A_268 = arith.constant 25 : i32
    %add3A_269 = arith.addf %scan3A_267#0, %scan3A_267#2 : vector<16xf32>
    %mul3A_270 = arith.constant 5.000000e-03 : f32
    %mul3A_271 = vector.broadcast %mul3A_270 : f32 to vector<16xf32>
    %mul3A_272 = arith.mulf %add3A_269, %mul3A_271 : vector<16xf32>
    %swap3A_273 = arith.constant 126 : i32
    %swap3A_274 = arith.index_cast %swap3A_273 : i32 to index
    %swap3A_275 = arith.constant 0 : index
    %swap3A_276 = tpu.vector_load %arg14[%swap3A_274, %swap3A_275] {strides = array<i32>} : memref<128x32xf32, #tpu.memory_space<vmem>>, vector<1x16xf32>,
    %swap3A_277 = vector.shape_cast %swap3A_276 : vector<1x16xf32> to vector<16xf32>
    %swap3A_278 = vector.shape_cast %mul3A_272 : vector<16xf32> to vector<1x16xf32>
    tpu.vector_store %arg14[%swap3A_274, %swap3A_275], %swap3A_278 {strides = array<i32>} : memref<128x32xf32, #tpu.memory_space<vmem>>, vector<1x16xf32>,
    %add3A_279 = arith.addf %scan3A_267#1, %scan3A_267#3 : vector<16xf32>
    %mul3A_280 = arith.constant 5.000000e-03 : f32
    %mul3A_281 = vector.broadcast %mul3A_280 : f32 to vector<16xf32>
    %mul3A_282 = arith.mulf %add3A_279, %mul3A_281 : vector<16xf32>
    %swap3A_283 = arith.constant 126 : i32
    %swap3A_284 = arith.index_cast %swap3A_283 : i32 to index
    %swap3A_285 = arith.constant 16 : index
    %swap3A_286 = tpu.vector_load %arg14[%swap3A_284, %swap3A_285] {strides = array<i32>} : memref<128x32xf32, #tpu.memory_space<vmem>>, vector<1x16xf32>,
    %swap3A_287 = vector.shape_cast %swap3A_286 : vector<1x16xf32> to vector<16xf32>
    %swap3A_288 = vector.shape_cast %mul3A_282 : vector<16xf32> to vector<1x16xf32>
    tpu.vector_store %arg14[%swap3A_284, %swap3A_285], %swap3A_288 {strides = array<i32>} : memref<128x32xf32, #tpu.memory_space<vmem>>, vector<1x16xf32>,
    %multiple_of3A_289 = arith.constant 25400 : i32
    %multiple_of3A_290 = tpu.assume_multiple %multiple_of3A_289, 8 : i32
    %dma_wait3A_291 = tpu.memref_slice %arg5[%multiple_of3A_290] : memref<25600xi32, #tpu.memory_space<vmem>> -> memref<200xi32, #tpu.memory_space<vmem>>
    %dma_wait3A_292 = arith.constant 0 : i32
    %dma_wait3A_293 = arith.constant 0 : i32
    %dma_wait3A_294 = tpu.memref_slice %arg3[%dma_wait3A_292, %dma_wait3A_293] : memref<1048576x32xf32, #tpu.memory_space<hbm>> -> memref<1048576x32xf32, #tpu.memory_space<hbm>>
    tpu.wait_indirect_dma semaphore(%arg22 : memref<!tpu.dma_semaphore, #tpu.memory_space<semaphore_mem>>) src(%dma_wait3A_294 : memref<1048576x32xf32, #tpu.memory_space<hbm>>) dst(%arg13 : memref<200x32xf32, #tpu.memory_space<vmem>>)
    %broadcast_in_dim3A_295 = arith.constant 0.000000e+00 : f32
    %broadcast_in_dim3A_296 = vector.broadcast %broadcast_in_dim3A_295 : f32 to vector<16xf32>
    %scan3A_297 = arith.constant 0 : i32
    %scan3A_298 = arith.constant 25 : i32
    %scan3A_299 = arith.addi %scan3A_297, %scan3A_298 : i32
    %scan3A_300 = arith.constant 1 : i32
    %scan3A_301:4 = scf.for %scan3A_325 = %scan3A_297 to %scan3A_299 step %scan3A_300 iter_args(%scan3A_326 = %broadcast_in_dim3A_296, %scan3A_327 = %broadcast_in_dim3A_296, %scan3A_328 = %broadcast_in_dim3A_296, %scan3A_329 = %broadcast_in_dim3A_296) -> (vector<16xf32>, vector<16xf32>, vector<16xf32>, vector<16xf32>)  : i32 {
      %mul3A_330 = arith.constant 8 : i32
      %mul3A_331 = arith.muli %scan3A_325, %mul3A_330 : i32
      %add3A_332 = arith.constant 0 : i32
      %add3A_333 = arith.addi %mul3A_331, %add3A_332 : i32
      %get3A = arith.index_cast %add3A_333 : i32 to index
      %get3A_334 = arith.constant 0 : index
      %get3A_335 = tpu.vector_load %arg13[%get3A, %get3A_334] {strides = array<i32>} : memref<200x32xf32, #tpu.memory_space<vmem>>, vector<1x16xf32>,
      %get3A_336 = vector.shape_cast %get3A_335 : vector<1x16xf32> to vector<16xf32>
      %get3A_337 = arith.index_cast %add3A_333 : i32 to index
      %get3A_338 = arith.constant 16 : index
      %get3A_339 = tpu.vector_load %arg13[%get3A_337, %get3A_338] {strides = array<i32>} : memref<200x32xf32, #tpu.memory_space<vmem>>, vector<1x16xf32>,
      %get3A_340 = vector.shape_cast %get3A_339 : vector<1x16xf32> to vector<16xf32>
      %add3A_341 = arith.addf %scan3A_326, %get3A_336 : vector<16xf32>
      %add3A_342 = arith.addf %scan3A_327, %get3A_340 : vector<16xf32>
      %add3A_343 = arith.constant 1 : i32
      %add3A_344 = arith.addi %mul3A_331, %add3A_343 : i32
      %get3A_345 = arith.index_cast %add3A_344 : i32 to index
      %get3A_346 = arith.constant 0 : index
      %get3A_347 = tpu.vector_load %arg13[%get3A_345, %get3A_346] {strides = array<i32>} : memref<200x32xf32, #tpu.memory_space<vmem>>, vector<1x16xf32>,
      %get3A_348 = vector.shape_cast %get3A_347 : vector<1x16xf32> to vector<16xf32>
      %get3A_349 = arith.index_cast %add3A_344 : i32 to index
      %get3A_350 = arith.constant 16 : index
      %get3A_351 = tpu.vector_load %arg13[%get3A_349, %get3A_350] {strides = array<i32>} : memref<200x32xf32, #tpu.memory_space<vmem>>, vector<1x16xf32>,
      %get3A_352 = vector.shape_cast %get3A_351 : vector<1x16xf32> to vector<16xf32>
      %add3A_353 = arith.addf %scan3A_328, %get3A_348 : vector<16xf32>
      %add3A_354 = arith.addf %scan3A_329, %get3A_352 : vector<16xf32>
      %add3A_355 = arith.constant 2 : i32
      %add3A_356 = arith.addi %mul3A_331, %add3A_355 : i32
      %get3A_357 = arith.index_cast %add3A_356 : i32 to index
      %get3A_358 = arith.constant 0 : index
      %get3A_359 = tpu.vector_load %arg13[%get3A_357, %get3A_358] {strides = array<i32>} : memref<200x32xf32, #tpu.memory_space<vmem>>, vector<1x16xf32>,
      %get3A_360 = vector.shape_cast %get3A_359 : vector<1x16xf32> to vector<16xf32>
      %get3A_361 = arith.index_cast %add3A_356 : i32 to index
      %get3A_362 = arith.constant 16 : index
      %get3A_363 = tpu.vector_load %arg13[%get3A_361, %get3A_362] {strides = array<i32>} : memref<200x32xf32, #tpu.memory_space<vmem>>, vector<1x16xf32>,
      %get3A_364 = vector.shape_cast %get3A_363 : vector<1x16xf32> to vector<16xf32>
      %add3A_365 = arith.addf %add3A_341, %get3A_360 : vector<16xf32>
      %add3A_366 = arith.addf %add3A_342, %get3A_364 : vector<16xf32>
      %add3A_367 = arith.constant 3 : i32
      %add3A_368 = arith.addi %mul3A_331, %add3A_367 : i32
      %get3A_369 = arith.index_cast %add3A_368 : i32 to index
      %get3A_370 = arith.constant 0 : index
      %get3A_371 = tpu.vector_load %arg13[%get3A_369, %get3A_370] {strides = array<i32>} : memref<200x32xf32, #tpu.memory_space<vmem>>, vector<1x16xf32>,
      %get3A_372 = vector.shape_cast %get3A_371 : vector<1x16xf32> to vector<16xf32>
      %get3A_373 = arith.index_cast %add3A_368 : i32 to index
      %get3A_374 = arith.constant 16 : index
      %get3A_375 = tpu.vector_load %arg13[%get3A_373, %get3A_374] {strides = array<i32>} : memref<200x32xf32, #tpu.memory_space<vmem>>, vector<1x16xf32>,
      %get3A_376 = vector.shape_cast %get3A_375 : vector<1x16xf32> to vector<16xf32>
      %add3A_377 = arith.addf %add3A_353, %get3A_372 : vector<16xf32>
      %add3A_378 = arith.addf %add3A_354, %get3A_376 : vector<16xf32>
      %add3A_379 = arith.constant 4 : i32
      %add3A_380 = arith.addi %mul3A_331, %add3A_379 : i32
      %get3A_381 = arith.index_cast %add3A_380 : i32 to index
      %get3A_382 = arith.constant 0 : index
      %get3A_383 = tpu.vector_load %arg13[%get3A_381, %get3A_382] {strides = array<i32>} : memref<200x32xf32, #tpu.memory_space<vmem>>, vector<1x16xf32>,
      %get3A_384 = vector.shape_cast %get3A_383 : vector<1x16xf32> to vector<16xf32>
      %get3A_385 = arith.index_cast %add3A_380 : i32 to index
      %get3A_386 = arith.constant 16 : index
      %get3A_387 = tpu.vector_load %arg13[%get3A_385, %get3A_386] {strides = array<i32>} : memref<200x32xf32, #tpu.memory_space<vmem>>, vector<1x16xf32>,
      %get3A_388 = vector.shape_cast %get3A_387 : vector<1x16xf32> to vector<16xf32>
      %add3A_389 = arith.addf %add3A_365, %get3A_384 : vector<16xf32>
      %add3A_390 = arith.addf %add3A_366, %get3A_388 : vector<16xf32>
      %add3A_391 = arith.constant 5 : i32
      %add3A_392 = arith.addi %mul3A_331, %add3A_391 : i32
      %get3A_393 = arith.index_cast %add3A_392 : i32 to index
      %get3A_394 = arith.constant 0 : index
      %get3A_395 = tpu.vector_load %arg13[%get3A_393, %get3A_394] {strides = array<i32>} : memref<200x32xf32, #tpu.memory_space<vmem>>, vector<1x16xf32>,
      %get3A_396 = vector.shape_cast %get3A_395 : vector<1x16xf32> to vector<16xf32>
      %get3A_397 = arith.index_cast %add3A_392 : i32 to index
      %get3A_398 = arith.constant 16 : index
      %get3A_399 = tpu.vector_load %arg13[%get3A_397, %get3A_398] {strides = array<i32>} : memref<200x32xf32, #tpu.memory_space<vmem>>, vector<1x16xf32>,
      %get3A_400 = vector.shape_cast %get3A_399 : vector<1x16xf32> to vector<16xf32>
      %add3A_401 = arith.addf %add3A_377, %get3A_396 : vector<16xf32>
      %add3A_402 = arith.addf %add3A_378, %get3A_400 : vector<16xf32>
      %add3A_403 = arith.constant 6 : i32
      %add3A_404 = arith.addi %mul3A_331, %add3A_403 : i32
      %get3A_405 = arith.index_cast %add3A_404 : i32 to index
      %get3A_406 = arith.constant 0 : index
      %get3A_407 = tpu.vector_load %arg13[%get3A_405, %get3A_406] {strides = array<i32>} : memref<200x32xf32, #tpu.memory_space<vmem>>, vector<1x16xf32>,
      %get3A_408 = vector.shape_cast %get3A_407 : vector<1x16xf32> to vector<16xf32>
      %get3A_409 = arith.index_cast %add3A_404 : i32 to index
      %get3A_410 = arith.constant 16 : index
      %get3A_411 = tpu.vector_load %arg13[%get3A_409, %get3A_410] {strides = array<i32>} : memref<200x32xf32, #tpu.memory_space<vmem>>, vector<1x16xf32>,
      %get3A_412 = vector.shape_cast %get3A_411 : vector<1x16xf32> to vector<16xf32>
      %add3A_413 = arith.addf %add3A_389, %get3A_408 : vector<16xf32>
      %add3A_414 = arith.addf %add3A_390, %get3A_412 : vector<16xf32>
      %add3A_415 = arith.constant 7 : i32
      %add3A_416 = arith.addi %mul3A_331, %add3A_415 : i32
      %get3A_417 = arith.index_cast %add3A_416 : i32 to index
      %get3A_418 = arith.constant 0 : index
      %get3A_419 = tpu.vector_load %arg13[%get3A_417, %get3A_418] {strides = array<i32>} : memref<200x32xf32, #tpu.memory_space<vmem>>, vector<1x16xf32>,
      %get3A_420 = vector.shape_cast %get3A_419 : vector<1x16xf32> to vector<16xf32>
      %get3A_421 = arith.index_cast %add3A_416 : i32 to index
      %get3A_422 = arith.constant 16 : index
      %get3A_423 = tpu.vector_load %arg13[%get3A_421, %get3A_422] {strides = array<i32>} : memref<200x32xf32, #tpu.memory_space<vmem>>, vector<1x16xf32>,
      %get3A_424 = vector.shape_cast %get3A_423 : vector<1x16xf32> to vector<16xf32>
      %add3A_425 = arith.addf %add3A_401, %get3A_420 : vector<16xf32>
      %add3A_426 = arith.addf %add3A_402, %get3A_424 : vector<16xf32>
      scf.yield %add3A_413, %add3A_414, %add3A_425, %add3A_426 : vector<16xf32>, vector<16xf32>, vector<16xf32>, vector<16xf32>
    }
    %scan3A_302 = arith.constant 25 : i32
    %add3A_303 = arith.addf %scan3A_301#0, %scan3A_301#2 : vector<16xf32>
    %mul3A_304 = arith.constant 5.000000e-03 : f32
    %mul3A_305 = vector.broadcast %mul3A_304 : f32 to vector<16xf32>
    %mul3A_306 = arith.mulf %add3A_303, %mul3A_305 : vector<16xf32>
    %swap3A_307 = arith.constant 127 : i32
    %swap3A_308 = arith.index_cast %swap3A_307 : i32 to index
    %swap3A_309 = arith.constant 0 : index
    %swap3A_310 = tpu.vector_load %arg14[%swap3A_308, %swap3A_309] {strides = array<i32>} : memref<128x32xf32, #tpu.memory_space<vmem>>, vector<1x16xf32>,
    %swap3A_311 = vector.shape_cast %swap3A_310 : vector<1x16xf32> to vector<16xf32>
    %swap3A_312 = vector.shape_cast %mul3A_306 : vector<16xf32> to vector<1x16xf32>
    tpu.vector_store %arg14[%swap3A_308, %swap3A_309], %swap3A_312 {strides = array<i32>} : memref<128x32xf32, #tpu.memory_space<vmem>>, vector<1x16xf32>,
    %add3A_313 = arith.addf %scan3A_301#1, %scan3A_301#3 : vector<16xf32>
    %mul3A_314 = arith.constant 5.000000e-03 : f32
    %mul3A_315 = vector.broadcast %mul3A_314 : f32 to vector<16xf32>
    %mul3A_316 = arith.mulf %add3A_313, %mul3A_315 : vector<16xf32>
    %swap3A_317 = arith.constant 127 : i32
    %swap3A_318 = arith.index_cast %swap3A_317 : i32 to index
    %swap3A_319 = arith.constant 16 : index
    %swap3A_320 = tpu.vector_load %arg14[%swap3A_318, %swap3A_319] {strides = array<i32>} : memref<128x32xf32, #tpu.memory_space<vmem>>, vector<1x16xf32>,
    %swap3A_321 = vector.shape_cast %swap3A_320 : vector<1x16xf32> to vector<16xf32>
    %swap3A_322 = vector.shape_cast %mul3A_316 : vector<16xf32> to vector<1x16xf32>
    tpu.vector_store %arg14[%swap3A_318, %swap3A_319], %swap3A_322 {strides = array<i32>} : memref<128x32xf32, #tpu.memory_space<vmem>>, vector<1x16xf32>,
    %mul3A_323 = arith.constant 128 : i32
    %mul3A_324 = arith.muli %add3A, %mul3A_323 : i32
    "tpu.region"() ({
      %run_scoped3A = tpu.sem_alloc : memref<!tpu.dma_semaphore, #tpu.memory_space<semaphore_mem>>
      %dma_start3A_325 = arith.constant 0 : i32
      %dma_start3A_326 = tpu.memref_slice %arg4[%mul3A_324, %dma_start3A_325] : memref<4096x32xf32, #tpu.memory_space<hbm>> -> memref<128x32xf32, #tpu.memory_space<hbm>>
      %dma_start3A_327 = arith.constant 0 : i32
      %dma_start3A_328 = tpu.memref_slice %arg4[%mul3A_324, %dma_start3A_327] : memref<4096x32xf32, #tpu.memory_space<hbm>> -> memref<128x32xf32, #tpu.memory_space<hbm>>
      tpu.enqueue_dma source(%arg14 : memref<128x32xf32, #tpu.memory_space<vmem>>) target(%dma_start3A_328 : memref<128x32xf32, #tpu.memory_space<hbm>>) target_semaphore(%run_scoped3A : memref<!tpu.dma_semaphore, #tpu.memory_space<semaphore_mem>>)
      %dma_wait3A_329 = arith.constant 0 : i32
      %dma_wait3A_330 = tpu.memref_slice %arg4[%mul3A_324, %dma_wait3A_329] : memref<4096x32xf32, #tpu.memory_space<hbm>> -> memref<128x32xf32, #tpu.memory_space<hbm>>
      %dma_wait3A_331 = arith.constant 0 : i32
      %dma_wait3A_332 = tpu.memref_slice %arg4[%mul3A_324, %dma_wait3A_331] : memref<4096x32xf32, #tpu.memory_space<hbm>> -> memref<128x32xf32, #tpu.memory_space<hbm>>
      tpu.wait_dma2 semaphore(%run_scoped3A : memref<!tpu.dma_semaphore, #tpu.memory_space<semaphore_mem>>) src(%arg14 : memref<128x32xf32, #tpu.memory_space<vmem>>) dst(%dma_wait3A_332 : memref<128x32xf32, #tpu.memory_space<hbm>>)
      tpu.yield
    }) : () -> ()
    return
  }
}

#map = affine_map<(d0, d1) -> (0, 0)>
module attributes {stable_mosaic.version = 14 : i64} {
  func.func @shuffle(%arg0: i32, %arg1: i32, %arg2: memref<262144x128xf32, #tpu.memory_space<hbm>>, %arg3: memref<1048576x32xf32, #tpu.memory_space<hbm>>, %arg4: memref<2048x32xf32, #tpu.memory_space<vmem>>, %arg5: memref<2048x32xf32, #tpu.memory_space<vmem>>, %arg6: memref<!tpu.dma_semaphore, #tpu.memory_space<semaphore_mem>>, %arg7: memref<!tpu.dma_semaphore, #tpu.memory_space<semaphore_mem>>, %arg8: memref<!tpu.dma_semaphore, #tpu.memory_space<semaphore_mem>>, %arg9: memref<!tpu.dma_semaphore, #tpu.memory_space<semaphore_mem>>) attributes {dimension_semantics = [#tpu.dimension_semantics<core_parallel>, #tpu.dimension_semantics<subcore_parallel>], iteration_bounds = array<i64: 2, 16>, scalar_prefetch = 0 : i64, scratch_operands = 6 : i64, tpu.core_type = #tpu.core_type<sc_vector_subcore>, window_params = [{transform_indices = #map}, {transform_indices = #map}]} {
    %mul3A = arith.constant 2 : i32
    %mul3A_0 = arith.muli %arg1, %mul3A : i32
    %add3A = arith.addi %mul3A_0, %arg0 : i32
    %shift_right_logical3A = arith.constant 3 : i32
    %shift_right_logical3A_1 = arith.shrui %add3A, %shift_right_logical3A : i32
    %and3A = arith.constant 7 : i32
    %and3A_2 = arith.andi %add3A, %and3A : i32
    %mul3A_3 = arith.constant 32768 : i32
    %mul3A_4 = arith.muli %and3A_2, %mul3A_3 : i32
    %mul3A_5 = arith.constant 32 : i32
    %mul3A_6 = arith.muli %shift_right_logical3A_1, %mul3A_5 : i32
    %scan3A = arith.constant 0 : i32
    %scan3A_7 = arith.constant 0 : i32
    %scan3A_8 = arith.constant 8 : i32
    %scan3A_9 = arith.addi %scan3A_7, %scan3A_8 : i32
    %scan3A_10 = arith.constant 1 : i32
    scf.for %scan3A_29 = %scan3A_7 to %scan3A_9 step %scan3A_10  : i32 {
      %mul3A_30 = arith.constant 2 : i32
      %mul3A_31 = arith.muli %scan3A_29, %mul3A_30 : i32
      %add3A_32 = arith.constant 0 : i32
      %add3A_33 = arith.addi %mul3A_31, %add3A_32 : i32
      %ge3A = arith.constant 2 : i32
      %ge3A_34 = arith.cmpi sge, %add3A_33, %ge3A : i32
      %convert_element_type3A = arith.extui %ge3A_34 : i1 to i32
      %cond3A = arith.constant 0 : i32
      %cond3A_35 = arith.cmpi ne, %convert_element_type3A, %cond3A : i32
      scf.if %cond3A_35 {
        %sub3A = arith.constant 2 : i32
        %sub3A_84 = arith.subi %add3A_33, %sub3A : i32
        %mul3A_85 = arith.constant 262144 : i32
        %mul3A_86 = arith.muli %shift_right_logical3A_1, %mul3A_85 : i32
        %add3A_87 = arith.addi %mul3A_86, %mul3A_4 : i32
        %mul3A_88 = arith.constant 2048 : i32
        %mul3A_89 = arith.muli %sub3A_84, %mul3A_88 : i32
        %add3A_90 = arith.addi %add3A_87, %mul3A_89 : i32
        %dma_wait3A_91 = arith.constant 0 : i32
        %dma_wait3A_92 = tpu.memref_slice %arg3[%add3A_90, %dma_wait3A_91] : memref<1048576x32xf32, #tpu.memory_space<hbm>> -> memref<2048x32xf32, #tpu.memory_space<hbm>>
        %dma_wait3A_93 = arith.constant 0 : i32
        %dma_wait3A_94 = tpu.memref_slice %arg3[%add3A_90, %dma_wait3A_93] : memref<1048576x32xf32, #tpu.memory_space<hbm>> -> memref<2048x32xf32, #tpu.memory_space<hbm>>
        tpu.wait_dma2 semaphore(%arg8 : memref<!tpu.dma_semaphore, #tpu.memory_space<semaphore_mem>>) src(%arg4 : memref<2048x32xf32, #tpu.memory_space<vmem>>) dst(%dma_wait3A_94 : memref<2048x32xf32, #tpu.memory_space<hbm>>)
      } else {
      }
      %mul3A_36 = arith.constant 2048 : i32
      %mul3A_37 = arith.muli %add3A_33, %mul3A_36 : i32
      %add3A_38 = arith.addi %mul3A_4, %mul3A_37 : i32
      %dma_start3A = tpu.memref_slice %arg2[%add3A_38, %mul3A_6] : memref<262144x128xf32, #tpu.memory_space<hbm>> -> memref<2048x32xf32, #tpu.memory_space<hbm>>
      %dma_start3A_39 = tpu.memref_slice %arg2[%add3A_38, %mul3A_6] : memref<262144x128xf32, #tpu.memory_space<hbm>> -> memref<2048x32xf32, #tpu.memory_space<hbm>>
      tpu.enqueue_dma source(%dma_start3A_39 : memref<2048x32xf32, #tpu.memory_space<hbm>>) target(%arg4 : memref<2048x32xf32, #tpu.memory_space<vmem>>) target_semaphore(%arg6 : memref<!tpu.dma_semaphore, #tpu.memory_space<semaphore_mem>>)
      %mul3A_40 = arith.constant 2048 : i32
      %mul3A_41 = arith.muli %add3A_33, %mul3A_40 : i32
      %add3A_42 = arith.addi %mul3A_4, %mul3A_41 : i32
      %dma_wait3A_43 = tpu.memref_slice %arg2[%add3A_42, %mul3A_6] : memref<262144x128xf32, #tpu.memory_space<hbm>> -> memref<2048x32xf32, #tpu.memory_space<hbm>>
      %dma_wait3A_44 = tpu.memref_slice %arg2[%add3A_42, %mul3A_6] : memref<262144x128xf32, #tpu.memory_space<hbm>> -> memref<2048x32xf32, #tpu.memory_space<hbm>>
      tpu.wait_dma2 semaphore(%arg6 : memref<!tpu.dma_semaphore, #tpu.memory_space<semaphore_mem>>) src(%dma_wait3A_44 : memref<2048x32xf32, #tpu.memory_space<hbm>>) dst(%arg4 : memref<2048x32xf32, #tpu.memory_space<vmem>>)
      %mul3A_45 = arith.constant 262144 : i32
      %mul3A_46 = arith.muli %shift_right_logical3A_1, %mul3A_45 : i32
      %add3A_47 = arith.addi %mul3A_46, %mul3A_4 : i32
      %mul3A_48 = arith.constant 2048 : i32
      %mul3A_49 = arith.muli %add3A_33, %mul3A_48 : i32
      %add3A_50 = arith.addi %add3A_47, %mul3A_49 : i32
      %dma_start3A_51 = arith.constant 0 : i32
      %dma_start3A_52 = tpu.memref_slice %arg3[%add3A_50, %dma_start3A_51] : memref<1048576x32xf32, #tpu.memory_space<hbm>> -> memref<2048x32xf32, #tpu.memory_space<hbm>>
      %dma_start3A_53 = arith.constant 0 : i32
      %dma_start3A_54 = tpu.memref_slice %arg3[%add3A_50, %dma_start3A_53] : memref<1048576x32xf32, #tpu.memory_space<hbm>> -> memref<2048x32xf32, #tpu.memory_space<hbm>>
      tpu.enqueue_dma source(%arg4 : memref<2048x32xf32, #tpu.memory_space<vmem>>) target(%dma_start3A_54 : memref<2048x32xf32, #tpu.memory_space<hbm>>) target_semaphore(%arg8 : memref<!tpu.dma_semaphore, #tpu.memory_space<semaphore_mem>>)
      %mul3A_55 = arith.constant 2 : i32
      %mul3A_56 = arith.muli %scan3A_29, %mul3A_55 : i32
      %add3A_57 = arith.constant 1 : i32
      %add3A_58 = arith.addi %mul3A_56, %add3A_57 : i32
      %ge3A_59 = arith.constant 2 : i32
      %ge3A_60 = arith.cmpi sge, %add3A_58, %ge3A_59 : i32
      %convert_element_type3A_61 = arith.extui %ge3A_60 : i1 to i32
      %cond3A_62 = arith.constant 0 : i32
      %cond3A_63 = arith.cmpi ne, %convert_element_type3A_61, %cond3A_62 : i32
      scf.if %cond3A_63 {
        %sub3A = arith.constant 2 : i32
        %sub3A_84 = arith.subi %add3A_58, %sub3A : i32
        %mul3A_85 = arith.constant 262144 : i32
        %mul3A_86 = arith.muli %shift_right_logical3A_1, %mul3A_85 : i32
        %add3A_87 = arith.addi %mul3A_86, %mul3A_4 : i32
        %mul3A_88 = arith.constant 2048 : i32
        %mul3A_89 = arith.muli %sub3A_84, %mul3A_88 : i32
        %add3A_90 = arith.addi %add3A_87, %mul3A_89 : i32
        %dma_wait3A_91 = arith.constant 0 : i32
        %dma_wait3A_92 = tpu.memref_slice %arg3[%add3A_90, %dma_wait3A_91] : memref<1048576x32xf32, #tpu.memory_space<hbm>> -> memref<2048x32xf32, #tpu.memory_space<hbm>>
        %dma_wait3A_93 = arith.constant 0 : i32
        %dma_wait3A_94 = tpu.memref_slice %arg3[%add3A_90, %dma_wait3A_93] : memref<1048576x32xf32, #tpu.memory_space<hbm>> -> memref<2048x32xf32, #tpu.memory_space<hbm>>
        tpu.wait_dma2 semaphore(%arg9 : memref<!tpu.dma_semaphore, #tpu.memory_space<semaphore_mem>>) src(%arg5 : memref<2048x32xf32, #tpu.memory_space<vmem>>) dst(%dma_wait3A_94 : memref<2048x32xf32, #tpu.memory_space<hbm>>)
      } else {
      }
      %mul3A_64 = arith.constant 2048 : i32
      %mul3A_65 = arith.muli %add3A_58, %mul3A_64 : i32
      %add3A_66 = arith.addi %mul3A_4, %mul3A_65 : i32
      %dma_start3A_67 = tpu.memref_slice %arg2[%add3A_66, %mul3A_6] : memref<262144x128xf32, #tpu.memory_space<hbm>> -> memref<2048x32xf32, #tpu.memory_space<hbm>>
      %dma_start3A_68 = tpu.memref_slice %arg2[%add3A_66, %mul3A_6] : memref<262144x128xf32, #tpu.memory_space<hbm>> -> memref<2048x32xf32, #tpu.memory_space<hbm>>
      tpu.enqueue_dma source(%dma_start3A_68 : memref<2048x32xf32, #tpu.memory_space<hbm>>) target(%arg5 : memref<2048x32xf32, #tpu.memory_space<vmem>>) target_semaphore(%arg7 : memref<!tpu.dma_semaphore, #tpu.memory_space<semaphore_mem>>)
      %mul3A_69 = arith.constant 2048 : i32
      %mul3A_70 = arith.muli %add3A_58, %mul3A_69 : i32
      %add3A_71 = arith.addi %mul3A_4, %mul3A_70 : i32
      %dma_wait3A_72 = tpu.memref_slice %arg2[%add3A_71, %mul3A_6] : memref<262144x128xf32, #tpu.memory_space<hbm>> -> memref<2048x32xf32, #tpu.memory_space<hbm>>
      %dma_wait3A_73 = tpu.memref_slice %arg2[%add3A_71, %mul3A_6] : memref<262144x128xf32, #tpu.memory_space<hbm>> -> memref<2048x32xf32, #tpu.memory_space<hbm>>
      tpu.wait_dma2 semaphore(%arg7 : memref<!tpu.dma_semaphore, #tpu.memory_space<semaphore_mem>>) src(%dma_wait3A_73 : memref<2048x32xf32, #tpu.memory_space<hbm>>) dst(%arg5 : memref<2048x32xf32, #tpu.memory_space<vmem>>)
      %mul3A_74 = arith.constant 262144 : i32
      %mul3A_75 = arith.muli %shift_right_logical3A_1, %mul3A_74 : i32
      %add3A_76 = arith.addi %mul3A_75, %mul3A_4 : i32
      %mul3A_77 = arith.constant 2048 : i32
      %mul3A_78 = arith.muli %add3A_58, %mul3A_77 : i32
      %add3A_79 = arith.addi %add3A_76, %mul3A_78 : i32
      %dma_start3A_80 = arith.constant 0 : i32
      %dma_start3A_81 = tpu.memref_slice %arg3[%add3A_79, %dma_start3A_80] : memref<1048576x32xf32, #tpu.memory_space<hbm>> -> memref<2048x32xf32, #tpu.memory_space<hbm>>
      %dma_start3A_82 = arith.constant 0 : i32
      %dma_start3A_83 = tpu.memref_slice %arg3[%add3A_79, %dma_start3A_82] : memref<1048576x32xf32, #tpu.memory_space<hbm>> -> memref<2048x32xf32, #tpu.memory_space<hbm>>
      tpu.enqueue_dma source(%arg5 : memref<2048x32xf32, #tpu.memory_space<vmem>>) target(%dma_start3A_83 : memref<2048x32xf32, #tpu.memory_space<hbm>>) target_semaphore(%arg9 : memref<!tpu.dma_semaphore, #tpu.memory_space<semaphore_mem>>)
    }
    %scan3A_11 = arith.constant 8 : i32
    %mul3A_12 = arith.constant 262144 : i32
    %mul3A_13 = arith.muli %shift_right_logical3A_1, %mul3A_12 : i32
    %add3A_14 = arith.addi %mul3A_13, %mul3A_4 : i32
    %add3A_15 = arith.constant 28672 : i32
    %add3A_16 = arith.addi %add3A_14, %add3A_15 : i32
    %dma_wait3A = arith.constant 0 : i32
    %dma_wait3A_17 = tpu.memref_slice %arg3[%add3A_16, %dma_wait3A] : memref<1048576x32xf32, #tpu.memory_space<hbm>> -> memref<2048x32xf32, #tpu.memory_space<hbm>>
    %dma_wait3A_18 = arith.constant 0 : i32
    %dma_wait3A_19 = tpu.memref_slice %arg3[%add3A_16, %dma_wait3A_18] : memref<1048576x32xf32, #tpu.memory_space<hbm>> -> memref<2048x32xf32, #tpu.memory_space<hbm>>
    tpu.wait_dma2 semaphore(%arg8 : memref<!tpu.dma_semaphore, #tpu.memory_space<semaphore_mem>>) src(%arg4 : memref<2048x32xf32, #tpu.memory_space<vmem>>) dst(%dma_wait3A_19 : memref<2048x32xf32, #tpu.memory_space<hbm>>)
    %mul3A_20 = arith.constant 262144 : i32
    %mul3A_21 = arith.muli %shift_right_logical3A_1, %mul3A_20 : i32
    %add3A_22 = arith.addi %mul3A_21, %mul3A_4 : i32
    %add3A_23 = arith.constant 30720 : i32
    %add3A_24 = arith.addi %add3A_22, %add3A_23 : i32
    %dma_wait3A_25 = arith.constant 0 : i32
    %dma_wait3A_26 = tpu.memref_slice %arg3[%add3A_24, %dma_wait3A_25] : memref<1048576x32xf32, #tpu.memory_space<hbm>> -> memref<2048x32xf32, #tpu.memory_space<hbm>>
    %dma_wait3A_27 = arith.constant 0 : i32
    %dma_wait3A_28 = tpu.memref_slice %arg3[%add3A_24, %dma_wait3A_27] : memref<1048576x32xf32, #tpu.memory_space<hbm>> -> memref<2048x32xf32, #tpu.memory_space<hbm>>
    tpu.wait_dma2 semaphore(%arg9 : memref<!tpu.dma_semaphore, #tpu.memory_space<semaphore_mem>>) src(%arg5 : memref<2048x32xf32, #tpu.memory_space<vmem>>) dst(%dma_wait3A_28 : memref<2048x32xf32, #tpu.memory_space<hbm>>)
    return
  }
}

module attributes {stable_mosaic.version = 14 : i64} {
  func.func @_repack_body(%arg0: i32, %arg1: memref<32x8192xf32, #tpu.memory_space<vmem>>, %arg2: memref<32x8192xf32, #tpu.memory_space<vmem>>, %arg3: memref<32x8192xf32, #tpu.memory_space<vmem>>, %arg4: memref<32x8192xf32, #tpu.memory_space<vmem>>, %arg5: memref<8192x128xf32, #tpu.memory_space<vmem>>) attributes {dimension_semantics = [#tpu.dimension_semantics<arbitrary>], iteration_bounds = array<i64: 32>, scalar_prefetch = 0 : i64, scratch_operands = 0 : i64, tpu.core_type = #tpu.core_type<tc>, window_params = [{transform_indices = @transform_0, window_bounds = array<i64: 32, 8192>}, {transform_indices = @transform_1, window_bounds = array<i64: 32, 8192>}, {transform_indices = @transform_2, window_bounds = array<i64: 32, 8192>}, {transform_indices = @transform_3, window_bounds = array<i64: 32, 8192>}, {transform_indices = @transform_4, window_bounds = array<i64: 8192, 128>}]} {
    %get3A = arith.constant 0 : index
    %get3A_0 = arith.constant 0 : index
    %get3A_1 = vector.load %arg1[%get3A, %get3A_0] : memref<32x8192xf32, #tpu.memory_space<vmem>>, vector<32x8192xf32>
    %transpose3A = tpu.transpose %get3A_1, [1, 0] : vector<32x8192xf32> -> vector<8192x32xf32>
    %get3A_2 = arith.constant 0 : index
    %get3A_3 = arith.constant 0 : index
    %get3A_4 = vector.load %arg2[%get3A_2, %get3A_3] : memref<32x8192xf32, #tpu.memory_space<vmem>>, vector<32x8192xf32>
    %transpose3A_5 = tpu.transpose %get3A_4, [1, 0] : vector<32x8192xf32> -> vector<8192x32xf32>
    %get3A_6 = arith.constant 0 : index
    %get3A_7 = arith.constant 0 : index
    %get3A_8 = vector.load %arg3[%get3A_6, %get3A_7] : memref<32x8192xf32, #tpu.memory_space<vmem>>, vector<32x8192xf32>
    %transpose3A_9 = tpu.transpose %get3A_8, [1, 0] : vector<32x8192xf32> -> vector<8192x32xf32>
    %get3A_10 = arith.constant 0 : index
    %get3A_11 = arith.constant 0 : index
    %get3A_12 = vector.load %arg4[%get3A_10, %get3A_11] : memref<32x8192xf32, #tpu.memory_space<vmem>>, vector<32x8192xf32>
    %transpose3A_13 = tpu.transpose %get3A_12, [1, 0] : vector<32x8192xf32> -> vector<8192x32xf32>
    %concatenate3A = tpu.concatenate %transpose3A, %transpose3A_5, %transpose3A_9, %transpose3A_13 in 1 : vector<8192x32xf32>, vector<8192x32xf32>, vector<8192x32xf32>, vector<8192x32xf32> -> vector<8192x128xf32>
    %swap3A = arith.constant 0 : index
    %swap3A_14 = arith.constant 0 : index
    %swap3A_15 = vector.load %arg5[%swap3A, %swap3A_14] : memref<8192x128xf32, #tpu.memory_space<vmem>>, vector<8192x128xf32>
    tpu.vector_store %arg5[%swap3A, %swap3A_14], %concatenate3A {strides = array<i32>} : memref<8192x128xf32, #tpu.memory_space<vmem>>, vector<8192x128xf32>,
    return
  }
  func.func @transform_0(%arg0: i32) -> (i32, i32) {
    %add3A = arith.constant 0 : i32
    %add3A_0 = arith.addi %add3A, %arg0 : i32
    %min3A = arith.constant 122 : i32
    %min3A_1 = arith.minsi %add3A_0, %min3A : i32
    %c0_i32 = arith.constant 0 : i32
    %c0_i32_2 = arith.constant 0 : i32
    return %c0_i32, %min3A_1 : i32, i32
  }
  func.func @transform_1(%arg0: i32) -> (i32, i32) {
    %add3A = arith.constant 32 : i32
    %add3A_0 = arith.addi %add3A, %arg0 : i32
    %min3A = arith.constant 122 : i32
    %min3A_1 = arith.minsi %add3A_0, %min3A : i32
    %c0_i32 = arith.constant 0 : i32
    %c0_i32_2 = arith.constant 0 : i32
    return %c0_i32, %min3A_1 : i32, i32
  }
  func.func @transform_2(%arg0: i32) -> (i32, i32) {
    %add3A = arith.constant 64 : i32
    %add3A_0 = arith.addi %add3A, %arg0 : i32
    %min3A = arith.constant 122 : i32
    %min3A_1 = arith.minsi %add3A_0, %min3A : i32
    %c0_i32 = arith.constant 0 : i32
    %c0_i32_2 = arith.constant 0 : i32
    return %c0_i32, %min3A_1 : i32, i32
  }
  func.func @transform_3(%arg0: i32) -> (i32, i32) {
    %add3A = arith.constant 96 : i32
    %add3A_0 = arith.addi %add3A, %arg0 : i32
    %min3A = arith.constant 122 : i32
    %min3A_1 = arith.minsi %add3A_0, %min3A : i32
    %c0_i32 = arith.constant 0 : i32
    %c0_i32_2 = arith.constant 0 : i32
    return %c0_i32, %min3A_1 : i32, i32
  }
  func.func @transform_4(%arg0: i32) -> (i32, i32) {
    %c0_i32 = arith.constant 0 : i32
    %c0_i32_0 = arith.constant 0 : i32
    return %arg0, %c0_i32 : i32, i32
  }
}

</mosaic_0001>

<sc_bundles>
// kernel: kernel.5.cloned.1.call-start
scs
__scs_entry_jumppad:
0x0: {  	(pc) =	sbr.rel $0x88, $3  }
0x1: {  	(tag) =	ssettag $0x0;
	lr =	simm.s32 $0x1  }
0x2: {  	[smem:$0x3F9F] =	sst lr;
	_ =	strace $0xD0000000  }
0x3: {  	_ = 	snop  }
0x4: {  	_ = 	snop  }
0x5: {  	_ = 	snop  }
0x6: {  	_ = 	snop  }
0x7: {  	_ = 	snop  }
__scs_overlays_trampoline_lowered:
0x8: {  	[smem:$0x3FAE] =	sst s0  }
0x9: {  	[smem:$0x3FAF] =	sst s1  }
0xa: {  	[smem:$0x3FB0] =	sst s2  }
0xb: {  	[smem:$0x3FB1] =	sst s3  }
0xc: {  	[smem:$0x3FB2] =	sst s4  }
0xd: {  	[smem:$0x3FB3] =	sst s5  }
0xe: {  	[smem:$0x3FB4] =	sst s6  }
0xf: {  	[smem:$0x3FB5] =	sst s7  }
0x10: {  	[smem:$0x3FB6] =	sst s8  }
0x11: {  	[smem:$0x3FB7] =	sst s9;
	s0 =	simm.s32 @!p0 $0x0  }
0x12: {  	s1 =	sld [smem:$0x3F9D];
	s0 =	simm.s32 @p0 $0x1  }
0x13: {  	[smem:$0x3FB8] =	sst s0;
	s0 =	simm.s32 @!p1 $0x0  }
0x14: {  	s2 =	sld [smem:$0x3F9C];
	s0 =	simm.s32 @p1 $0x1  }
0x15: {  	[smem:$0x3FB9] =	sst s0;
	s0 =	simm.s32 @!p2 $0x0  }
0x16: {  	s3 =	sld [smem:$0x3FDB];
	s0 =	simm.s32 @p2 $0x1  }
0x17: {  	s4 =	simm.s32 $0x1BF5;
	[smem:$0x3FBB] =	sst s0  }
0x18: {  	s0 =	sld [smem:$0x3F9E];
	_ =	swait.ge [sflag:s4], $0x0  }
0x19: {  	s7 =	sld [smem:$0x3F9F]  }
0x1a: {  	s8 =	sadd.s32 $0xFFFFE003, lr  }
0x1b: {  	s9 =	sadd.s32 $0xFFFFFEF7, lr;
	s5 =	simm.s32 $0xFFFFFFFF;
	p2 =	slt.u32 s8, $0xFFFFF086  }
0x1c: {  	p1 =	slt.u32 s9, $0xF7A;
	s5 =	simm.s32 @!p2 $0x0  }
0x1d: {  	s5 =	simm.s32 @p1 $0x1;
	p0 =	seq.s32 s7, s2  }
0x1e: {  	s7 =	smul.u32 @!p0 $0xF7A, s2;
	p2 =	seq.s32 @!p0 s5, $0x0  }
0x1f: {  	s9 =	smul.u32 $0xF7A, s1;
	s8 =	simm.s32 @!p0 $0x1BF5;
	p2 =	por !p2, p0  }
0x20: {  	[sflag:s8] =	ssyncset.s32 @!p0 $0xFFFFF086;
	s6 =	sadd.s32 @!p0 s3, s7;
	s7 =	simm.s32 @!p0 $0x108  }
0x21: {  	s3 =	sadd.s32 s3, s9;
	s6 =	sadd.s32 @!p0 $0x88, s6;
	s7 =	simm.s32 @p2 $0x1082  }
0x22: {  	[simem:s7], [sflag:s8] =	dma.local @!p0 [hbm:s6], $0xF7A  }
0x23: {  	s9 =	sor.u32 $0xD0000000, s2;
	s6 =	simm.s32 $0x108;
	_ =	swait.ge @!p0 [sflag:s8], $0x0  }
0x24: {  	s3 =	sadd.s32 $0x88, s3;
	s6 =	simm.s32 @!p1 $0x1082;
	[sflag:s4] =	ssyncset.s32 $0xFFFFF086  }
0x25: {  	[simem:s6], [sflag:s4] =	dma.local [hbm:s3], $0xF7A  }
0x26: {  	[smem:$0x3F9F] =	sst s1;
	(tag) =	ssettag s2;
	_ =	strace s9  }
0x27: {  	s1 =	sld [smem:$0x3FAF]  }
0x28: {  	s2 =	sld [smem:$0x3FB0]  }
0x29: {  	s4 =	sld [smem:$0x3FB2]  }
0x2a: {  	p0 =	seq.s32 s5, $0x0;
	s5 =	sld [smem:$0x3FB3]  }
0x2b: {  	s6 =	sld [smem:$0x3FB4]  }
0x2c: {  	s7 =	sld [smem:$0x3FB5]  }
0x2d: {  	s3 =	simm.s32 $0x108;
	s8 =	sld [smem:$0x3FB6]  }
0x2e: {  	s3 =	simm.s32 @!p0 $0x1082;
	s9 =	sld [smem:$0x3FB7]  }
0x2f: {  	lr =	sadd.s32 s0, s3;
	s0 =	sld [smem:$0x3FAE]  }
0x30: {  	s3 =	sld [smem:$0x3FB1]  }
0x31: {  	[smem:$0x3FBA] =	sst s10  }
0x32: {  	s10 =	sld [smem:$0x3FB8];
	_ =	sdelay $0x3  }
0x33: {  	p0 =	seq.s32 s10, $0x1;
	s10 =	sld [smem:$0x3FBA];
	_ =	sdelay $0x3  }
0x34: {  	[smem:$0x3FBA] =	sst s10  }
0x35: {  	s10 =	sld [smem:$0x3FB9];
	_ =	sdelay $0x3  }
0x36: {  	p1 =	seq.s32 s10, $0x1;
	s10 =	sld [smem:$0x3FBA];
	_ =	sdelay $0x3  }
0x37: {  	[smem:$0x3FBA] =	sst s10  }
0x38: {  	s10 =	sld [smem:$0x3FBB]  }
0x39: {  	_ = 	snop;
	(pc) =	sbr.ind lr, $3  }
0x3a: {  	_ = 	snop  }
0x3b: {  	_ = 	snop  }
0x3c: {  	p2 =	seq.s32 s10, $0x1;
	s10 =	sld [smem:$0x3FBA]  }
0x3d: {  	_ =	shalt  }
0x3e: {  	_ =	shalt  }
0x3f: {  	_ =	shalt  }
0x40: {  	_ =	shalt  }
0x41: {  	_ =	shalt  }
0x42: {  	_ =	shalt  }
0x43: {  	_ =	shalt  }
0x44: {  	_ =	shalt  }
0x45: {  	_ =	shalt  }
0x46: {  	_ =	shalt  }
0x47: {  	_ =	shalt  }
0x48: {  	_ =	shalt  }
0x49: {  	_ =	shalt  }
0x4a: {  	_ =	shalt  }
0x4b: {  	_ =	shalt  }
0x4c: {  	_ =	shalt  }
0x4d: {  	_ =	shalt  }
0x4e: {  	_ =	shalt  }
0x4f: {  	_ =	shalt  }
0x50: {  	_ =	shalt  }
0x51: {  	_ =	shalt  }
0x52: {  	_ =	shalt  }
0x53: {  	_ =	shalt  }
0x54: {  	_ =	shalt  }
0x55: {  	_ =	shalt  }
0x56: {  	_ =	shalt  }
0x57: {  	_ =	shalt  }
0x58: {  	_ =	shalt  }
0x59: {  	_ =	shalt  }
0x5a: {  	_ =	shalt  }
0x5b: {  	_ =	shalt  }
0x5c: {  	_ =	shalt  }
0x5d: {  	_ =	shalt  }
0x5e: {  	_ =	shalt  }
0x5f: {  	_ =	shalt  }
0x60: {  	_ =	shalt  }
0x61: {  	_ =	shalt  }
0x62: {  	_ =	shalt  }
0x63: {  	_ =	shalt  }
0x64: {  	_ =	shalt  }
0x65: {  	_ =	shalt  }
0x66: {  	_ =	shalt  }
0x67: {  	_ =	shalt  }
0x68: {  	_ =	shalt  }
0x69: {  	_ =	shalt  }
0x6a: {  	_ =	shalt  }
0x6b: {  	_ =	shalt  }
0x6c: {  	_ =	shalt  }
0x6d: {  	_ =	shalt  }
0x6e: {  	_ =	shalt  }
0x6f: {  	_ =	shalt  }
0x70: {  	_ =	shalt  }
0x71: {  	_ =	shalt  }
0x72: {  	_ =	shalt  }
0x73: {  	_ =	shalt  }
0x74: {  	_ =	shalt  }
0x75: {  	_ =	shalt  }
0x76: {  	_ =	shalt  }
0x77: {  	_ =	shalt  }
0x78: {  	_ =	shalt  }
0x79: {  	_ =	shalt  }
0x7a: {  	_ =	shalt  }
0x7b: {  	_ =	shalt  }
0x7c: {  	_ =	shalt  }
0x7d: {  	_ =	shalt  }
0x7e: {  	_ =	shalt  }
0x7f: {  	_ =	shalt  }
0x80: {  	_ =	shalt  }
0x81: {  	_ =	shalt  }
0x82: {  	_ =	shalt  }
0x83: {  	_ =	shalt  }
0x84: {  	_ =	shalt  }
0x85: {  	_ =	shalt  }
0x86: {  	_ =	shalt  }
0x87: {  	_ =	shalt  }
.Lfunc_end0:
.L_simem_size_0:
called_computation_lowered:
.L_overlay_start_0:
0x88: {  	s2 =	sld [smem:$0x3FD9]  }
0x89: {  	s3 =	sld [smem:$0x3FFE];
	_ =	sdelay $0x1  }
0x8a: {  	s1 =	srdreg.scid  }
0x8b: {  	s0 =	sand.u32 $0x1, s1  }
0x8c: {  	s16 =	sshll.u32 s0, $0xA;
	s2 =	sadd.s32 s3, s2  }
0x8d: {  	s2 =	sadd.s32 s2, s16  }
0x8e: {  	[smem:$0x3FC6] =	sst s2  }
0x8f: {  	_ = 	snop  }
0x90: {  	(tm) =	ssettm $0x1  }
0x91: {  	s17 =	sld [smem:$0x3FFB];
	_ =	sdelay $0x3  }
0x92: {  	_ =	strace s17  }
0x93: {  	s2 =	sld [smem:$0x3FFC];
	_ =	sdelay $0x3  }
0x94: {  	_ =	strace s2  }
0x95: {  	s2 =	sld [smem:$0x3FFD];
	_ =	sdelay $0x3  }
0x96: {  	_ =	strace s2  }
0x97: {  	_ =	strace $0x8FFFFFFF  }
0x98: {  	s18 =	sld [smem:$0x3FDB];
	_ =	sdelay $0x1  }
0x99: {  	s19 =	simm.s32 $_scs_section_size  }
0x9a: {  	s4 =	simm.s32 $_size__tile_overlayer_lowered;
	s5 =	simm.s32 $_tile_overlayer_lowered  }
0x9b: {  	s22 =	simm.s32 $0x1BFF;
	s21 =	sshll.u32 s5, $0x1;
	s2 =	sadd.s32 s19, s18  }
0x9c: {  	s6 =	simm.s32 $0x0;
	s20 =	sshll.u32 s4, $0x1;
	s4 =	sadd.s32 s21, s2  }
0x9d: {  	[timem:s6], [sflag:s22] =	dma.local [hbm:s4], s20  }
0x9e: {  	_ =	swait.ge [sflag:s22], s20  }
0x9f: {  	s3 =	ssub.s32 $0x0, s20;
	[sflag:s22] =	ssyncset.done $0x0  }
0xa0: {  	[sflag:s22] =	ssyncadd.s32 s3;
	_ =	sdelay $0x1  }
0xa1: {  	s23 =	simm.s32 $0x1B8B  }
0xa2: {  	_ =	swait.ge [sflag:s23], $0x1  }
0xa3: {  	[sflag:s23] =	ssyncset.done $0x0  }
0xa4: {  	s25 =	simm.s32 $0x1B8E;
	s24 =	sld [smem:$0x3FFE];
	[sflag:s23] =	ssyncadd.s32 $0xFFFFFFFF  }
0xa5: {  	s26 =	simm.s32 $execute0_lowered;
	[smem:$0x3FD2] =	sst s25  }
0xa6: {  	s4 =	sshll.u32 s26, $0x1;
	_ =	strace $0x80000046;
	[dreg:$0x1] =	wrdreg $0xFFFFFFFF  }
0xa7: {  	s28 =	simm.s32 $_size_execute0_lowered;
	s2 =	sadd.s32 s2, s4;
	[dreg:$0x0] =	wrdreg $0x0  }
0xa8: {  	s4 =	sshll.u32 s28, $0x1;
	[dreg:$0x2] =	wrdreg s2  }
0xa9: {  	[dreg:$0x3] =	wrdreg s4  }
0xaa: {  	[dreg:$0x4] =	wrdreg $0xC0  }
0xab: {  	_ =	task [dreg:s6], $0x5FFFF  }
0xac: {  	[dreg:$0x1] =	wrdreg $0xFFFFFFFF  }
0xad: {  	[dreg:$0x0] =	wrdreg $0x60  }
0xae: {  	[dreg:$0x2] =	wrdreg s24  }
0xaf: {  	[dreg:$0x3] =	wrdreg $0x9  }
0xb0: {  	_ =	task.clear_ibuf [dreg:s6], $0x4FFFF;
	_ =	strace $0x90000046  }
0xb1: {  	s29 =	simm.s32 $0x9;
	_ =	strace $0x80000048  }
0xb2: {  	_ =	swait.ge [sflag:s29], $0x1  }
0xb3: {  	[sflag:s29] =	ssyncadd.s32 $0xFFFFFFFF  }
0xb4: {  	_ =	strace $0x90000048  }
0xb5: {  	_ =	sfence  }
0xb6: {  	s30 =	sld [smem:$0x0];
	_ =	sdelay $0x2  }
0xb7: {  	s31 =	sshll.u32 s1, $0xD;
	s1 =	sshrl.u32 s1, $0x2  }
0xb8: {  	s3 =	sand.u32 $0x4000, s31;
	s1 =	sadd.s32 s1, s30  }
0xb9: {  	s0 =	sor.u32 s3, s0;
	s1 =	sshll.u32 s1, $0x11  }
0xba: {  	s0 =	sor.u32 s1, s0  }
0xbb: {  	s0 =	sadd.s32 $0x8F2B, s0  }
0xbc: {  	[sflag:s0] =	ssyncadd.remote.s32 $0x1  }
0xbd: {  	_ =	sfence.sel $0xFFFF  }
0xbe: {  	[dreg:$0x0] =	wrdreg $0xFFFFFFFF;
	(pc) =	sbr.abs _section_cstart, $3  }
0xbf: {  	[dreg:$0x1] =	wrdreg $0xFFFFFFFF  }
0xc0: {  	_ =	task.clear_ibuf [dreg:s6], $0x2FFFF;
	_ =	strace $0x9FFFFFFF  }
0xc1: {  	(tm) =	ssettm $0x7FFFFFFF  }
tec
execute0_lowered:
.L_overlay_start_1:
0x0: {  	(tag) =	ssettag $0x1  }
0x1: {  	s4 =	rddreg [dreg:$0x0]  }
0x2: {  	s0 =	rddreg [dreg:$0x1]  }
0x3: {  	s2 =	simm.s32 $0x0;
	s3 =	srdreg.scid;
	s1 =	stileid.u32  }
0x4: {  	s18 =	simm.s32 $0x3;
	[smem:$0x7FF] =	sst s2;
	s9 =	sand.u32 $0x1, s3  }
0x5: {  	s19 =	sshll.u32 s1, $0x10;
	s3 =	sadd.s32 $0xA00, s4;
	s6 =	sshrl.u32 s1, $0x2  }
0x6: {  	s13 =	sadd.s32 $0x400A00, s4;
	s15 =	sand.u32 $0x3, s1;
	_ =	strace $0x80000047  }
0x7: {  	s10 =	sshll.u32 s9, $0xF;
	s11 =	sand.u32 $0x30000, s19;
	s7 =	ssub.s32 $0x2, s9  }
0x8: {  	s12 =	sshll.u32 s6, $0x5;
	s14 =	sshll.u32 s6, $0x12;
	s24 =	sshll.u32 s6, $0x14  }
0x9: {  	s17 =	sshll.u32 s15, $0x12;
	s15 =	sshll.u32 s15, $0x17;
	s25 =	sshll.u32 s9, $0x16  }
0xa: {  	s9 =	sshll.u32 s9, $0x11;
	s19 =	simm.s32 $0x4;
	s5 =	sor.u32 s10, s11  }
0xb: {  	s20 =	sshrl.u32 s7, $0x1;
	s16 =	sadd.s32 s24, s13;
	s11 =	sor.u32 s11, s14  }
0xc: {  	s26 =	sor.u32 s25, s15;
	s15 =	simm.s32 $0x1;
	s8 =	sshll.u32 s5, $0x7  }
0xd: {  	s4 =	ssub.s32 s7, s20;
	s22 =	sor.u32 s14, s5;
	s16 =	sadd.s32 s17, s16  }
0xe: {  	s10 =	sor.u32 s10, s11;
	s28 =	sor.u32 s12, s26;
	s14 =	simm.s32 $0x80  }
0xf: {  	s17 =	simm.s32 $0x2;
	s20 =	simm.s32 $0x0;
	s8 =	sor.u32 s12, s8  }
0x10: {  	s4 =	smax.u32 s4, $0x1;
	s23 =	sshll.u32 s22, $0x2;
	s9 =	sadd.s32 s9, s16  }
0x11: {  	s10 =	sshll.u32 s10, $0x2;
	s30 =	sor.u32 $0xC0000, s28;
	s16 =	simm.s32 $0x10000  }
0x12: {  	s21 =	sshrl.u32 s8, $0x3;
	s6 =	sadd.s32 s13, s23;
	s9 =	sadd.s32 $0x4000, s9  }
0x13: {  	s29 =	sadd.s32 s10, s13;
	s10 =	sor.u32 $0x80000, s28;
	s31 =	sshrl.u32 s30, $0x3  }
0x14: {  	s13 =	simm.s32 $0x20;
	s5 =	sadd.s32 s3, s21;
	s8 =	sadd.s32 $0x2000, s6  }
0x15: {  	s11 =	sadd.s32 $0x6000, s29;
	s12 =	sadd.s32 s31, s3;
	s7 =	sadd.s32 $0x8000, s5  }
.LBB2_1:
0x16: {  	[tilespmem:s2], [sflag:$0x1] =	stream.strided.gather [hbm4b:s5+s13], $0x10000, s14, s13, $0x38;
	v63 =	vld [tilespmem:$0x0]  }
0x17: {  	_ =	swait.ge [sflag:s15], $0x10000  }
0x18: {  	[sflag:s15] =	ssyncset.done $0x0  }
0x19: {  	[sflag:s15] =	ssyncadd.s32 $0xFFFF0000  }
0x1a: {  	[hbm4b:s6+s2] =	stream.linear.scatter [tilespmem:s2], [sflag:$0x3], $0x10000, $0x38;
	v63 =	vld [tilespmem:$0x0]  }
0x1b: {  	_ = 	snop  }
0x1c: {  	[tilespmem:s16], [sflag:$0x2] =	stream.strided.gather [hbm4b:s7+s13], $0x10000, s14, s13, $0x38;
	v63 =	vld [tilespmem:$0x0]  }
0x1d: {  	_ =	swait.ge [sflag:s17], $0x10000  }
0x1e: {  	[sflag:s17] =	ssyncset.done $0x0  }
0x1f: {  	[sflag:s17] =	ssyncadd.s32 $0xFFFF0000  }
0x20: {  	[hbm4b:s8+s2] =	stream.linear.scatter [tilespmem:s16], [sflag:$0x4], $0x10000, $0x38;
	v63 =	vld [tilespmem:$0x0]  }
0x21: {  	_ =	swait.ge [sflag:s18], $0x10000  }
0x22: {  	s21 =	sshrl.u32 s10, $0x3;
	[sflag:s18] =	ssyncset.done $0x0  }
0x23: {  	s21 =	sadd.s32 s3, s21;
	[sflag:s18] =	ssyncadd.s32 $0xFFFF0000  }
0x24: {  	[tilespmem:s2], [sflag:$0x1] =	stream.strided.gather [hbm4b:s21+s13], $0x10000, s14, s13, $0x38;
	v63 =	vld [tilespmem:$0x0]  }
0x25: {  	_ =	swait.ge [sflag:s15], $0x10000  }
0x26: {  	[sflag:s15] =	ssyncset.done $0x0  }
0x27: {  	s31 =	sadd.s32 $0x0, s9;
	[sflag:s15] =	ssyncadd.s32 $0xFFFF0000  }
0x28: {  	[hbm4b:s31+s2] =	stream.linear.scatter [tilespmem:s2], [sflag:$0x3], $0x10000, $0x38;
	v63 =	vld [tilespmem:$0x0]  }
0x29: {  	_ =	swait.ge [sflag:s19], $0x10000  }
0x2a: {  	[sflag:s19] =	ssyncset.done $0x0  }
0x2b: {  	[sflag:s19] =	ssyncadd.s32 $0xFFFF0000  }
0x2c: {  	[tilespmem:s16], [sflag:$0x2] =	stream.strided.gather [hbm4b:s12+s13], $0x10000, s14, s13, $0x38;
	v63 =	vld [tilespmem:$0x0]  }
0x2d: {  	_ =	swait.ge [sflag:s17], $0x10000  }
0x2e: {  	s22 =	sadd.s32 $0x10000, s12;
	s24 =	sadd.s32 $0x0, s11;
	[sflag:s17] =	ssyncset.done $0x0  }
0x2f: {  	s23 =	sadd.s32 $0x80000, s10;
	s21 =	simm.s32 $0x4000;
	[sflag:s17] =	ssyncadd.s32 $0xFFFF0000  }
.LBB2_2:
0x30: {  	[hbm4b:s24+s2] =	stream.linear.scatter [tilespmem:s16], [sflag:$0x4], $0x10000, $0x38;
	v63 =	vld [tilespmem:$0x0]  }
0x31: {  	s24 =	smov.u32 s21  }
0x32: {  	p0 =	sne.s32 s21, $0x18000;
	s21 =	sadd.s32 $0x4000, s21;
	_ =	swait.ge [sflag:s18], $0x10000  }
0x33: {  	s25 =	sshrl.u32 s23, $0x3;
	[sflag:s18] =	ssyncset.done $0x0  }
0x34: {  	s25 =	sadd.s32 s3, s25;
	[sflag:s18] =	ssyncadd.s32 $0xFFFF0000  }
0x35: {  	[tilespmem:s2], [sflag:$0x1] =	stream.strided.gather [hbm4b:s25+s13], $0x10000, s14, s13, $0x38;
	v63 =	vld [tilespmem:$0x0]  }
0x36: {  	_ =	swait.ge [sflag:s15], $0x10000  }
0x37: {  	[sflag:s15] =	ssyncset.done $0x0  }
0x38: {  	s25 =	sadd.s32 s24, s9;
	[sflag:s15] =	ssyncadd.s32 $0xFFFF0000  }
0x39: {  	[hbm4b:s25+s2] =	stream.linear.scatter [tilespmem:s2], [sflag:$0x3], $0x10000, $0x38;
	v63 =	vld [tilespmem:$0x0]  }
0x3a: {  	_ =	swait.ge [sflag:s19], $0x10000  }
0x3b: {  	[sflag:s19] =	ssyncset.done $0x0  }
.Ltmp0:
0x3c: {  	[sflag:s19] =	ssyncadd.s32 $0xFFFF0000;
	(pc) =	sbr.rel @p0 .LBB2_2-.Ltmp0, $4  }
0x3d: {  	[tilespmem:s16], [sflag:$0x2] =	stream.strided.gather [hbm4b:s22+s13], $0x10000, s14, s13, $0x38;
	v63 =	vld [tilespmem:$0x0]  }
0x3e: {  	_ =	swait.ge [sflag:s17], $0x10000  }
0x3f: {  	s22 =	sadd.s32 $0x10000, s22;
	[sflag:s17] =	ssyncset.done $0x0  }
0x40: {  	s23 =	sadd.s32 $0x80000, s23;
	s24 =	sadd.s32 s24, s11;
	[sflag:s17] =	ssyncadd.s32 $0xFFFF0000  }
0x41: {  	[hbm4b:s24+s2] =	stream.linear.scatter [tilespmem:s16], [sflag:$0x4], $0x10000, $0x38;
	v63 =	vld [tilespmem:$0x0]  }
0x42: {  	s20 =	sadd.s32 $0x1, s20  }
0x43: {  	_ =	swait.ge [sflag:s18], $0x10000;
	p0 =	sne.s32 s20, s4  }
.Ltmp1:
0x44: {  	[sflag:s18] =	ssyncset.done $0x0;
	(pc) =	sbr.rel @p0 .LBB2_1-.Ltmp1, $4  }
0x45: {  	[sflag:s18] =	ssyncadd.s32 $0xFFFF0000  }
0x46: {  	_ =	swait.ge [sflag:s19], $0x10000  }
0x47: {  	[sflag:s19] =	ssyncset.done $0x0  }
0x48: {  	[sflag:s19] =	ssyncadd.s32 $0xFFFF0000  }
0x49: {  	_ =	sfence.sel $0x180000  }
0x4a: {  	[bflag:$0x0] =	sbarrier.arrive $0xFFFF  }
0x4b: {  	p0 =	sne.s32 s1, $0x0;
	_ =	strace $0x90000047  }
0x4c: {  	s0 =	sadd.s32 @!p0 $0x100000, s0;
	[bflag:$0x2] =	sbarrier.arrive $0xFFFF  }
0x4d: {  	[sflag:s0] =	ssyncadd.tile.s32 @!p0 $0x1;
	_ =	shalt  }
.Lfunc_end2:
_tile_overlayer_lowered:
.L_overlay_start_2:
0x4e: {  	(tag) =	ssettag $0x2  }
0x4f: {  	s0 =	rddreg [dreg:$0x0];
	s2 =	stileid.u32  }
0x50: {  	s1 =	rddreg [dreg:$0x1];
	p0 =	sne.s32 s2, $0x0  }
0x51: {  	s3 =	rddreg [dreg:$0x2];
	[bflag:$0x3] =	sbarrier.arrive $0xFFFF;
	s2 =	simm.s32 @!p0 $0x1C05  }
0x52: {  	[timem:s3], [sflag:s2] =	dma.local @!p0 [hbm:s0], s1  }
0x53: {  	s0 =	simm.s32 @!p0 $0x5  }
0x54: {  	_ =	swait.ge @!p0 [sflag:s0], s1  }
0x55: {  	s1 =	ssub.s32 @!p0 $0x0, s1;
	[sflag:s0] =	ssyncset.done @!p0 $0x0  }
0x56: {  	[sflag:s0] =	ssyncadd.s32 @!p0 s1  }
0x57: {  	[bflag:$0x3] =	sbarrier.arrive $0xFFFF  }
0x58: {  	_ =	shalt  }

// kernel: kernel.8.cloned.1.call-start
scs
__scs_entry_jumppad:
0x0: {  	(pc) =	sbr.rel $0x88, $3  }
0x1: {  	(tag) =	ssettag $0x0;
	lr =	simm.s32 $0x1  }
0x2: {  	[smem:$0x3F9F] =	sst lr;
	_ =	strace $0xD0000000  }
0x3: {  	_ = 	snop  }
0x4: {  	_ = 	snop  }
0x5: {  	_ = 	snop  }
0x6: {  	_ = 	snop  }
0x7: {  	_ = 	snop  }
__scs_overlays_trampoline_lowered:
0x8: {  	[smem:$0x3FAE] =	sst s0  }
0x9: {  	[smem:$0x3FAF] =	sst s1  }
0xa: {  	[smem:$0x3FB0] =	sst s2  }
0xb: {  	[smem:$0x3FB1] =	sst s3  }
0xc: {  	[smem:$0x3FB2] =	sst s4  }
0xd: {  	[smem:$0x3FB3] =	sst s5  }
0xe: {  	[smem:$0x3FB4] =	sst s6  }
0xf: {  	[smem:$0x3FB5] =	sst s7  }
0x10: {  	[smem:$0x3FB6] =	sst s8  }
0x11: {  	[smem:$0x3FB7] =	sst s9;
	s0 =	simm.s32 @!p0 $0x0  }
0x12: {  	s1 =	sld [smem:$0x3F9D];
	s0 =	simm.s32 @p0 $0x1  }
0x13: {  	[smem:$0x3FB8] =	sst s0;
	s0 =	simm.s32 @!p1 $0x0  }
0x14: {  	s2 =	sld [smem:$0x3F9C];
	s0 =	simm.s32 @p1 $0x1  }
0x15: {  	[smem:$0x3FB9] =	sst s0;
	s0 =	simm.s32 @!p2 $0x0  }
0x16: {  	s3 =	sld [smem:$0x3FDB];
	s0 =	simm.s32 @p2 $0x1  }
0x17: {  	s4 =	simm.s32 $0x1BF5;
	[smem:$0x3FBB] =	sst s0  }
0x18: {  	s0 =	sld [smem:$0x3F9E];
	_ =	swait.ge [sflag:s4], $0x0  }
0x19: {  	s7 =	sld [smem:$0x3F9F]  }
0x1a: {  	s8 =	sadd.s32 $0xFFFFE003, lr  }
0x1b: {  	s9 =	sadd.s32 $0xFFFFFEF7, lr;
	s5 =	simm.s32 $0xFFFFFFFF;
	p2 =	slt.u32 s8, $0xFFFFF086  }
0x1c: {  	p1 =	slt.u32 s9, $0xF7A;
	s5 =	simm.s32 @!p2 $0x0  }
0x1d: {  	s5 =	simm.s32 @p1 $0x1;
	p0 =	seq.s32 s7, s2  }
0x1e: {  	s7 =	smul.u32 @!p0 $0xF7A, s2;
	p2 =	seq.s32 @!p0 s5, $0x0  }
0x1f: {  	s9 =	smul.u32 $0xF7A, s1;
	s8 =	simm.s32 @!p0 $0x1BF5;
	p2 =	por !p2, p0  }
0x20: {  	[sflag:s8] =	ssyncset.s32 @!p0 $0xFFFFF086;
	s6 =	sadd.s32 @!p0 s3, s7;
	s7 =	simm.s32 @!p0 $0x108  }
0x21: {  	s3 =	sadd.s32 s3, s9;
	s6 =	sadd.s32 @!p0 $0x88, s6;
	s7 =	simm.s32 @p2 $0x1082  }
0x22: {  	[simem:s7], [sflag:s8] =	dma.local @!p0 [hbm:s6], $0xF7A  }
0x23: {  	s9 =	sor.u32 $0xD0000000, s2;
	s6 =	simm.s32 $0x108;
	_ =	swait.ge @!p0 [sflag:s8], $0x0  }
0x24: {  	s3 =	sadd.s32 $0x88, s3;
	s6 =	simm.s32 @!p1 $0x1082;
	[sflag:s4] =	ssyncset.s32 $0xFFFFF086  }
0x25: {  	[simem:s6], [sflag:s4] =	dma.local [hbm:s3], $0xF7A  }
0x26: {  	[smem:$0x3F9F] =	sst s1;
	(tag) =	ssettag s2;
	_ =	strace s9  }
0x27: {  	s1 =	sld [smem:$0x3FAF]  }
0x28: {  	s2 =	sld [smem:$0x3FB0]  }
0x29: {  	s4 =	sld [smem:$0x3FB2]  }
0x2a: {  	p0 =	seq.s32 s5, $0x0;
	s5 =	sld [smem:$0x3FB3]  }
0x2b: {  	s6 =	sld [smem:$0x3FB4]  }
0x2c: {  	s7 =	sld [smem:$0x3FB5]  }
0x2d: {  	s3 =	simm.s32 $0x108;
	s8 =	sld [smem:$0x3FB6]  }
0x2e: {  	s3 =	simm.s32 @!p0 $0x1082;
	s9 =	sld [smem:$0x3FB7]  }
0x2f: {  	lr =	sadd.s32 s0, s3;
	s0 =	sld [smem:$0x3FAE]  }
0x30: {  	s3 =	sld [smem:$0x3FB1]  }
0x31: {  	[smem:$0x3FBA] =	sst s10  }
0x32: {  	s10 =	sld [smem:$0x3FB8];
	_ =	sdelay $0x3  }
0x33: {  	p0 =	seq.s32 s10, $0x1;
	s10 =	sld [smem:$0x3FBA];
	_ =	sdelay $0x3  }
0x34: {  	[smem:$0x3FBA] =	sst s10  }
0x35: {  	s10 =	sld [smem:$0x3FB9];
	_ =	sdelay $0x3  }
0x36: {  	p1 =	seq.s32 s10, $0x1;
	s10 =	sld [smem:$0x3FBA];
	_ =	sdelay $0x3  }
0x37: {  	[smem:$0x3FBA] =	sst s10  }
0x38: {  	s10 =	sld [smem:$0x3FBB]  }
0x39: {  	_ = 	snop;
	(pc) =	sbr.ind lr, $3  }
0x3a: {  	_ = 	snop  }
0x3b: {  	_ = 	snop  }
0x3c: {  	p2 =	seq.s32 s10, $0x1;
	s10 =	sld [smem:$0x3FBA]  }
0x3d: {  	_ =	shalt  }
0x3e: {  	_ =	shalt  }
0x3f: {  	_ =	shalt  }
0x40: {  	_ =	shalt  }
0x41: {  	_ =	shalt  }
0x42: {  	_ =	shalt  }
0x43: {  	_ =	shalt  }
0x44: {  	_ =	shalt  }
0x45: {  	_ =	shalt  }
0x46: {  	_ =	shalt  }
0x47: {  	_ =	shalt  }
0x48: {  	_ =	shalt  }
0x49: {  	_ =	shalt  }
0x4a: {  	_ =	shalt  }
0x4b: {  	_ =	shalt  }
0x4c: {  	_ =	shalt  }
0x4d: {  	_ =	shalt  }
0x4e: {  	_ =	shalt  }
0x4f: {  	_ =	shalt  }
0x50: {  	_ =	shalt  }
0x51: {  	_ =	shalt  }
0x52: {  	_ =	shalt  }
0x53: {  	_ =	shalt  }
0x54: {  	_ =	shalt  }
0x55: {  	_ =	shalt  }
0x56: {  	_ =	shalt  }
0x57: {  	_ =	shalt  }
0x58: {  	_ =	shalt  }
0x59: {  	_ =	shalt  }
0x5a: {  	_ =	shalt  }
0x5b: {  	_ =	shalt  }
0x5c: {  	_ =	shalt  }
0x5d: {  	_ =	shalt  }
0x5e: {  	_ =	shalt  }
0x5f: {  	_ =	shalt  }
0x60: {  	_ =	shalt  }
0x61: {  	_ =	shalt  }
0x62: {  	_ =	shalt  }
0x63: {  	_ =	shalt  }
0x64: {  	_ =	shalt  }
0x65: {  	_ =	shalt  }
0x66: {  	_ =	shalt  }
0x67: {  	_ =	shalt  }
0x68: {  	_ =	shalt  }
0x69: {  	_ =	shalt  }
0x6a: {  	_ =	shalt  }
0x6b: {  	_ =	shalt  }
0x6c: {  	_ =	shalt  }
0x6d: {  	_ =	shalt  }
0x6e: {  	_ =	shalt  }
0x6f: {  	_ =	shalt  }
0x70: {  	_ =	shalt  }
0x71: {  	_ =	shalt  }
0x72: {  	_ =	shalt  }
0x73: {  	_ =	shalt  }
0x74: {  	_ =	shalt  }
0x75: {  	_ =	shalt  }
0x76: {  	_ =	shalt  }
0x77: {  	_ =	shalt  }
0x78: {  	_ =	shalt  }
0x79: {  	_ =	shalt  }
0x7a: {  	_ =	shalt  }
0x7b: {  	_ =	shalt  }
0x7c: {  	_ =	shalt  }
0x7d: {  	_ =	shalt  }
0x7e: {  	_ =	shalt  }
0x7f: {  	_ =	shalt  }
0x80: {  	_ =	shalt  }
0x81: {  	_ =	shalt  }
0x82: {  	_ =	shalt  }
0x83: {  	_ =	shalt  }
0x84: {  	_ =	shalt  }
0x85: {  	_ =	shalt  }
0x86: {  	_ =	shalt  }
0x87: {  	_ =	shalt  }
.Lfunc_end0:
.L_simem_size_0:
called_computation.1_lowered:
.L_overlay_start_0:
0x88: {  	s2 =	sld [smem:$0x3FD9]  }
0x89: {  	s3 =	sld [smem:$0x3FFE];
	_ =	sdelay $0x1  }
0x8a: {  	s1 =	srdreg.scid  }
0x8b: {  	s0 =	sand.u32 $0x1, s1  }
0x8c: {  	s17 =	sshll.u32 s0, $0xA;
	s2 =	sadd.s32 s3, s2  }
0x8d: {  	s2 =	sadd.s32 s2, s17  }
0x8e: {  	[smem:$0x3FC6] =	sst s2  }
0x8f: {  	_ = 	snop  }
0x90: {  	s2 =	sld [smem:$0x3FD0];
	(tm) =	ssettm $0x1  }
0x91: {  	s18 =	sld [smem:$0x3FFB];
	_ =	sdelay $0x3  }
0x92: {  	_ =	strace s18  }
0x93: {  	s3 =	sld [smem:$0x3FFC];
	_ =	sdelay $0x3  }
0x94: {  	_ =	strace s3  }
0x95: {  	s3 =	sld [smem:$0x3FFD];
	_ =	sdelay $0x3  }
0x96: {  	_ =	strace s3  }
0x97: {  	_ =	strace $0x8FFFFFFF  }
0x98: {  	s19 =	sld [smem:$0x3FDB];
	_ =	sdelay $0x1  }
0x99: {  	s4 =	simm.s32 $_scs_section_size  }
0x9a: {  	s5 =	simm.s32 $_size__tile_overlayer_lowered;
	s6 =	simm.s32 $_tile_overlayer_lowered  }
0x9b: {  	s22 =	simm.s32 $0x1BFF;
	s21 =	sshll.u32 s6, $0x1;
	s3 =	sadd.s32 s4, s19  }
0x9c: {  	s7 =	simm.s32 $0x0;
	s20 =	sshll.u32 s5, $0x1;
	s5 =	sadd.s32 s21, s3  }
0x9d: {  	[timem:s7], [sflag:s22] =	dma.local [hbm:s5], s20  }
0x9e: {  	_ =	swait.ge [sflag:s22], s20  }
0x9f: {  	s4 =	ssub.s32 $0x0, s20;
	[sflag:s22] =	ssyncset.done $0x0  }
0xa0: {  	[sflag:s22] =	ssyncadd.s32 s4;
	_ =	sdelay $0x1  }
0xa1: {  	s23 =	simm.s32 $0x1B8B  }
0xa2: {  	_ =	swait.ge [sflag:s23], $0x1  }
0xa3: {  	[sflag:s23] =	ssyncset.done $0x0  }
0xa4: {  	s25 =	simm.s32 $0x1B8E;
	s24 =	sld [smem:$0x3FFE];
	[sflag:s23] =	ssyncadd.s32 $0xFFFFFFFF  }
0xa5: {  	s26 =	simm.s32 $execute0_lowered;
	[smem:$0x3FD2] =	sst s25  }
0xa6: {  	s5 =	sshll.u32 s26, $0x1;
	_ =	strace $0x80000049;
	[dreg:$0x1] =	wrdreg $0xFFFFFFFF  }
0xa7: {  	s28 =	simm.s32 $_size_execute0_lowered;
	s3 =	sadd.s32 s3, s5;
	[dreg:$0x0] =	wrdreg $0x0  }
0xa8: {  	s5 =	sshll.u32 s28, $0x1;
	[dreg:$0x2] =	wrdreg s3  }
0xa9: {  	[dreg:$0x3] =	wrdreg s5  }
0xaa: {  	[dreg:$0x4] =	wrdreg $0xC0  }
0xab: {  	_ =	task [dreg:s7], $0x5FFFF  }
0xac: {  	[dreg:$0x1] =	wrdreg $0xFFFFFFFF  }
0xad: {  	[dreg:$0x0] =	wrdreg $0x60  }
0xae: {  	[dreg:$0x2] =	wrdreg s24  }
0xaf: {  	[dreg:$0x3] =	wrdreg s2  }
0xb0: {  	[dreg:$0x4] =	wrdreg $0x9  }
0xb1: {  	_ =	task.clear_ibuf [dreg:s7], $0x5FFFF;
	_ =	strace $0x90000049  }
0xb2: {  	s29 =	simm.s32 $0x9;
	_ =	strace $0x8000004B  }
0xb3: {  	_ =	swait.ge [sflag:s29], $0x1  }
0xb4: {  	[sflag:s29] =	ssyncadd.s32 $0xFFFFFFFF  }
0xb5: {  	_ =	strace $0x9000004B  }
0xb6: {  	_ =	sfence  }
0xb7: {  	s30 =	sld [smem:$0x0];
	_ =	sdelay $0x2  }
0xb8: {  	s31 =	sshll.u32 s1, $0xD;
	s1 =	sshrl.u32 s1, $0x2  }
0xb9: {  	s3 =	sand.u32 $0x4000, s31;
	s1 =	sadd.s32 s1, s30  }
0xba: {  	s0 =	sor.u32 s3, s0;
	s1 =	sshll.u32 s1, $0x11  }
0xbb: {  	s0 =	sor.u32 s1, s0  }
0xbc: {  	s0 =	sadd.s32 $0x8F2B, s0  }
0xbd: {  	[sflag:s0] =	ssyncadd.remote.s32 $0x1  }
0xbe: {  	_ =	sfence.sel $0xFFFF  }
0xbf: {  	[dreg:$0x0] =	wrdreg $0xFFFFFFFF;
	(pc) =	sbr.abs _section_cstart, $3  }
0xc0: {  	[dreg:$0x1] =	wrdreg $0xFFFFFFFF  }
0xc1: {  	_ =	task.clear_ibuf [dreg:s7], $0x2FFFF;
	_ =	strace $0x9FFFFFFF  }
0xc2: {  	(tm) =	ssettm $0x7FFFFFFF  }
0xc3: {  	_ =	shalt  }
tec
execute0_lowered:
.L_overlay_start_1:
0x0: {  	(tag) =	ssettag $0x1  }
0x1: {  	s0 =	srdreg.scid;
	s1 =	rddreg [dreg:$0x0]  }
0x2: {  	s2 =	stileid.u32;
	s5 =	rddreg [dreg:$0x1];
	s8 =	simm.s32 $0xC8  }
0x3: {  	s9 =	simm.s32 $0x6400;
	s10 =	simm.s32 $0x7D00;
	s12 =	simm.s32 $0x9600  }
0x4: {  	s14 =	simm.s32 $0xAF00;
	s16 =	simm.s32 $0xC800;
	s18 =	simm.s32 $0xE100  }
0x5: {  	s20 =	simm.s32 $0xFA00;
	s21 =	simm.s32 $0x578;
	s22 =	simm.s32 $0x11300  }
0x6: {  	s23 =	simm.s32 $0x1;
	s24 =	simm.s32 $0x2;
	s25 =	simm.s32 $0x3  }
0x7: {  	s28 =	simm.s32 $0x5;
	s29 =	simm.s32 $0x6;
	s30 =	simm.s32 $0x7  }
0x8: {  	s31 =	simm.s32 $0x8;
	s0 =	sand.u32 $0x1, s0;
	s2 =	sshll.u32 s2, $0x1  }
0x9: {  	s4 =	sor.u32 s0, s2;
	s2 =	simm.s32 $0x0;
	s0 =	ssub.s32 $0x2, s0  }
0xa: {  	s3 =	smul.u32 $0xC80, s4;
	[smem:$0x7FF] =	sst s2;
	s26 =	sshrl.u32 s0, $0x1  }
0xb: {  	s7 =	sshll.u32 s4, $0x9;
	_ =	strace $0x8000004A;
	s0 =	ssub.s32 s0, s26  }
0xc: {  	s5 =	sadd.s32 s5, s7;
	s7 =	simm.s32 $0x9;
	s26 =	simm.s32 $0x4  }
0xd: {  	s6 =	sadd.s32 s3, s1;
	s3 =	sadd.s32 $0x400A00, s1;
	s1 =	simm.s32 $0x12C00  }
0xe: {  	s4 =	sadd.s32 $0x800A00, s6;
	s6 =	smax.u32 s0, $0x1;
	s0 =	simm.s32 $0x0  }
.LBB2_1:
0xf: {  	[tilespmem:s2], [sflag:$0x9] =	stream.linear.gather [hbm4b:s4+s2], $0x6400, $0x38;
	[tilespmem:$0x13C00] =	vst v63  }
0x10: {  	_ =	swait.ge [sflag:s7], $0x6400  }
0x11: {  	[sflag:s7] =	ssyncset.done $0x0  }
0x12: {  	[sflag:s7] =	ssyncadd.s32 $0xFFFF9C00  }
0x13: {  	[tilespmem:s9], [sflag:$0x1] =	stream.indirect.gather [hbm4b:s3+s8], $0x20, s2, s8, $0xb8;
	[tilespmem:$0x13C00] =	vst v63  }
0x14: {  	_ = 	snop  }
0x15: {  	[tilespmem:s10], [sflag:$0x2] =	stream.indirect.gather [hbm4b:s3+s8], $0x20, s8, s8, $0xb8;
	[tilespmem:$0x13C00] =	vst v63  }
0x16: {  	s11 =	simm.s32 $0x190  }
0x17: {  	[tilespmem:s12], [sflag:$0x3] =	stream.indirect.gather [hbm4b:s3+s8], $0x20, s11, s8, $0xb8;
	[tilespmem:$0x13C00] =	vst v63  }
0x18: {  	s13 =	simm.s32 $0x258  }
0x19: {  	[tilespmem:s14], [sflag:$0x4] =	stream.indirect.gather [hbm4b:s3+s8], $0x20, s13, s8, $0xb8;
	[tilespmem:$0x13C00] =	vst v63  }
0x1a: {  	s15 =	simm.s32 $0x320  }
0x1b: {  	[tilespmem:s16], [sflag:$0x5] =	stream.indirect.gather [hbm4b:s3+s8], $0x20, s15, s8, $0xb8;
	[tilespmem:$0x13C00] =	vst v63  }
0x1c: {  	s17 =	simm.s32 $0x3E8  }
0x1d: {  	[tilespmem:s18], [sflag:$0x6] =	stream.indirect.gather [hbm4b:s3+s8], $0x20, s17, s8, $0xb8;
	[tilespmem:$0x13C00] =	vst v63  }
0x1e: {  	s19 =	simm.s32 $0x4B0  }
0x1f: {  	[tilespmem:s20], [sflag:$0x7] =	stream.indirect.gather [hbm4b:s3+s8], $0x20, s19, s8, $0xb8;
	[tilespmem:$0x13C00] =	vst v63  }
0x20: {  	s11 =	simm.s32 $0x0  }
0x21: {  	[tilespmem:s22], [sflag:$0x8] =	stream.indirect.gather [hbm4b:s3+s8], $0x20, s21, s8, $0xb8;
	[tilespmem:$0x13C00] =	vst v63  }
.LBB2_2:
0x22: {  	_ =	swait.ge [sflag:s23], $0x1900  }
0x23: {  	[sflag:s23] =	ssyncset.done $0x0  }
0x24: {  	s13 =	simm.s32 $0x0;
	[sflag:s23] =	ssyncadd.s32 $0xFFFFE700  }
0x25: {  	v0 =	vld [tilespmem:s13+$0x64C0]  }
0x26: {  	v1 =	vld [tilespmem:s13+$0x64D0]  }
0x27: {  	v2 =	vld [tilespmem:s13+$0x6480]  }
0x28: {  	v3 =	vld [tilespmem:s13+$0x6490]  }
0x29: {  	v4 =	vld [tilespmem:s13+$0x6440]  }
0x2a: {  	v5 =	vld [tilespmem:s13+$0x6450]  }
0x2b: {  	v10 =	vld [tilespmem:s13+$0x6400]  }
0x2c: {  	v6 =	vimm.f32 $0.0e+00;
	v11 =	vld [tilespmem:s13+$0x6410]  }
0x2d: {  	s15 =	simm.s32 $0x400;
	v7 =	vimm.f32 $0.0e+00;
	v9 =	vimm.f32 $0.0e+00;
	v8 =	vimm.f32 $0.0e+00;
	v12 =	vld [tilespmem:s13+$0x6420]  }
.LBB2_3:
0x2e: {  	p0 =	sne.s32 s15, $0x6000;
	v13 =	vld [tilespmem:s13+$0x6430]  }
0x2f: {  	v14 =	vld [tilespmem:s13+$0x6460]  }
0x30: {  	v15 =	vld [tilespmem:s13+$0x6470]  }
0x31: {  	v16 =	vld [tilespmem:s13+$0x64A0]  }
0x32: {  	v6 =	vadd.f32 v10, v6;
	v7 =	vadd.f32 v11, v7;
	v10 =	vld [tilespmem:s13+$0x64B0]  }
0x33: {  	v9 =	vadd.f32 v12, v9;
	v8 =	vadd.f32 v13, v8;
	v11 =	vld [tilespmem:s13+$0x64E0]  }
0x34: {  	v4 =	vadd.f32 v4, v6;
	v5 =	vadd.f32 v5, v7;
	v12 =	vld [tilespmem:s13+$0x64F0];
	s13 =	sshra.s32 s15, $0x2  }
0x35: {  	v6 =	vadd.f32 v14, v9;
	v13 =	vld [tilespmem:s13+$0x64C0];
	v7 =	vadd.f32 v15, v8  }
0x36: {  	v4 =	vadd.f32 v2, v4;
	v5 =	vadd.f32 v3, v5;
	v14 =	vld [tilespmem:s13+$0x64D0]  }
0x37: {  	v8 =	vadd.f32 v16, v6;
	v2 =	vld [tilespmem:s13+$0x6480];
	v10 =	vadd.f32 v10, v7  }
0x38: {  	v6 =	vadd.f32 v0, v4;
	v7 =	vadd.f32 v1, v5;
	v3 =	vld [tilespmem:s13+$0x6490]  }
.Ltmp0:
0x39: {  	v9 =	vadd.f32 v11, v8;
	v4 =	vld [tilespmem:s13+$0x6440];
	v8 =	vadd.f32 v12, v10;
	(pc) =	sbr.rel @p0 .LBB2_3-.Ltmp0, $4  }
0x3a: {  	v5 =	vld [tilespmem:s13+$0x6450];
	v0 =	vmov v13  }
0x3b: {  	v10 =	vld [tilespmem:s13+$0x6400];
	v1 =	vmov v14  }
0x3c: {  	v11 =	vld [tilespmem:s13+$0x6410]  }
0x3d: {  	s15 =	sadd.s32 $0x400, s15;
	v12 =	vld [tilespmem:s13+$0x6420]  }
0x3e: {  	v13 =	vld [tilespmem:s13+$0x6430]  }
0x3f: {  	v14 =	vld [tilespmem:s13+$0x6460]  }
0x40: {  	v15 =	vld [tilespmem:s13+$0x6470]  }
0x41: {  	v16 =	vld [tilespmem:s13+$0x64A0]  }
0x42: {  	v6 =	vadd.f32 v10, v6;
	v10 =	vld [tilespmem:s13+$0x64B0];
	v9 =	vadd.f32 v12, v9  }
0x43: {  	v7 =	vadd.f32 v11, v7;
	v11 =	vld [tilespmem:s13+$0x64E0];
	v8 =	vadd.f32 v13, v8  }
0x44: {  	v4 =	vadd.f32 v4, v6;
	v6 =	vld [tilespmem:s13+$0x64F0];
	v9 =	vadd.f32 v14, v9  }
0x45: {  	v5 =	vadd.f32 v5, v7;
	v7 =	vadd.f32 v15, v8  }
0x46: {  	v2 =	vadd.f32 v2, v4;
	v4 =	vadd.f32 v16, v9  }
0x47: {  	v3 =	vadd.f32 v3, v5;
	v5 =	vadd.f32 v10, v7  }
0x48: {  	v0 =	vadd.f32 v0, v2;
	v2 =	vadd.f32 v11, v4  }
0x49: {  	v1 =	vadd.f32 v1, v3;
	v3 =	vadd.f32 v6, v5  }
0x4a: {  	v0 =	vadd.f32 v2, v0  }
0x4b: {  	v1 =	vadd.f32 v3, v1  }
0x4c: {  	s19 =	sshll.u32 s11, $0x8;
	s15 =	smul.u32 $0x1900, s11;
	v0 =	vmul.f32 $4.999999890e-03, v0  }
0x4d: {  	s13 =	sand.u32 $0x3FFFFF00, s19;
	v1 =	vmul.f32 $4.999999890e-03, v1  }
0x4e: {  	s15 =	sshra.s32 s15, $0x2;
	[tilespmem:s13+$0x12C00] =	vst v0  }
0x4f: {  	s17 =	sadd.s32 $0x640, s15;
	[tilespmem:s13+$0x12C10] =	vst v1  }
0x50: {  	[tilespmem:s9], [sflag:$0x1] =	stream.indirect.gather [hbm4b:s3+s8], $0x20, s17, s8, $0xb8;
	[tilespmem:$0x13C00] =	vst v63  }
0x51: {  	_ =	swait.ge [sflag:s24], $0x1900  }
0x52: {  	[sflag:s24] =	ssyncset.done $0x0  }
0x53: {  	s17 =	simm.s32 $0x0;
	[sflag:s24] =	ssyncadd.s32 $0xFFFFE700  }
0x54: {  	v0 =	vld [tilespmem:s17+$0x7DC0]  }
0x55: {  	v1 =	vld [tilespmem:s17+$0x7DD0]  }
0x56: {  	v2 =	vld [tilespmem:s17+$0x7D80]  }
0x57: {  	v3 =	vld [tilespmem:s17+$0x7D90]  }
0x58: {  	v4 =	vld [tilespmem:s17+$0x7D40]  }
0x59: {  	v5 =	vld [tilespmem:s17+$0x7D50]  }
0x5a: {  	v10 =	vld [tilespmem:s17+$0x7D00]  }
0x5b: {  	v8 =	vimm.f32 $0.0e+00;
	v11 =	vld [tilespmem:s17+$0x7D10]  }
0x5c: {  	s19 =	simm.s32 $0x400;
	v9 =	vimm.f32 $0.0e+00;
	v7 =	vimm.f32 $0.0e+00;
	v6 =	vimm.f32 $0.0e+00;
	v12 =	vld [tilespmem:s17+$0x7D20]  }
.LBB2_5:
0x5d: {  	p0 =	sne.s32 s19, $0x6000;
	v13 =	vld [tilespmem:s17+$0x7D30]  }
0x5e: {  	v14 =	vld [tilespmem:s17+$0x7D60]  }
0x5f: {  	v15 =	vld [tilespmem:s17+$0x7D70]  }
0x60: {  	v16 =	vld [tilespmem:s17+$0x7DA0]  }
0x61: {  	v6 =	vadd.f32 v10, v6;
	v7 =	vadd.f32 v11, v7;
	v10 =	vld [tilespmem:s17+$0x7DB0]  }
0x62: {  	v9 =	vadd.f32 v12, v9;
	v8 =	vadd.f32 v13, v8;
	v11 =	vld [tilespmem:s17+$0x7DE0]  }
0x63: {  	v4 =	vadd.f32 v4, v6;
	v5 =	vadd.f32 v5, v7;
	v12 =	vld [tilespmem:s17+$0x7DF0];
	s17 =	sshra.s32 s19, $0x2  }
0x64: {  	v6 =	vadd.f32 v14, v9;
	v13 =	vld [tilespmem:s17+$0x7DC0];
	v7 =	vadd.f32 v15, v8  }
0x65: {  	v4 =	vadd.f32 v2, v4;
	v5 =	vadd.f32 v3, v5;
	v14 =	vld [tilespmem:s17+$0x7DD0]  }
0x66: {  	v8 =	vadd.f32 v16, v6;
	v2 =	vld [tilespmem:s17+$0x7D80];
	v10 =	vadd.f32 v10, v7  }
0x67: {  	v6 =	vadd.f32 v0, v4;
	v7 =	vadd.f32 v1, v5;
	v3 =	vld [tilespmem:s17+$0x7D90]  }
.Ltmp1:
0x68: {  	v9 =	vadd.f32 v11, v8;
	v4 =	vld [tilespmem:s17+$0x7D40];
	v8 =	vadd.f32 v12, v10;
	(pc) =	sbr.rel @p0 .LBB2_5-.Ltmp1, $4  }
0x69: {  	v5 =	vld [tilespmem:s17+$0x7D50];
	v0 =	vmov v13  }
0x6a: {  	v10 =	vld [tilespmem:s17+$0x7D00];
	v1 =	vmov v14  }
0x6b: {  	v11 =	vld [tilespmem:s17+$0x7D10]  }
0x6c: {  	s19 =	sadd.s32 $0x400, s19;
	v12 =	vld [tilespmem:s17+$0x7D20]  }
0x6d: {  	v13 =	vld [tilespmem:s17+$0x7D30]  }
0x6e: {  	v14 =	vld [tilespmem:s17+$0x7D60]  }
0x6f: {  	v15 =	vld [tilespmem:s17+$0x7D70]  }
0x70: {  	v16 =	vld [tilespmem:s17+$0x7DA0]  }
0x71: {  	v6 =	vadd.f32 v10, v6;
	v10 =	vld [tilespmem:s17+$0x7DB0];
	v9 =	vadd.f32 v12, v9  }
0x72: {  	v7 =	vadd.f32 v11, v7;
	v11 =	vld [tilespmem:s17+$0x7DE0];
	v8 =	vadd.f32 v13, v8  }
0x73: {  	v4 =	vadd.f32 v4, v6;
	v6 =	vld [tilespmem:s17+$0x7DF0];
	v9 =	vadd.f32 v14, v9  }
0x74: {  	v5 =	vadd.f32 v5, v7;
	v7 =	vadd.f32 v15, v8  }
0x75: {  	v2 =	vadd.f32 v2, v4;
	v4 =	vadd.f32 v16, v9  }
0x76: {  	v3 =	vadd.f32 v3, v5;
	v5 =	vadd.f32 v10, v7  }
0x77: {  	v0 =	vadd.f32 v0, v2;
	v2 =	vadd.f32 v11, v4  }
0x78: {  	v1 =	vadd.f32 v1, v3;
	v3 =	vadd.f32 v6, v5  }
0x79: {  	v0 =	vadd.f32 v2, v0  }
0x7a: {  	v1 =	vadd.f32 v3, v1  }
0x7b: {  	v0 =	vmul.f32 $4.999999890e-03, v0  }
0x7c: {  	v1 =	vmul.f32 $4.999999890e-03, v1  }
0x7d: {  	[tilespmem:s13+$0x12C20] =	vst v0  }
0x7e: {  	s19 =	sadd.s32 $0x708, s15;
	[tilespmem:s13+$0x12C30] =	vst v1  }
0x7f: {  	[tilespmem:s10], [sflag:$0x2] =	stream.indirect.gather [hbm4b:s3+s8], $0x20, s19, s8, $0xb8;
	[tilespmem:$0x13C00] =	vst v63  }
0x80: {  	_ =	swait.ge [sflag:s25], $0x1900  }
0x81: {  	[sflag:s25] =	ssyncset.done $0x0  }
0x82: {  	s17 =	simm.s32 $0x0;
	[sflag:s25] =	ssyncadd.s32 $0xFFFFE700  }
0x83: {  	v0 =	vld [tilespmem:s17+$0x96C0]  }
0x84: {  	v1 =	vld [tilespmem:s17+$0x96D0]  }
0x85: {  	v2 =	vld [tilespmem:s17+$0x9680]  }
0x86: {  	v3 =	vld [tilespmem:s17+$0x9690]  }
0x87: {  	v4 =	vld [tilespmem:s17+$0x9640]  }
0x88: {  	v5 =	vld [tilespmem:s17+$0x9650]  }
0x89: {  	v10 =	vld [tilespmem:s17+$0x9600]  }
0x8a: {  	v8 =	vimm.f32 $0.0e+00;
	v11 =	vld [tilespmem:s17+$0x9610]  }
0x8b: {  	v9 =	vimm.f32 $0.0e+00;
	v7 =	vimm.f32 $0.0e+00;
	v6 =	vimm.f32 $0.0e+00;
	s19 =	simm.s32 $0x400;
	v12 =	vld [tilespmem:s17+$0x9620]  }
.LBB2_7:
0x8c: {  	p0 =	sne.s32 s19, $0x6000;
	v13 =	vld [tilespmem:s17+$0x9630]  }
0x8d: {  	v14 =	vld [tilespmem:s17+$0x9660]  }
0x8e: {  	v15 =	vld [tilespmem:s17+$0x9670]  }
0x8f: {  	v16 =	vld [tilespmem:s17+$0x96A0]  }
0x90: {  	v6 =	vadd.f32 v10, v6;
	v7 =	vadd.f32 v11, v7;
	v10 =	vld [tilespmem:s17+$0x96B0]  }
0x91: {  	v9 =	vadd.f32 v12, v9;
	v8 =	vadd.f32 v13, v8;
	v11 =	vld [tilespmem:s17+$0x96E0]  }
0x92: {  	v4 =	vadd.f32 v4, v6;
	v5 =	vadd.f32 v5, v7;
	v12 =	vld [tilespmem:s17+$0x96F0];
	s17 =	sshra.s32 s19, $0x2  }
0x93: {  	v6 =	vadd.f32 v14, v9;
	v13 =	vld [tilespmem:s17+$0x96C0];
	v7 =	vadd.f32 v15, v8  }
0x94: {  	v4 =	vadd.f32 v2, v4;
	v5 =	vadd.f32 v3, v5;
	v14 =	vld [tilespmem:s17+$0x96D0]  }
0x95: {  	v8 =	vadd.f32 v16, v6;
	v2 =	vld [tilespmem:s17+$0x9680];
	v10 =	vadd.f32 v10, v7  }
0x96: {  	v6 =	vadd.f32 v0, v4;
	v7 =	vadd.f32 v1, v5;
	v3 =	vld [tilespmem:s17+$0x9690]  }
.Ltmp2:
0x97: {  	v9 =	vadd.f32 v11, v8;
	v4 =	vld [tilespmem:s17+$0x9640];
	v8 =	vadd.f32 v12, v10;
	(pc) =	sbr.rel @p0 .LBB2_7-.Ltmp2, $4  }
0x98: {  	v5 =	vld [tilespmem:s17+$0x9650];
	v0 =	vmov v13  }
0x99: {  	v10 =	vld [tilespmem:s17+$0x9600];
	v1 =	vmov v14  }
0x9a: {  	v11 =	vld [tilespmem:s17+$0x9610]  }
0x9b: {  	s19 =	sadd.s32 $0x400, s19;
	v12 =	vld [tilespmem:s17+$0x9620]  }
0x9c: {  	v13 =	vld [tilespmem:s17+$0x9630]  }
0x9d: {  	v14 =	vld [tilespmem:s17+$0x9660]  }
0x9e: {  	v15 =	vld [tilespmem:s17+$0x9670]  }
0x9f: {  	v16 =	vld [tilespmem:s17+$0x96A0]  }
0xa0: {  	v6 =	vadd.f32 v10, v6;
	v10 =	vld [tilespmem:s17+$0x96B0];
	v9 =	vadd.f32 v12, v9  }
0xa1: {  	v7 =	vadd.f32 v11, v7;
	v11 =	vld [tilespmem:s17+$0x96E0];
	v8 =	vadd.f32 v13, v8  }
0xa2: {  	v4 =	vadd.f32 v4, v6;
	v6 =	vld [tilespmem:s17+$0x96F0];
	v9 =	vadd.f32 v14, v9  }
0xa3: {  	v5 =	vadd.f32 v5, v7;
	v7 =	vadd.f32 v15, v8  }
0xa4: {  	v2 =	vadd.f32 v2, v4;
	v4 =	vadd.f32 v16, v9  }
0xa5: {  	v3 =	vadd.f32 v3, v5;
	v5 =	vadd.f32 v10, v7  }
0xa6: {  	v0 =	vadd.f32 v0, v2;
	v2 =	vadd.f32 v11, v4  }
0xa7: {  	v1 =	vadd.f32 v1, v3;
	v3 =	vadd.f32 v6, v5  }
0xa8: {  	v0 =	vadd.f32 v2, v0  }
0xa9: {  	v1 =	vadd.f32 v3, v1  }
0xaa: {  	v0 =	vmul.f32 $4.999999890e-03, v0  }
0xab: {  	v1 =	vmul.f32 $4.999999890e-03, v1  }
0xac: {  	[tilespmem:s13+$0x12C40] =	vst v0  }
0xad: {  	s19 =	sadd.s32 $0x7D0, s15;
	[tilespmem:s13+$0x12C50] =	vst v1  }
0xae: {  	[tilespmem:s12], [sflag:$0x3] =	stream.indirect.gather [hbm4b:s3+s8], $0x20, s19, s8, $0xb8;
	[tilespmem:$0x13C00] =	vst v63  }
0xaf: {  	_ =	swait.ge [sflag:s26], $0x1900  }
0xb0: {  	[sflag:s26] =	ssyncset.done $0x0  }
0xb1: {  	s17 =	simm.s32 $0x0;
	[sflag:s26] =	ssyncadd.s32 $0xFFFFE700  }
0xb2: {  	v0 =	vld [tilespmem:s17+$0xAFC0]  }
0xb3: {  	v1 =	vld [tilespmem:s17+$0xAFD0]  }
0xb4: {  	v2 =	vld [tilespmem:s17+$0xAF80]  }
0xb5: {  	v3 =	vld [tilespmem:s17+$0xAF90]  }
0xb6: {  	v4 =	vld [tilespmem:s17+$0xAF40]  }
0xb7: {  	v5 =	vld [tilespmem:s17+$0xAF50]  }
0xb8: {  	v10 =	vld [tilespmem:s17+$0xAF00]  }
0xb9: {  	v8 =	vimm.f32 $0.0e+00;
	v11 =	vld [tilespmem:s17+$0xAF10]  }
0xba: {  	v9 =	vimm.f32 $0.0e+00;
	v7 =	vimm.f32 $0.0e+00;
	v6 =	vimm.f32 $0.0e+00;
	s19 =	simm.s32 $0x400;
	v12 =	vld [tilespmem:s17+$0xAF20]  }
.LBB2_9:
0xbb: {  	p0 =	sne.s32 s19, $0x6000;
	v13 =	vld [tilespmem:s17+$0xAF30]  }
0xbc: {  	v14 =	vld [tilespmem:s17+$0xAF60]  }
0xbd: {  	v15 =	vld [tilespmem:s17+$0xAF70]  }
0xbe: {  	v16 =	vld [tilespmem:s17+$0xAFA0]  }
0xbf: {  	v6 =	vadd.f32 v10, v6;
	v7 =	vadd.f32 v11, v7;
	v10 =	vld [tilespmem:s17+$0xAFB0]  }
0xc0: {  	v9 =	vadd.f32 v12, v9;
	v8 =	vadd.f32 v13, v8;
	v11 =	vld [tilespmem:s17+$0xAFE0]  }
0xc1: {  	v4 =	vadd.f32 v4, v6;
	v5 =	vadd.f32 v5, v7;
	v12 =	vld [tilespmem:s17+$0xAFF0];
	s17 =	sshra.s32 s19, $0x2  }
0xc2: {  	v6 =	vadd.f32 v14, v9;
	v13 =	vld [tilespmem:s17+$0xAFC0];
	v7 =	vadd.f32 v15, v8  }
0xc3: {  	v4 =	vadd.f32 v2, v4;
	v5 =	vadd.f32 v3, v5;
	v14 =	vld [tilespmem:s17+$0xAFD0]  }
0xc4: {  	v8 =	vadd.f32 v16, v6;
	v2 =	vld [tilespmem:s17+$0xAF80];
	v10 =	vadd.f32 v10, v7  }
0xc5: {  	v6 =	vadd.f32 v0, v4;
	v7 =	vadd.f32 v1, v5;
	v3 =	vld [tilespmem:s17+$0xAF90]  }
.Ltmp3:
0xc6: {  	v9 =	vadd.f32 v11, v8;
	v4 =	vld [tilespmem:s17+$0xAF40];
	v8 =	vadd.f32 v12, v10;
	(pc) =	sbr.rel @p0 .LBB2_9-.Ltmp3, $4  }
0xc7: {  	v5 =	vld [tilespmem:s17+$0xAF50];
	v0 =	vmov v13  }
0xc8: {  	v10 =	vld [tilespmem:s17+$0xAF00];
	v1 =	vmov v14  }
0xc9: {  	v11 =	vld [tilespmem:s17+$0xAF10]  }
0xca: {  	s19 =	sadd.s32 $0x400, s19;
	v12 =	vld [tilespmem:s17+$0xAF20]  }
0xcb: {  	v13 =	vld [tilespmem:s17+$0xAF30]  }
0xcc: {  	v14 =	vld [tilespmem:s17+$0xAF60]  }
0xcd: {  	v15 =	vld [tilespmem:s17+$0xAF70]  }
0xce: {  	v16 =	vld [tilespmem:s17+$0xAFA0]  }
0xcf: {  	v6 =	vadd.f32 v10, v6;
	v10 =	vld [tilespmem:s17+$0xAFB0];
	v9 =	vadd.f32 v12, v9  }
0xd0: {  	v7 =	vadd.f32 v11, v7;
	v11 =	vld [tilespmem:s17+$0xAFE0];
	v8 =	vadd.f32 v13, v8  }
0xd1: {  	v4 =	vadd.f32 v4, v6;
	v6 =	vld [tilespmem:s17+$0xAFF0];
	v9 =	vadd.f32 v14, v9  }
0xd2: {  	v5 =	vadd.f32 v5, v7;
	v7 =	vadd.f32 v15, v8  }
0xd3: {  	v2 =	vadd.f32 v2, v4;
	v4 =	vadd.f32 v16, v9  }
0xd4: {  	v3 =	vadd.f32 v3, v5;
	v5 =	vadd.f32 v10, v7  }
0xd5: {  	v0 =	vadd.f32 v0, v2;
	v2 =	vadd.f32 v11, v4  }
0xd6: {  	v1 =	vadd.f32 v1, v3;
	v3 =	vadd.f32 v6, v5  }
0xd7: {  	v0 =	vadd.f32 v2, v0  }
0xd8: {  	v1 =	vadd.f32 v3, v1  }
0xd9: {  	v0 =	vmul.f32 $4.999999890e-03, v0  }
0xda: {  	v1 =	vmul.f32 $4.999999890e-03, v1  }
0xdb: {  	[tilespmem:s13+$0x12C60] =	vst v0  }
0xdc: {  	s19 =	sadd.s32 $0x898, s15;
	[tilespmem:s13+$0x12C70] =	vst v1  }
0xdd: {  	[tilespmem:s14], [sflag:$0x4] =	stream.indirect.gather [hbm4b:s3+s8], $0x20, s19, s8, $0xb8;
	[tilespmem:$0x13C00] =	vst v63  }
0xde: {  	_ =	swait.ge [sflag:s28], $0x1900  }
0xdf: {  	[sflag:s28] =	ssyncset.done $0x0  }
0xe0: {  	s17 =	simm.s32 $0x0;
	[sflag:s28] =	ssyncadd.s32 $0xFFFFE700  }
0xe1: {  	v0 =	vld [tilespmem:s17+$0xC8C0]  }
0xe2: {  	v1 =	vld [tilespmem:s17+$0xC8D0]  }
0xe3: {  	v2 =	vld [tilespmem:s17+$0xC880]  }
0xe4: {  	v3 =	vld [tilespmem:s17+$0xC890]  }
0xe5: {  	v4 =	vld [tilespmem:s17+$0xC840]  }
0xe6: {  	v5 =	vld [tilespmem:s17+$0xC850]  }
0xe7: {  	v10 =	vld [tilespmem:s17+$0xC800]  }
0xe8: {  	v8 =	vimm.f32 $0.0e+00;
	v11 =	vld [tilespmem:s17+$0xC810]  }
0xe9: {  	v9 =	vimm.f32 $0.0e+00;
	v7 =	vimm.f32 $0.0e+00;
	v6 =	vimm.f32 $0.0e+00;
	s19 =	simm.s32 $0x400;
	v12 =	vld [tilespmem:s17+$0xC820]  }
.LBB2_11:
0xea: {  	p0 =	sne.s32 s19, $0x6000;
	v13 =	vld [tilespmem:s17+$0xC830]  }
0xeb: {  	v14 =	vld [tilespmem:s17+$0xC860]  }
0xec: {  	v15 =	vld [tilespmem:s17+$0xC870]  }
0xed: {  	v16 =	vld [tilespmem:s17+$0xC8A0]  }
0xee: {  	v6 =	vadd.f32 v10, v6;
	v7 =	vadd.f32 v11, v7;
	v10 =	vld [tilespmem:s17+$0xC8B0]  }
0xef: {  	v9 =	vadd.f32 v12, v9;
	v8 =	vadd.f32 v13, v8;
	v11 =	vld [tilespmem:s17+$0xC8E0]  }
0xf0: {  	v4 =	vadd.f32 v4, v6;
	v5 =	vadd.f32 v5, v7;
	v12 =	vld [tilespmem:s17+$0xC8F0];
	s17 =	sshra.s32 s19, $0x2  }
0xf1: {  	v6 =	vadd.f32 v14, v9;
	v13 =	vld [tilespmem:s17+$0xC8C0];
	v7 =	vadd.f32 v15, v8  }
0xf2: {  	v4 =	vadd.f32 v2, v4;
	v5 =	vadd.f32 v3, v5;
	v14 =	vld [tilespmem:s17+$0xC8D0]  }
0xf3: {  	v8 =	vadd.f32 v16, v6;
	v2 =	vld [tilespmem:s17+$0xC880];
	v10 =	vadd.f32 v10, v7  }
0xf4: {  	v6 =	vadd.f32 v0, v4;
	v7 =	vadd.f32 v1, v5;
	v3 =	vld [tilespmem:s17+$0xC890]  }
.Ltmp4:
0xf5: {  	v9 =	vadd.f32 v11, v8;
	v4 =	vld [tilespmem:s17+$0xC840];
	v8 =	vadd.f32 v12, v10;
	(pc) =	sbr.rel @p0 .LBB2_11-.Ltmp4, $4  }
0xf6: {  	v5 =	vld [tilespmem:s17+$0xC850];
	v0 =	vmov v13  }
0xf7: {  	v10 =	vld [tilespmem:s17+$0xC800];
	v1 =	vmov v14  }
0xf8: {  	v11 =	vld [tilespmem:s17+$0xC810]  }
0xf9: {  	s19 =	sadd.s32 $0x400, s19;
	v12 =	vld [tilespmem:s17+$0xC820]  }
0xfa: {  	v13 =	vld [tilespmem:s17+$0xC830]  }
0xfb: {  	v14 =	vld [tilespmem:s17+$0xC860]  }
0xfc: {  	v15 =	vld [tilespmem:s17+$0xC870]  }
0xfd: {  	v16 =	vld [tilespmem:s17+$0xC8A0]  }
0xfe: {  	v6 =	vadd.f32 v10, v6;
	v10 =	vld [tilespmem:s17+$0xC8B0];
	v9 =	vadd.f32 v12, v9  }
0xff: {  	v7 =	vadd.f32 v11, v7;
	v11 =	vld [tilespmem:s17+$0xC8E0];
	v8 =	vadd.f32 v13, v8  }
0x100: {  	v4 =	vadd.f32 v4, v6;
	v6 =	vld [tilespmem:s17+$0xC8F0];
	v9 =	vadd.f32 v14, v9  }
0x101: {  	v5 =	vadd.f32 v5, v7;
	v7 =	vadd.f32 v15, v8  }
0x102: {  	v2 =	vadd.f32 v2, v4;
	v4 =	vadd.f32 v16, v9  }
0x103: {  	v3 =	vadd.f32 v3, v5;
	v5 =	vadd.f32 v10, v7  }
0x104: {  	v0 =	vadd.f32 v0, v2;
	v2 =	vadd.f32 v11, v4  }
0x105: {  	v1 =	vadd.f32 v1, v3;
	v3 =	vadd.f32 v6, v5  }
0x106: {  	v0 =	vadd.f32 v2, v0  }
0x107: {  	v1 =	vadd.f32 v3, v1  }
0x108: {  	v0 =	vmul.f32 $4.999999890e-03, v0  }
0x109: {  	v1 =	vmul.f32 $4.999999890e-03, v1  }
0x10a: {  	[tilespmem:s13+$0x12C80] =	vst v0  }
0x10b: {  	s19 =	sadd.s32 $0x960, s15;
	[tilespmem:s13+$0x12C90] =	vst v1  }
0x10c: {  	[tilespmem:s16], [sflag:$0x5] =	stream.indirect.gather [hbm4b:s3+s8], $0x20, s19, s8, $0xb8;
	[tilespmem:$0x13C00] =	vst v63  }
0x10d: {  	_ =	swait.ge [sflag:s29], $0x1900  }
0x10e: {  	[sflag:s29] =	ssyncset.done $0x0  }
0x10f: {  	s17 =	simm.s32 $0x0;
	[sflag:s29] =	ssyncadd.s32 $0xFFFFE700  }
0x110: {  	v0 =	vld [tilespmem:s17+$0xE1C0]  }
0x111: {  	v1 =	vld [tilespmem:s17+$0xE1D0]  }
0x112: {  	v2 =	vld [tilespmem:s17+$0xE180]  }
0x113: {  	v3 =	vld [tilespmem:s17+$0xE190]  }
0x114: {  	v4 =	vld [tilespmem:s17+$0xE140]  }
0x115: {  	v5 =	vld [tilespmem:s17+$0xE150]  }
0x116: {  	v10 =	vld [tilespmem:s17+$0xE100]  }
0x117: {  	v8 =	vimm.f32 $0.0e+00;
	v11 =	vld [tilespmem:s17+$0xE110]  }
0x118: {  	v9 =	vimm.f32 $0.0e+00;
	v7 =	vimm.f32 $0.0e+00;
	v6 =	vimm.f32 $0.0e+00;
	s19 =	simm.s32 $0x400;
	v12 =	vld [tilespmem:s17+$0xE120]  }
.LBB2_13:
0x119: {  	p0 =	sne.s32 s19, $0x6000;
	v13 =	vld [tilespmem:s17+$0xE130]  }
0x11a: {  	v14 =	vld [tilespmem:s17+$0xE160]  }
0x11b: {  	v15 =	vld [tilespmem:s17+$0xE170]  }
0x11c: {  	v16 =	vld [tilespmem:s17+$0xE1A0]  }
0x11d: {  	v6 =	vadd.f32 v10, v6;
	v7 =	vadd.f32 v11, v7;
	v10 =	vld [tilespmem:s17+$0xE1B0]  }
0x11e: {  	v9 =	vadd.f32 v12, v9;
	v8 =	vadd.f32 v13, v8;
	v11 =	vld [tilespmem:s17+$0xE1E0]  }
0x11f: {  	v4 =	vadd.f32 v4, v6;
	v5 =	vadd.f32 v5, v7;
	v12 =	vld [tilespmem:s17+$0xE1F0];
	s17 =	sshra.s32 s19, $0x2  }
0x120: {  	v6 =	vadd.f32 v14, v9;
	v13 =	vld [tilespmem:s17+$0xE1C0];
	v7 =	vadd.f32 v15, v8  }
0x121: {  	v4 =	vadd.f32 v2, v4;
	v5 =	vadd.f32 v3, v5;
	v14 =	vld [tilespmem:s17+$0xE1D0]  }
0x122: {  	v8 =	vadd.f32 v16, v6;
	v2 =	vld [tilespmem:s17+$0xE180];
	v10 =	vadd.f32 v10, v7  }
0x123: {  	v6 =	vadd.f32 v0, v4;
	v7 =	vadd.f32 v1, v5;
	v3 =	vld [tilespmem:s17+$0xE190]  }
.Ltmp5:
0x124: {  	v9 =	vadd.f32 v11, v8;
	v4 =	vld [tilespmem:s17+$0xE140];
	v8 =	vadd.f32 v12, v10;
	(pc) =	sbr.rel @p0 .LBB2_13-.Ltmp5, $4  }
0x125: {  	v5 =	vld [tilespmem:s17+$0xE150];
	v0 =	vmov v13  }
0x126: {  	v10 =	vld [tilespmem:s17+$0xE100];
	v1 =	vmov v14  }
0x127: {  	v11 =	vld [tilespmem:s17+$0xE110]  }
0x128: {  	s19 =	sadd.s32 $0x400, s19;
	v12 =	vld [tilespmem:s17+$0xE120]  }
0x129: {  	v13 =	vld [tilespmem:s17+$0xE130]  }
0x12a: {  	v14 =	vld [tilespmem:s17+$0xE160]  }
0x12b: {  	v15 =	vld [tilespmem:s17+$0xE170]  }
0x12c: {  	v16 =	vld [tilespmem:s17+$0xE1A0]  }
0x12d: {  	v6 =	vadd.f32 v10, v6;
	v10 =	vld [tilespmem:s17+$0xE1B0];
	v9 =	vadd.f32 v12, v9  }
0x12e: {  	v7 =	vadd.f32 v11, v7;
	v11 =	vld [tilespmem:s17+$0xE1E0];
	v8 =	vadd.f32 v13, v8  }
0x12f: {  	v4 =	vadd.f32 v4, v6;
	v6 =	vld [tilespmem:s17+$0xE1F0];
	v9 =	vadd.f32 v14, v9  }
0x130: {  	v5 =	vadd.f32 v5, v7;
	v7 =	vadd.f32 v15, v8  }
0x131: {  	v2 =	vadd.f32 v2, v4;
	v4 =	vadd.f32 v16, v9  }
0x132: {  	v3 =	vadd.f32 v3, v5;
	v5 =	vadd.f32 v10, v7  }
0x133: {  	v0 =	vadd.f32 v0, v2;
	v2 =	vadd.f32 v11, v4  }
0x134: {  	v1 =	vadd.f32 v1, v3;
	v3 =	vadd.f32 v6, v5  }
0x135: {  	v0 =	vadd.f32 v2, v0  }
0x136: {  	v1 =	vadd.f32 v3, v1  }
0x137: {  	v0 =	vmul.f32 $4.999999890e-03, v0  }
0x138: {  	v1 =	vmul.f32 $4.999999890e-03, v1  }
0x139: {  	[tilespmem:s13+$0x12CA0] =	vst v0  }
0x13a: {  	s19 =	sadd.s32 $0xA28, s15;
	[tilespmem:s13+$0x12CB0] =	vst v1  }
0x13b: {  	[tilespmem:s18], [sflag:$0x6] =	stream.indirect.gather [hbm4b:s3+s8], $0x20, s19, s8, $0xb8;
	[tilespmem:$0x13C00] =	vst v63  }
0x13c: {  	_ =	swait.ge [sflag:s30], $0x1900  }
0x13d: {  	[sflag:s30] =	ssyncset.done $0x0  }
0x13e: {  	s17 =	simm.s32 $0x0;
	[sflag:s30] =	ssyncadd.s32 $0xFFFFE700  }
0x13f: {  	v0 =	vld [tilespmem:s17+$0xFAC0]  }
0x140: {  	v1 =	vld [tilespmem:s17+$0xFAD0]  }
0x141: {  	v2 =	vld [tilespmem:s17+$0xFA80]  }
0x142: {  	v3 =	vld [tilespmem:s17+$0xFA90]  }
0x143: {  	v4 =	vld [tilespmem:s17+$0xFA40]  }
0x144: {  	v5 =	vld [tilespmem:s17+$0xFA50]  }
0x145: {  	v10 =	vld [tilespmem:s17+$0xFA00]  }
0x146: {  	v8 =	vimm.f32 $0.0e+00;
	v11 =	vld [tilespmem:s17+$0xFA10]  }
0x147: {  	v9 =	vimm.f32 $0.0e+00;
	v7 =	vimm.f32 $0.0e+00;
	v6 =	vimm.f32 $0.0e+00;
	s19 =	simm.s32 $0x400;
	v12 =	vld [tilespmem:s17+$0xFA20]  }
.LBB2_15:
0x148: {  	p0 =	sne.s32 s19, $0x6000;
	v13 =	vld [tilespmem:s17+$0xFA30]  }
0x149: {  	v14 =	vld [tilespmem:s17+$0xFA60]  }
0x14a: {  	v15 =	vld [tilespmem:s17+$0xFA70]  }
0x14b: {  	v16 =	vld [tilespmem:s17+$0xFAA0]  }
0x14c: {  	v6 =	vadd.f32 v10, v6;
	v7 =	vadd.f32 v11, v7;
	v10 =	vld [tilespmem:s17+$0xFAB0]  }
0x14d: {  	v9 =	vadd.f32 v12, v9;
	v8 =	vadd.f32 v13, v8;
	v11 =	vld [tilespmem:s17+$0xFAE0]  }
0x14e: {  	v4 =	vadd.f32 v4, v6;
	v5 =	vadd.f32 v5, v7;
	v12 =	vld [tilespmem:s17+$0xFAF0];
	s17 =	sshra.s32 s19, $0x2  }
0x14f: {  	v6 =	vadd.f32 v14, v9;
	v13 =	vld [tilespmem:s17+$0xFAC0];
	v7 =	vadd.f32 v15, v8  }
0x150: {  	v4 =	vadd.f32 v2, v4;
	v5 =	vadd.f32 v3, v5;
	v14 =	vld [tilespmem:s17+$0xFAD0]  }
0x151: {  	v8 =	vadd.f32 v16, v6;
	v2 =	vld [tilespmem:s17+$0xFA80];
	v10 =	vadd.f32 v10, v7  }
0x152: {  	v6 =	vadd.f32 v0, v4;
	v7 =	vadd.f32 v1, v5;
	v3 =	vld [tilespmem:s17+$0xFA90]  }
.Ltmp6:
0x153: {  	v9 =	vadd.f32 v11, v8;
	v4 =	vld [tilespmem:s17+$0xFA40];
	v8 =	vadd.f32 v12, v10;
	(pc) =	sbr.rel @p0 .LBB2_15-.Ltmp6, $4  }
0x154: {  	v5 =	vld [tilespmem:s17+$0xFA50];
	v0 =	vmov v13  }
0x155: {  	v10 =	vld [tilespmem:s17+$0xFA00];
	v1 =	vmov v14  }
0x156: {  	v11 =	vld [tilespmem:s17+$0xFA10]  }
0x157: {  	s19 =	sadd.s32 $0x400, s19;
	v12 =	vld [tilespmem:s17+$0xFA20]  }
0x158: {  	v13 =	vld [tilespmem:s17+$0xFA30]  }
0x159: {  	v14 =	vld [tilespmem:s17+$0xFA60]  }
0x15a: {  	v15 =	vld [tilespmem:s17+$0xFA70]  }
0x15b: {  	v16 =	vld [tilespmem:s17+$0xFAA0]  }
0x15c: {  	v6 =	vadd.f32 v10, v6;
	v10 =	vld [tilespmem:s17+$0xFAB0];
	v9 =	vadd.f32 v12, v9  }
0x15d: {  	v7 =	vadd.f32 v11, v7;
	v11 =	vld [tilespmem:s17+$0xFAE0];
	v8 =	vadd.f32 v13, v8  }
0x15e: {  	v4 =	vadd.f32 v4, v6;
	v6 =	vld [tilespmem:s17+$0xFAF0];
	v9 =	vadd.f32 v14, v9  }
0x15f: {  	v5 =	vadd.f32 v5, v7;
	v7 =	vadd.f32 v15, v8  }
0x160: {  	v2 =	vadd.f32 v2, v4;
	v4 =	vadd.f32 v16, v9  }
0x161: {  	v3 =	vadd.f32 v3, v5;
	v5 =	vadd.f32 v10, v7  }
0x162: {  	v0 =	vadd.f32 v0, v2;
	v2 =	vadd.f32 v11, v4  }
0x163: {  	v1 =	vadd.f32 v1, v3;
	v3 =	vadd.f32 v6, v5  }
0x164: {  	v0 =	vadd.f32 v2, v0  }
0x165: {  	v1 =	vadd.f32 v3, v1  }
0x166: {  	v0 =	vmul.f32 $4.999999890e-03, v0  }
0x167: {  	v1 =	vmul.f32 $4.999999890e-03, v1  }
0x168: {  	[tilespmem:s13+$0x12CC0] =	vst v0  }
0x169: {  	s19 =	sadd.s32 $0xAF0, s15;
	[tilespmem:s13+$0x12CD0] =	vst v1  }
0x16a: {  	[tilespmem:s20], [sflag:$0x7] =	stream.indirect.gather [hbm4b:s3+s8], $0x20, s19, s8, $0xb8;
	[tilespmem:$0x13C00] =	vst v63  }
0x16b: {  	_ =	swait.ge [sflag:s31], $0x1900  }
0x16c: {  	[sflag:s31] =	ssyncset.done $0x0  }
0x16d: {  	s17 =	simm.s32 $0x0;
	[sflag:s31] =	ssyncadd.s32 $0xFFFFE700  }
0x16e: {  	v0 =	vld [tilespmem:s17+$0x113C0]  }
0x16f: {  	v1 =	vld [tilespmem:s17+$0x113D0]  }
0x170: {  	v2 =	vld [tilespmem:s17+$0x11380]  }
0x171: {  	v3 =	vld [tilespmem:s17+$0x11390]  }
0x172: {  	v4 =	vld [tilespmem:s17+$0x11340]  }
0x173: {  	v5 =	vld [tilespmem:s17+$0x11350]  }
0x174: {  	v10 =	vld [tilespmem:s17+$0x11300]  }
0x175: {  	v8 =	vimm.f32 $0.0e+00;
	v11 =	vld [tilespmem:s17+$0x11310]  }
0x176: {  	v9 =	vimm.f32 $0.0e+00;
	v7 =	vimm.f32 $0.0e+00;
	v6 =	vimm.f32 $0.0e+00;
	s19 =	simm.s32 $0x400;
	v12 =	vld [tilespmem:s17+$0x11320]  }
.LBB2_17:
0x177: {  	p0 =	sne.s32 s19, $0x6000;
	v13 =	vld [tilespmem:s17+$0x11330]  }
0x178: {  	v14 =	vld [tilespmem:s17+$0x11360]  }
0x179: {  	v15 =	vld [tilespmem:s17+$0x11370]  }
0x17a: {  	v16 =	vld [tilespmem:s17+$0x113A0]  }
0x17b: {  	v6 =	vadd.f32 v10, v6;
	v7 =	vadd.f32 v11, v7;
	v10 =	vld [tilespmem:s17+$0x113B0]  }
0x17c: {  	v9 =	vadd.f32 v12, v9;
	v8 =	vadd.f32 v13, v8;
	v11 =	vld [tilespmem:s17+$0x113E0]  }
0x17d: {  	v4 =	vadd.f32 v4, v6;
	v5 =	vadd.f32 v5, v7;
	v12 =	vld [tilespmem:s17+$0x113F0];
	s17 =	sshra.s32 s19, $0x2  }
0x17e: {  	v6 =	vadd.f32 v14, v9;
	v13 =	vld [tilespmem:s17+$0x113C0];
	v7 =	vadd.f32 v15, v8  }
0x17f: {  	v4 =	vadd.f32 v2, v4;
	v5 =	vadd.f32 v3, v5;
	v14 =	vld [tilespmem:s17+$0x113D0]  }
0x180: {  	v8 =	vadd.f32 v16, v6;
	v2 =	vld [tilespmem:s17+$0x11380];
	v10 =	vadd.f32 v10, v7  }
0x181: {  	v6 =	vadd.f32 v0, v4;
	v7 =	vadd.f32 v1, v5;
	v3 =	vld [tilespmem:s17+$0x11390]  }
.Ltmp7:
0x182: {  	v9 =	vadd.f32 v11, v8;
	v4 =	vld [tilespmem:s17+$0x11340];
	v8 =	vadd.f32 v12, v10;
	(pc) =	sbr.rel @p0 .LBB2_17-.Ltmp7, $4  }
0x183: {  	v5 =	vld [tilespmem:s17+$0x11350];
	v0 =	vmov v13  }
0x184: {  	v10 =	vld [tilespmem:s17+$0x11300];
	v1 =	vmov v14  }
0x185: {  	v11 =	vld [tilespmem:s17+$0x11310]  }
0x186: {  	s19 =	sadd.s32 $0x400, s19;
	v12 =	vld [tilespmem:s17+$0x11320]  }
0x187: {  	v13 =	vld [tilespmem:s17+$0x11330]  }
0x188: {  	v14 =	vld [tilespmem:s17+$0x11360]  }
0x189: {  	v15 =	vld [tilespmem:s17+$0x11370]  }
0x18a: {  	v16 =	vld [tilespmem:s17+$0x113A0]  }
0x18b: {  	v56 =	vld [tilespmem:s17+$0x113B0];
	v6 =	vadd.f32 v10, v6;
	v9 =	vadd.f32 v12, v9  }
0x18c: {  	v57 =	vld [tilespmem:s17+$0x113E0];
	v7 =	vadd.f32 v11, v7;
	v8 =	vadd.f32 v13, v8  }
0x18d: {  	v58 =	vld [tilespmem:s17+$0x113F0];
	v4 =	vadd.f32 v4, v6;
	v9 =	vadd.f32 v14, v9  }
0x18e: {  	v5 =	vadd.f32 v5, v7;
	v59 =	vadd.f32 v15, v8  }
0x18f: {  	v2 =	vadd.f32 v2, v4;
	v60 =	vadd.f32 v16, v9  }
0x190: {  	v3 =	vadd.f32 v3, v5;
	v61 =	vadd.f32 v56, v59  }
0x191: {  	v0 =	vadd.f32 v0, v2;
	v62 =	vadd.f32 v57, v60  }
0x192: {  	v1 =	vadd.f32 v1, v3;
	v63 =	vadd.f32 v58, v61  }
0x193: {  	s11 =	sadd.s32 $0x1, s11;
	v0 =	vadd.f32 v62, v0  }
0x194: {  	p0 =	sne.s32 s11, $0xF;
	v1 =	vadd.f32 v63, v1  }
.Ltmp8:
0x195: {  	v0 =	vmul.f32 $4.999999890e-03, v0;
	(pc) =	sbr.rel @p0 .LBB2_2-.Ltmp8, $4  }
0x196: {  	v1 =	vmul.f32 $4.999999890e-03, v1  }
0x197: {  	[tilespmem:s13+$0x12CE0] =	vst v0  }
0x198: {  	s19 =	sadd.s32 $0xBB8, s15;
	[tilespmem:s13+$0x12CF0] =	vst v1  }
0x199: {  	[tilespmem:s22], [sflag:$0x8] =	stream.indirect.gather [hbm4b:s3+s8], $0x20, s19, s8, $0xb8;
	[tilespmem:$0x13C00] =	vst v63  }
0x19a: {  	_ =	swait.ge [sflag:s23], $0x1900  }
0x19b: {  	[sflag:s23] =	ssyncset.done $0x0  }
0x19c: {  	s11 =	simm.s32 $0x0;
	[sflag:s23] =	ssyncadd.s32 $0xFFFFE700  }
0x19d: {  	v0 =	vld [tilespmem:s11+$0x64C0]  }
0x19e: {  	v1 =	vld [tilespmem:s11+$0x64D0]  }
0x19f: {  	v2 =	vld [tilespmem:s11+$0x6480]  }
0x1a0: {  	v3 =	vld [tilespmem:s11+$0x6490]  }
0x1a1: {  	v4 =	vld [tilespmem:s11+$0x6440]  }
0x1a2: {  	v5 =	vld [tilespmem:s11+$0x6450]  }
0x1a3: {  	v10 =	vld [tilespmem:s11+$0x6400]  }
0x1a4: {  	v6 =	vimm.f32 $0.0e+00;
	v11 =	vld [tilespmem:s11+$0x6410]  }
0x1a5: {  	s13 =	simm.s32 $0x400;
	v7 =	vimm.f32 $0.0e+00;
	v9 =	vimm.f32 $0.0e+00;
	v8 =	vimm.f32 $0.0e+00;
	v12 =	vld [tilespmem:s11+$0x6420]  }
.LBB2_20:
0x1a6: {  	p0 =	sne.s32 s13, $0x6000;
	v13 =	vld [tilespmem:s11+$0x6430]  }
0x1a7: {  	v14 =	vld [tilespmem:s11+$0x6460]  }
0x1a8: {  	v15 =	vld [tilespmem:s11+$0x6470]  }
0x1a9: {  	v16 =	vld [tilespmem:s11+$0x64A0]  }
0x1aa: {  	v6 =	vadd.f32 v10, v6;
	v7 =	vadd.f32 v11, v7;
	v10 =	vld [tilespmem:s11+$0x64B0]  }
0x1ab: {  	v9 =	vadd.f32 v12, v9;
	v8 =	vadd.f32 v13, v8;
	v11 =	vld [tilespmem:s11+$0x64E0]  }
0x1ac: {  	v4 =	vadd.f32 v4, v6;
	v5 =	vadd.f32 v5, v7;
	v12 =	vld [tilespmem:s11+$0x64F0];
	s11 =	sshra.s32 s13, $0x2  }
0x1ad: {  	v6 =	vadd.f32 v14, v9;
	v13 =	vld [tilespmem:s11+$0x64C0];
	v7 =	vadd.f32 v15, v8  }
0x1ae: {  	v4 =	vadd.f32 v2, v4;
	v5 =	vadd.f32 v3, v5;
	v14 =	vld [tilespmem:s11+$0x64D0]  }
0x1af: {  	v8 =	vadd.f32 v16, v6;
	v2 =	vld [tilespmem:s11+$0x6480];
	v10 =	vadd.f32 v10, v7  }
0x1b0: {  	v6 =	vadd.f32 v0, v4;
	v7 =	vadd.f32 v1, v5;
	v3 =	vld [tilespmem:s11+$0x6490]  }
.Ltmp9:
0x1b1: {  	v9 =	vadd.f32 v11, v8;
	v4 =	vld [tilespmem:s11+$0x6440];
	v8 =	vadd.f32 v12, v10;
	(pc) =	sbr.rel @p0 .LBB2_20-.Ltmp9, $4  }
0x1b2: {  	v5 =	vld [tilespmem:s11+$0x6450];
	v0 =	vmov v13  }
0x1b3: {  	v10 =	vld [tilespmem:s11+$0x6400];
	v1 =	vmov v14  }
0x1b4: {  	v11 =	vld [tilespmem:s11+$0x6410]  }
0x1b5: {  	s13 =	sadd.s32 $0x400, s13;
	v12 =	vld [tilespmem:s11+$0x6420]  }
0x1b6: {  	v13 =	vld [tilespmem:s11+$0x6430]  }
0x1b7: {  	v14 =	vld [tilespmem:s11+$0x6460]  }
0x1b8: {  	v15 =	vld [tilespmem:s11+$0x6470]  }
0x1b9: {  	v16 =	vld [tilespmem:s11+$0x64A0]  }
0x1ba: {  	v6 =	vadd.f32 v10, v6;
	v10 =	vld [tilespmem:s11+$0x64B0];
	v9 =	vadd.f32 v12, v9  }
0x1bb: {  	v7 =	vadd.f32 v11, v7;
	v11 =	vld [tilespmem:s11+$0x64E0];
	v8 =	vadd.f32 v13, v8  }
0x1bc: {  	v4 =	vadd.f32 v4, v6;
	v6 =	vld [tilespmem:s11+$0x64F0];
	v9 =	vadd.f32 v14, v9  }
0x1bd: {  	v5 =	vadd.f32 v5, v7;
	v7 =	vadd.f32 v15, v8  }
0x1be: {  	v2 =	vadd.f32 v2, v4;
	v4 =	vadd.f32 v16, v9  }
0x1bf: {  	v3 =	vadd.f32 v3, v5;
	v5 =	vadd.f32 v10, v7  }
0x1c0: {  	v0 =	vadd.f32 v0, v2;
	v2 =	vadd.f32 v11, v4  }
0x1c1: {  	v1 =	vadd.f32 v1, v3;
	v3 =	vadd.f32 v6, v5  }
0x1c2: {  	v0 =	vadd.f32 v2, v0  }
0x1c3: {  	v1 =	vadd.f32 v3, v1  }
0x1c4: {  	v0 =	vmul.f32 $4.999999890e-03, v0  }
0x1c5: {  	v1 =	vmul.f32 $4.999999890e-03, v1  }
0x1c6: {  	[tilespmem:$0x13B00] =	vst v0  }
0x1c7: {  	[tilespmem:$0x13B10] =	vst v1  }
0x1c8: {  	_ =	swait.ge [sflag:s24], $0x1900  }
0x1c9: {  	[sflag:s24] =	ssyncset.done $0x0  }
0x1ca: {  	s11 =	simm.s32 $0x0;
	[sflag:s24] =	ssyncadd.s32 $0xFFFFE700  }
0x1cb: {  	v0 =	vld [tilespmem:s11+$0x7DC0]  }
0x1cc: {  	v1 =	vld [tilespmem:s11+$0x7DD0]  }
0x1cd: {  	v2 =	vld [tilespmem:s11+$0x7D80]  }
0x1ce: {  	v3 =	vld [tilespmem:s11+$0x7D90]  }
0x1cf: {  	v4 =	vld [tilespmem:s11+$0x7D40]  }
0x1d0: {  	v5 =	vld [tilespmem:s11+$0x7D50]  }
0x1d1: {  	v10 =	vld [tilespmem:s11+$0x7D00]  }
0x1d2: {  	v8 =	vimm.f32 $0.0e+00;
	v11 =	vld [tilespmem:s11+$0x7D10]  }
0x1d3: {  	s13 =	simm.s32 $0x400;
	v9 =	vimm.f32 $0.0e+00;
	v7 =	vimm.f32 $0.0e+00;
	v6 =	vimm.f32 $0.0e+00;
	v12 =	vld [tilespmem:s11+$0x7D20]  }
.LBB2_22:
0x1d4: {  	p0 =	sne.s32 s13, $0x6000;
	v13 =	vld [tilespmem:s11+$0x7D30]  }
0x1d5: {  	v14 =	vld [tilespmem:s11+$0x7D60]  }
0x1d6: {  	v15 =	vld [tilespmem:s11+$0x7D70]  }
0x1d7: {  	v16 =	vld [tilespmem:s11+$0x7DA0]  }
0x1d8: {  	v6 =	vadd.f32 v10, v6;
	v7 =	vadd.f32 v11, v7;
	v10 =	vld [tilespmem:s11+$0x7DB0]  }
0x1d9: {  	v9 =	vadd.f32 v12, v9;
	v8 =	vadd.f32 v13, v8;
	v11 =	vld [tilespmem:s11+$0x7DE0]  }
0x1da: {  	v4 =	vadd.f32 v4, v6;
	v5 =	vadd.f32 v5, v7;
	v12 =	vld [tilespmem:s11+$0x7DF0];
	s11 =	sshra.s32 s13, $0x2  }
0x1db: {  	v6 =	vadd.f32 v14, v9;
	v13 =	vld [tilespmem:s11+$0x7DC0];
	v7 =	vadd.f32 v15, v8  }
0x1dc: {  	v4 =	vadd.f32 v2, v4;
	v5 =	vadd.f32 v3, v5;
	v14 =	vld [tilespmem:s11+$0x7DD0]  }
0x1dd: {  	v8 =	vadd.f32 v16, v6;
	v2 =	vld [tilespmem:s11+$0x7D80];
	v10 =	vadd.f32 v10, v7  }
0x1de: {  	v6 =	vadd.f32 v0, v4;
	v7 =	vadd.f32 v1, v5;
	v3 =	vld [tilespmem:s11+$0x7D90]  }
.Ltmp10:
0x1df: {  	v9 =	vadd.f32 v11, v8;
	v4 =	vld [tilespmem:s11+$0x7D40];
	v8 =	vadd.f32 v12, v10;
	(pc) =	sbr.rel @p0 .LBB2_22-.Ltmp10, $4  }
0x1e0: {  	v5 =	vld [tilespmem:s11+$0x7D50];
	v0 =	vmov v13  }
0x1e1: {  	v10 =	vld [tilespmem:s11+$0x7D00];
	v1 =	vmov v14  }
0x1e2: {  	v11 =	vld [tilespmem:s11+$0x7D10]  }
0x1e3: {  	s13 =	sadd.s32 $0x400, s13;
	v12 =	vld [tilespmem:s11+$0x7D20]  }
0x1e4: {  	v13 =	vld [tilespmem:s11+$0x7D30]  }
0x1e5: {  	v14 =	vld [tilespmem:s11+$0x7D60]  }
0x1e6: {  	v15 =	vld [tilespmem:s11+$0x7D70]  }
0x1e7: {  	v16 =	vld [tilespmem:s11+$0x7DA0]  }
0x1e8: {  	v6 =	vadd.f32 v10, v6;
	v10 =	vld [tilespmem:s11+$0x7DB0];
	v9 =	vadd.f32 v12, v9  }
0x1e9: {  	v7 =	vadd.f32 v11, v7;
	v11 =	vld [tilespmem:s11+$0x7DE0];
	v8 =	vadd.f32 v13, v8  }
0x1ea: {  	v4 =	vadd.f32 v4, v6;
	v6 =	vld [tilespmem:s11+$0x7DF0];
	v9 =	vadd.f32 v14, v9  }
0x1eb: {  	v5 =	vadd.f32 v5, v7;
	v7 =	vadd.f32 v15, v8  }
0x1ec: {  	v2 =	vadd.f32 v2, v4;
	v4 =	vadd.f32 v16, v9  }
0x1ed: {  	v3 =	vadd.f32 v3, v5;
	v5 =	vadd.f32 v10, v7  }
0x1ee: {  	v0 =	vadd.f32 v0, v2;
	v2 =	vadd.f32 v11, v4  }
0x1ef: {  	v1 =	vadd.f32 v1, v3;
	v3 =	vadd.f32 v6, v5  }
0x1f0: {  	v0 =	vadd.f32 v2, v0  }
0x1f1: {  	v1 =	vadd.f32 v3, v1  }
0x1f2: {  	v0 =	vmul.f32 $4.999999890e-03, v0  }
0x1f3: {  	v1 =	vmul.f32 $4.999999890e-03, v1  }
0x1f4: {  	[tilespmem:$0x13B20] =	vst v0  }
0x1f5: {  	[tilespmem:$0x13B30] =	vst v1  }
0x1f6: {  	_ =	swait.ge [sflag:s25], $0x1900  }
0x1f7: {  	[sflag:s25] =	ssyncset.done $0x0  }
0x1f8: {  	s11 =	simm.s32 $0x0;
	[sflag:s25] =	ssyncadd.s32 $0xFFFFE700  }
0x1f9: {  	v0 =	vld [tilespmem:s11+$0x96C0]  }
0x1fa: {  	v1 =	vld [tilespmem:s11+$0x96D0]  }
0x1fb: {  	v2 =	vld [tilespmem:s11+$0x9680]  }
0x1fc: {  	v3 =	vld [tilespmem:s11+$0x9690]  }
0x1fd: {  	v4 =	vld [tilespmem:s11+$0x9640]  }
0x1fe: {  	v5 =	vld [tilespmem:s11+$0x9650]  }
0x1ff: {  	v10 =	vld [tilespmem:s11+$0x9600]  }
0x200: {  	v8 =	vimm.f32 $0.0e+00;
	v11 =	vld [tilespmem:s11+$0x9610]  }
0x201: {  	s13 =	simm.s32 $0x400;
	v9 =	vimm.f32 $0.0e+00;
	v7 =	vimm.f32 $0.0e+00;
	v6 =	vimm.f32 $0.0e+00;
	v12 =	vld [tilespmem:s11+$0x9620]  }
.LBB2_24:
0x202: {  	p0 =	sne.s32 s13, $0x6000;
	v13 =	vld [tilespmem:s11+$0x9630]  }
0x203: {  	v14 =	vld [tilespmem:s11+$0x9660]  }
0x204: {  	v15 =	vld [tilespmem:s11+$0x9670]  }
0x205: {  	v16 =	vld [tilespmem:s11+$0x96A0]  }
0x206: {  	v6 =	vadd.f32 v10, v6;
	v7 =	vadd.f32 v11, v7;
	v10 =	vld [tilespmem:s11+$0x96B0]  }
0x207: {  	v9 =	vadd.f32 v12, v9;
	v8 =	vadd.f32 v13, v8;
	v11 =	vld [tilespmem:s11+$0x96E0]  }
0x208: {  	v4 =	vadd.f32 v4, v6;
	v5 =	vadd.f32 v5, v7;
	v12 =	vld [tilespmem:s11+$0x96F0];
	s11 =	sshra.s32 s13, $0x2  }
0x209: {  	v6 =	vadd.f32 v14, v9;
	v13 =	vld [tilespmem:s11+$0x96C0];
	v7 =	vadd.f32 v15, v8  }
0x20a: {  	v4 =	vadd.f32 v2, v4;
	v5 =	vadd.f32 v3, v5;
	v14 =	vld [tilespmem:s11+$0x96D0]  }
0x20b: {  	v8 =	vadd.f32 v16, v6;
	v2 =	vld [tilespmem:s11+$0x9680];
	v10 =	vadd.f32 v10, v7  }
0x20c: {  	v6 =	vadd.f32 v0, v4;
	v7 =	vadd.f32 v1, v5;
	v3 =	vld [tilespmem:s11+$0x9690]  }
.Ltmp11:
0x20d: {  	v9 =	vadd.f32 v11, v8;
	v4 =	vld [tilespmem:s11+$0x9640];
	v8 =	vadd.f32 v12, v10;
	(pc) =	sbr.rel @p0 .LBB2_24-.Ltmp11, $4  }
0x20e: {  	v5 =	vld [tilespmem:s11+$0x9650];
	v0 =	vmov v13  }
0x20f: {  	v10 =	vld [tilespmem:s11+$0x9600];
	v1 =	vmov v14  }
0x210: {  	v11 =	vld [tilespmem:s11+$0x9610]  }
0x211: {  	s13 =	sadd.s32 $0x400, s13;
	v12 =	vld [tilespmem:s11+$0x9620]  }
0x212: {  	v13 =	vld [tilespmem:s11+$0x9630]  }
0x213: {  	v14 =	vld [tilespmem:s11+$0x9660]  }
0x214: {  	v15 =	vld [tilespmem:s11+$0x9670]  }
0x215: {  	v16 =	vld [tilespmem:s11+$0x96A0]  }
0x216: {  	v6 =	vadd.f32 v10, v6;
	v10 =	vld [tilespmem:s11+$0x96B0];
	v9 =	vadd.f32 v12, v9  }
0x217: {  	v7 =	vadd.f32 v11, v7;
	v11 =	vld [tilespmem:s11+$0x96E0];
	v8 =	vadd.f32 v13, v8  }
0x218: {  	v4 =	vadd.f32 v4, v6;
	v6 =	vld [tilespmem:s11+$0x96F0];
	v9 =	vadd.f32 v14, v9  }
0x219: {  	v5 =	vadd.f32 v5, v7;
	v7 =	vadd.f32 v15, v8  }
0x21a: {  	v2 =	vadd.f32 v2, v4;
	v4 =	vadd.f32 v16, v9  }
0x21b: {  	v3 =	vadd.f32 v3, v5;
	v5 =	vadd.f32 v10, v7  }
0x21c: {  	v0 =	vadd.f32 v0, v2;
	v2 =	vadd.f32 v11, v4  }
0x21d: {  	v1 =	vadd.f32 v1, v3;
	v3 =	vadd.f32 v6, v5  }
0x21e: {  	v0 =	vadd.f32 v2, v0  }
0x21f: {  	v1 =	vadd.f32 v3, v1  }
0x220: {  	v0 =	vmul.f32 $4.999999890e-03, v0  }
0x221: {  	v1 =	vmul.f32 $4.999999890e-03, v1  }
0x222: {  	[tilespmem:$0x13B40] =	vst v0  }
0x223: {  	[tilespmem:$0x13B50] =	vst v1  }
0x224: {  	_ =	swait.ge [sflag:s26], $0x1900  }
0x225: {  	[sflag:s26] =	ssyncset.done $0x0  }
0x226: {  	s11 =	simm.s32 $0x0;
	[sflag:s26] =	ssyncadd.s32 $0xFFFFE700  }
0x227: {  	v0 =	vld [tilespmem:s11+$0xAFC0]  }
0x228: {  	v1 =	vld [tilespmem:s11+$0xAFD0]  }
0x229: {  	v2 =	vld [tilespmem:s11+$0xAF80]  }
0x22a: {  	v3 =	vld [tilespmem:s11+$0xAF90]  }
0x22b: {  	v4 =	vld [tilespmem:s11+$0xAF40]  }
0x22c: {  	v5 =	vld [tilespmem:s11+$0xAF50]  }
0x22d: {  	v10 =	vld [tilespmem:s11+$0xAF00]  }
0x22e: {  	v8 =	vimm.f32 $0.0e+00;
	v11 =	vld [tilespmem:s11+$0xAF10]  }
0x22f: {  	s13 =	simm.s32 $0x400;
	v9 =	vimm.f32 $0.0e+00;
	v7 =	vimm.f32 $0.0e+00;
	v6 =	vimm.f32 $0.0e+00;
	v12 =	vld [tilespmem:s11+$0xAF20]  }
.LBB2_26:
0x230: {  	p0 =	sne.s32 s13, $0x6000;
	v13 =	vld [tilespmem:s11+$0xAF30]  }
0x231: {  	v14 =	vld [tilespmem:s11+$0xAF60]  }
0x232: {  	v15 =	vld [tilespmem:s11+$0xAF70]  }
0x233: {  	v16 =	vld [tilespmem:s11+$0xAFA0]  }
0x234: {  	v6 =	vadd.f32 v10, v6;
	v7 =	vadd.f32 v11, v7;
	v10 =	vld [tilespmem:s11+$0xAFB0]  }
0x235: {  	v9 =	vadd.f32 v12, v9;
	v8 =	vadd.f32 v13, v8;
	v11 =	vld [tilespmem:s11+$0xAFE0]  }
0x236: {  	v4 =	vadd.f32 v4, v6;
	v5 =	vadd.f32 v5, v7;
	v12 =	vld [tilespmem:s11+$0xAFF0];
	s11 =	sshra.s32 s13, $0x2  }
0x237: {  	v6 =	vadd.f32 v14, v9;
	v13 =	vld [tilespmem:s11+$0xAFC0];
	v7 =	vadd.f32 v15, v8  }
0x238: {  	v4 =	vadd.f32 v2, v4;
	v5 =	vadd.f32 v3, v5;
	v14 =	vld [tilespmem:s11+$0xAFD0]  }
0x239: {  	v8 =	vadd.f32 v16, v6;
	v2 =	vld [tilespmem:s11+$0xAF80];
	v10 =	vadd.f32 v10, v7  }
0x23a: {  	v6 =	vadd.f32 v0, v4;
	v7 =	vadd.f32 v1, v5;
	v3 =	vld [tilespmem:s11+$0xAF90]  }
.Ltmp12:
0x23b: {  	v9 =	vadd.f32 v11, v8;
	v4 =	vld [tilespmem:s11+$0xAF40];
	v8 =	vadd.f32 v12, v10;
	(pc) =	sbr.rel @p0 .LBB2_26-.Ltmp12, $4  }
0x23c: {  	v5 =	vld [tilespmem:s11+$0xAF50];
	v0 =	vmov v13  }
0x23d: {  	v10 =	vld [tilespmem:s11+$0xAF00];
	v1 =	vmov v14  }
0x23e: {  	v11 =	vld [tilespmem:s11+$0xAF10]  }
0x23f: {  	s13 =	sadd.s32 $0x400, s13;
	v12 =	vld [tilespmem:s11+$0xAF20]  }
0x240: {  	v13 =	vld [tilespmem:s11+$0xAF30]  }
0x241: {  	v14 =	vld [tilespmem:s11+$0xAF60]  }
0x242: {  	v15 =	vld [tilespmem:s11+$0xAF70]  }
0x243: {  	v16 =	vld [tilespmem:s11+$0xAFA0]  }
0x244: {  	v6 =	vadd.f32 v10, v6;
	v10 =	vld [tilespmem:s11+$0xAFB0];
	v9 =	vadd.f32 v12, v9  }
0x245: {  	v7 =	vadd.f32 v11, v7;
	v11 =	vld [tilespmem:s11+$0xAFE0];
	v8 =	vadd.f32 v13, v8  }
0x246: {  	v4 =	vadd.f32 v4, v6;
	v6 =	vld [tilespmem:s11+$0xAFF0];
	v9 =	vadd.f32 v14, v9  }
0x247: {  	v5 =	vadd.f32 v5, v7;
	v7 =	vadd.f32 v15, v8  }
0x248: {  	v2 =	vadd.f32 v2, v4;
	v4 =	vadd.f32 v16, v9  }
0x249: {  	v3 =	vadd.f32 v3, v5;
	v5 =	vadd.f32 v10, v7  }
0x24a: {  	v0 =	vadd.f32 v0, v2;
	v2 =	vadd.f32 v11, v4  }
0x24b: {  	v1 =	vadd.f32 v1, v3;
	v3 =	vadd.f32 v6, v5  }
0x24c: {  	v0 =	vadd.f32 v2, v0  }
0x24d: {  	v1 =	vadd.f32 v3, v1  }
0x24e: {  	v0 =	vmul.f32 $4.999999890e-03, v0  }
0x24f: {  	v1 =	vmul.f32 $4.999999890e-03, v1  }
0x250: {  	[tilespmem:$0x13B60] =	vst v0  }
0x251: {  	[tilespmem:$0x13B70] =	vst v1  }
0x252: {  	_ =	swait.ge [sflag:s28], $0x1900  }
0x253: {  	[sflag:s28] =	ssyncset.done $0x0  }
0x254: {  	s11 =	simm.s32 $0x0;
	[sflag:s28] =	ssyncadd.s32 $0xFFFFE700  }
0x255: {  	v0 =	vld [tilespmem:s11+$0xC8C0]  }
0x256: {  	v1 =	vld [tilespmem:s11+$0xC8D0]  }
0x257: {  	v2 =	vld [tilespmem:s11+$0xC880]  }
0x258: {  	v3 =	vld [tilespmem:s11+$0xC890]  }
0x259: {  	v4 =	vld [tilespmem:s11+$0xC840]  }
0x25a: {  	v5 =	vld [tilespmem:s11+$0xC850]  }
0x25b: {  	v10 =	vld [tilespmem:s11+$0xC800]  }
0x25c: {  	v8 =	vimm.f32 $0.0e+00;
	v11 =	vld [tilespmem:s11+$0xC810]  }
0x25d: {  	s13 =	simm.s32 $0x400;
	v9 =	vimm.f32 $0.0e+00;
	v7 =	vimm.f32 $0.0e+00;
	v6 =	vimm.f32 $0.0e+00;
	v12 =	vld [tilespmem:s11+$0xC820]  }
.LBB2_28:
0x25e: {  	p0 =	sne.s32 s13, $0x6000;
	v13 =	vld [tilespmem:s11+$0xC830]  }
0x25f: {  	v14 =	vld [tilespmem:s11+$0xC860]  }
0x260: {  	v15 =	vld [tilespmem:s11+$0xC870]  }
0x261: {  	v16 =	vld [tilespmem:s11+$0xC8A0]  }
0x262: {  	v6 =	vadd.f32 v10, v6;
	v7 =	vadd.f32 v11, v7;
	v10 =	vld [tilespmem:s11+$0xC8B0]  }
0x263: {  	v9 =	vadd.f32 v12, v9;
	v8 =	vadd.f32 v13, v8;
	v11 =	vld [tilespmem:s11+$0xC8E0]  }
0x264: {  	v4 =	vadd.f32 v4, v6;
	v5 =	vadd.f32 v5, v7;
	v12 =	vld [tilespmem:s11+$0xC8F0];
	s11 =	sshra.s32 s13, $0x2  }
0x265: {  	v6 =	vadd.f32 v14, v9;
	v13 =	vld [tilespmem:s11+$0xC8C0];
	v7 =	vadd.f32 v15, v8  }
0x266: {  	v4 =	vadd.f32 v2, v4;
	v5 =	vadd.f32 v3, v5;
	v14 =	vld [tilespmem:s11+$0xC8D0]  }
0x267: {  	v8 =	vadd.f32 v16, v6;
	v2 =	vld [tilespmem:s11+$0xC880];
	v10 =	vadd.f32 v10, v7  }
0x268: {  	v6 =	vadd.f32 v0, v4;
	v7 =	vadd.f32 v1, v5;
	v3 =	vld [tilespmem:s11+$0xC890]  }
.Ltmp13:
0x269: {  	v9 =	vadd.f32 v11, v8;
	v4 =	vld [tilespmem:s11+$0xC840];
	v8 =	vadd.f32 v12, v10;
	(pc) =	sbr.rel @p0 .LBB2_28-.Ltmp13, $4  }
0x26a: {  	v5 =	vld [tilespmem:s11+$0xC850];
	v0 =	vmov v13  }
0x26b: {  	v10 =	vld [tilespmem:s11+$0xC800];
	v1 =	vmov v14  }
0x26c: {  	v11 =	vld [tilespmem:s11+$0xC810]  }
0x26d: {  	s13 =	sadd.s32 $0x400, s13;
	v12 =	vld [tilespmem:s11+$0xC820]  }
0x26e: {  	v13 =	vld [tilespmem:s11+$0xC830]  }
0x26f: {  	v14 =	vld [tilespmem:s11+$0xC860]  }
0x270: {  	v15 =	vld [tilespmem:s11+$0xC870]  }
0x271: {  	v16 =	vld [tilespmem:s11+$0xC8A0]  }
0x272: {  	v6 =	vadd.f32 v10, v6;
	v10 =	vld [tilespmem:s11+$0xC8B0];
	v9 =	vadd.f32 v12, v9  }
0x273: {  	v7 =	vadd.f32 v11, v7;
	v11 =	vld [tilespmem:s11+$0xC8E0];
	v8 =	vadd.f32 v13, v8  }
0x274: {  	v4 =	vadd.f32 v4, v6;
	v6 =	vld [tilespmem:s11+$0xC8F0];
	v9 =	vadd.f32 v14, v9  }
0x275: {  	v5 =	vadd.f32 v5, v7;
	v7 =	vadd.f32 v15, v8  }
0x276: {  	v2 =	vadd.f32 v2, v4;
	v4 =	vadd.f32 v16, v9  }
0x277: {  	v3 =	vadd.f32 v3, v5;
	v5 =	vadd.f32 v10, v7  }
0x278: {  	v0 =	vadd.f32 v0, v2;
	v2 =	vadd.f32 v11, v4  }
0x279: {  	v1 =	vadd.f32 v1, v3;
	v3 =	vadd.f32 v6, v5  }
0x27a: {  	v0 =	vadd.f32 v2, v0  }
0x27b: {  	v1 =	vadd.f32 v3, v1  }
0x27c: {  	v0 =	vmul.f32 $4.999999890e-03, v0  }
0x27d: {  	v1 =	vmul.f32 $4.999999890e-03, v1  }
0x27e: {  	[tilespmem:$0x13B80] =	vst v0  }
0x27f: {  	[tilespmem:$0x13B90] =	vst v1  }
0x280: {  	_ =	swait.ge [sflag:s29], $0x1900  }
0x281: {  	[sflag:s29] =	ssyncset.done $0x0  }
0x282: {  	s11 =	simm.s32 $0x0;
	[sflag:s29] =	ssyncadd.s32 $0xFFFFE700  }
0x283: {  	v0 =	vld [tilespmem:s11+$0xE1C0]  }
0x284: {  	v1 =	vld [tilespmem:s11+$0xE1D0]  }
0x285: {  	v2 =	vld [tilespmem:s11+$0xE180]  }
0x286: {  	v3 =	vld [tilespmem:s11+$0xE190]  }
0x287: {  	v4 =	vld [tilespmem:s11+$0xE140]  }
0x288: {  	v5 =	vld [tilespmem:s11+$0xE150]  }
0x289: {  	v10 =	vld [tilespmem:s11+$0xE100]  }
0x28a: {  	v8 =	vimm.f32 $0.0e+00;
	v11 =	vld [tilespmem:s11+$0xE110]  }
0x28b: {  	s13 =	simm.s32 $0x400;
	v9 =	vimm.f32 $0.0e+00;
	v7 =	vimm.f32 $0.0e+00;
	v6 =	vimm.f32 $0.0e+00;
	v12 =	vld [tilespmem:s11+$0xE120]  }
.LBB2_30:
0x28c: {  	p0 =	sne.s32 s13, $0x6000;
	v13 =	vld [tilespmem:s11+$0xE130]  }
0x28d: {  	v14 =	vld [tilespmem:s11+$0xE160]  }
0x28e: {  	v15 =	vld [tilespmem:s11+$0xE170]  }
0x28f: {  	v16 =	vld [tilespmem:s11+$0xE1A0]  }
0x290: {  	v6 =	vadd.f32 v10, v6;
	v7 =	vadd.f32 v11, v7;
	v10 =	vld [tilespmem:s11+$0xE1B0]  }
0x291: {  	v9 =	vadd.f32 v12, v9;
	v8 =	vadd.f32 v13, v8;
	v11 =	vld [tilespmem:s11+$0xE1E0]  }
0x292: {  	v4 =	vadd.f32 v4, v6;
	v5 =	vadd.f32 v5, v7;
	v12 =	vld [tilespmem:s11+$0xE1F0];
	s11 =	sshra.s32 s13, $0x2  }
0x293: {  	v6 =	vadd.f32 v14, v9;
	v13 =	vld [tilespmem:s11+$0xE1C0];
	v7 =	vadd.f32 v15, v8  }
0x294: {  	v4 =	vadd.f32 v2, v4;
	v5 =	vadd.f32 v3, v5;
	v14 =	vld [tilespmem:s11+$0xE1D0]  }
0x295: {  	v8 =	vadd.f32 v16, v6;
	v2 =	vld [tilespmem:s11+$0xE180];
	v10 =	vadd.f32 v10, v7  }
0x296: {  	v6 =	vadd.f32 v0, v4;
	v7 =	vadd.f32 v1, v5;
	v3 =	vld [tilespmem:s11+$0xE190]  }
.Ltmp14:
0x297: {  	v9 =	vadd.f32 v11, v8;
	v4 =	vld [tilespmem:s11+$0xE140];
	v8 =	vadd.f32 v12, v10;
	(pc) =	sbr.rel @p0 .LBB2_30-.Ltmp14, $4  }
0x298: {  	v5 =	vld [tilespmem:s11+$0xE150];
	v0 =	vmov v13  }
0x299: {  	v10 =	vld [tilespmem:s11+$0xE100];
	v1 =	vmov v14  }
0x29a: {  	v11 =	vld [tilespmem:s11+$0xE110]  }
0x29b: {  	s13 =	sadd.s32 $0x400, s13;
	v12 =	vld [tilespmem:s11+$0xE120]  }
0x29c: {  	v13 =	vld [tilespmem:s11+$0xE130]  }
0x29d: {  	v14 =	vld [tilespmem:s11+$0xE160]  }
0x29e: {  	v15 =	vld [tilespmem:s11+$0xE170]  }
0x29f: {  	v16 =	vld [tilespmem:s11+$0xE1A0]  }
0x2a0: {  	v6 =	vadd.f32 v10, v6;
	v10 =	vld [tilespmem:s11+$0xE1B0];
	v9 =	vadd.f32 v12, v9  }
0x2a1: {  	v7 =	vadd.f32 v11, v7;
	v11 =	vld [tilespmem:s11+$0xE1E0];
	v8 =	vadd.f32 v13, v8  }
0x2a2: {  	v4 =	vadd.f32 v4, v6;
	v6 =	vld [tilespmem:s11+$0xE1F0];
	v9 =	vadd.f32 v14, v9  }
0x2a3: {  	v5 =	vadd.f32 v5, v7;
	v7 =	vadd.f32 v15, v8  }
0x2a4: {  	v2 =	vadd.f32 v2, v4;
	v4 =	vadd.f32 v16, v9  }
0x2a5: {  	v3 =	vadd.f32 v3, v5;
	v5 =	vadd.f32 v10, v7  }
0x2a6: {  	v0 =	vadd.f32 v0, v2;
	v2 =	vadd.f32 v11, v4  }
0x2a7: {  	v1 =	vadd.f32 v1, v3;
	v3 =	vadd.f32 v6, v5  }
0x2a8: {  	v0 =	vadd.f32 v2, v0  }
0x2a9: {  	v1 =	vadd.f32 v3, v1  }
0x2aa: {  	v0 =	vmul.f32 $4.999999890e-03, v0  }
0x2ab: {  	v1 =	vmul.f32 $4.999999890e-03, v1  }
0x2ac: {  	[tilespmem:$0x13BA0] =	vst v0  }
0x2ad: {  	[tilespmem:$0x13BB0] =	vst v1  }
0x2ae: {  	_ =	swait.ge [sflag:s30], $0x1900  }
0x2af: {  	[sflag:s30] =	ssyncset.done $0x0  }
0x2b0: {  	s11 =	simm.s32 $0x0;
	[sflag:s30] =	ssyncadd.s32 $0xFFFFE700  }
0x2b1: {  	v0 =	vld [tilespmem:s11+$0xFAC0]  }
0x2b2: {  	v1 =	vld [tilespmem:s11+$0xFAD0]  }
0x2b3: {  	v2 =	vld [tilespmem:s11+$0xFA80]  }
0x2b4: {  	v3 =	vld [tilespmem:s11+$0xFA90]  }
0x2b5: {  	v4 =	vld [tilespmem:s11+$0xFA40]  }
0x2b6: {  	v5 =	vld [tilespmem:s11+$0xFA50]  }
0x2b7: {  	v10 =	vld [tilespmem:s11+$0xFA00]  }
0x2b8: {  	v8 =	vimm.f32 $0.0e+00;
	v11 =	vld [tilespmem:s11+$0xFA10]  }
0x2b9: {  	s13 =	simm.s32 $0x400;
	v9 =	vimm.f32 $0.0e+00;
	v7 =	vimm.f32 $0.0e+00;
	v6 =	vimm.f32 $0.0e+00;
	v12 =	vld [tilespmem:s11+$0xFA20]  }
.LBB2_32:
0x2ba: {  	p0 =	sne.s32 s13, $0x6000;
	v13 =	vld [tilespmem:s11+$0xFA30]  }
0x2bb: {  	v14 =	vld [tilespmem:s11+$0xFA60]  }
0x2bc: {  	v15 =	vld [tilespmem:s11+$0xFA70]  }
0x2bd: {  	v16 =	vld [tilespmem:s11+$0xFAA0]  }
0x2be: {  	v6 =	vadd.f32 v10, v6;
	v7 =	vadd.f32 v11, v7;
	v10 =	vld [tilespmem:s11+$0xFAB0]  }
0x2bf: {  	v9 =	vadd.f32 v12, v9;
	v8 =	vadd.f32 v13, v8;
	v11 =	vld [tilespmem:s11+$0xFAE0]  }
0x2c0: {  	v4 =	vadd.f32 v4, v6;
	v5 =	vadd.f32 v5, v7;
	v12 =	vld [tilespmem:s11+$0xFAF0];
	s11 =	sshra.s32 s13, $0x2  }
0x2c1: {  	v6 =	vadd.f32 v14, v9;
	v13 =	vld [tilespmem:s11+$0xFAC0];
	v7 =	vadd.f32 v15, v8  }
0x2c2: {  	v4 =	vadd.f32 v2, v4;
	v5 =	vadd.f32 v3, v5;
	v14 =	vld [tilespmem:s11+$0xFAD0]  }
0x2c3: {  	v8 =	vadd.f32 v16, v6;
	v2 =	vld [tilespmem:s11+$0xFA80];
	v10 =	vadd.f32 v10, v7  }
0x2c4: {  	v6 =	vadd.f32 v0, v4;
	v7 =	vadd.f32 v1, v5;
	v3 =	vld [tilespmem:s11+$0xFA90]  }
.Ltmp15:
0x2c5: {  	v9 =	vadd.f32 v11, v8;
	v4 =	vld [tilespmem:s11+$0xFA40];
	v8 =	vadd.f32 v12, v10;
	(pc) =	sbr.rel @p0 .LBB2_32-.Ltmp15, $4  }
0x2c6: {  	v5 =	vld [tilespmem:s11+$0xFA50];
	v0 =	vmov v13  }
0x2c7: {  	v10 =	vld [tilespmem:s11+$0xFA00];
	v1 =	vmov v14  }
0x2c8: {  	v11 =	vld [tilespmem:s11+$0xFA10]  }
0x2c9: {  	s13 =	sadd.s32 $0x400, s13;
	v12 =	vld [tilespmem:s11+$0xFA20]  }
0x2ca: {  	v13 =	vld [tilespmem:s11+$0xFA30]  }
0x2cb: {  	v14 =	vld [tilespmem:s11+$0xFA60]  }
0x2cc: {  	v15 =	vld [tilespmem:s11+$0xFA70]  }
0x2cd: {  	v16 =	vld [tilespmem:s11+$0xFAA0]  }
0x2ce: {  	v6 =	vadd.f32 v10, v6;
	v10 =	vld [tilespmem:s11+$0xFAB0];
	v9 =	vadd.f32 v12, v9  }
0x2cf: {  	v7 =	vadd.f32 v11, v7;
	v11 =	vld [tilespmem:s11+$0xFAE0];
	v8 =	vadd.f32 v13, v8  }
0x2d0: {  	v4 =	vadd.f32 v4, v6;
	v6 =	vld [tilespmem:s11+$0xFAF0];
	v9 =	vadd.f32 v14, v9  }
0x2d1: {  	v5 =	vadd.f32 v5, v7;
	v7 =	vadd.f32 v15, v8  }
0x2d2: {  	v2 =	vadd.f32 v2, v4;
	v4 =	vadd.f32 v16, v9  }
0x2d3: {  	v3 =	vadd.f32 v3, v5;
	v5 =	vadd.f32 v10, v7  }
0x2d4: {  	v0 =	vadd.f32 v0, v2;
	v2 =	vadd.f32 v11, v4  }
0x2d5: {  	v1 =	vadd.f32 v1, v3;
	v3 =	vadd.f32 v6, v5  }
0x2d6: {  	v0 =	vadd.f32 v2, v0  }
0x2d7: {  	v1 =	vadd.f32 v3, v1  }
0x2d8: {  	v0 =	vmul.f32 $4.999999890e-03, v0  }
0x2d9: {  	v1 =	vmul.f32 $4.999999890e-03, v1  }
0x2da: {  	[tilespmem:$0x13BC0] =	vst v0  }
0x2db: {  	[tilespmem:$0x13BD0] =	vst v1  }
0x2dc: {  	_ =	swait.ge [sflag:s31], $0x1900  }
0x2dd: {  	[sflag:s31] =	ssyncset.done $0x0  }
0x2de: {  	s11 =	simm.s32 $0x0;
	[sflag:s31] =	ssyncadd.s32 $0xFFFFE700  }
0x2df: {  	v0 =	vld [tilespmem:s11+$0x113C0]  }
0x2e0: {  	v1 =	vld [tilespmem:s11+$0x113D0]  }
0x2e1: {  	v2 =	vld [tilespmem:s11+$0x11380]  }
0x2e2: {  	v3 =	vld [tilespmem:s11+$0x11390]  }
0x2e3: {  	v4 =	vld [tilespmem:s11+$0x11340]  }
0x2e4: {  	v5 =	vld [tilespmem:s11+$0x11350]  }
0x2e5: {  	v10 =	vld [tilespmem:s11+$0x11300]  }
0x2e6: {  	v8 =	vimm.f32 $0.0e+00;
	v11 =	vld [tilespmem:s11+$0x11310]  }
0x2e7: {  	s13 =	simm.s32 $0x400;
	v9 =	vimm.f32 $0.0e+00;
	v7 =	vimm.f32 $0.0e+00;
	v6 =	vimm.f32 $0.0e+00;
	v12 =	vld [tilespmem:s11+$0x11320]  }
.LBB2_34:
0x2e8: {  	p0 =	sne.s32 s13, $0x6000;
	v13 =	vld [tilespmem:s11+$0x11330]  }
0x2e9: {  	v14 =	vld [tilespmem:s11+$0x11360]  }
0x2ea: {  	v15 =	vld [tilespmem:s11+$0x11370]  }
0x2eb: {  	v16 =	vld [tilespmem:s11+$0x113A0]  }
0x2ec: {  	v6 =	vadd.f32 v10, v6;
	v7 =	vadd.f32 v11, v7;
	v10 =	vld [tilespmem:s11+$0x113B0]  }
0x2ed: {  	v9 =	vadd.f32 v12, v9;
	v8 =	vadd.f32 v13, v8;
	v11 =	vld [tilespmem:s11+$0x113E0]  }
0x2ee: {  	v4 =	vadd.f32 v4, v6;
	v5 =	vadd.f32 v5, v7;
	v12 =	vld [tilespmem:s11+$0x113F0];
	s11 =	sshra.s32 s13, $0x2  }
0x2ef: {  	v6 =	vadd.f32 v14, v9;
	v13 =	vld [tilespmem:s11+$0x113C0];
	v7 =	vadd.f32 v15, v8  }
0x2f0: {  	v4 =	vadd.f32 v2, v4;
	v5 =	vadd.f32 v3, v5;
	v14 =	vld [tilespmem:s11+$0x113D0]  }
0x2f1: {  	v8 =	vadd.f32 v16, v6;
	v2 =	vld [tilespmem:s11+$0x11380];
	v10 =	vadd.f32 v10, v7  }
0x2f2: {  	v6 =	vadd.f32 v0, v4;
	v7 =	vadd.f32 v1, v5;
	v3 =	vld [tilespmem:s11+$0x11390]  }
.Ltmp16:
0x2f3: {  	v9 =	vadd.f32 v11, v8;
	v4 =	vld [tilespmem:s11+$0x11340];
	v8 =	vadd.f32 v12, v10;
	(pc) =	sbr.rel @p0 .LBB2_34-.Ltmp16, $4  }
0x2f4: {  	v5 =	vld [tilespmem:s11+$0x11350];
	v0 =	vmov v13  }
0x2f5: {  	v10 =	vld [tilespmem:s11+$0x11300];
	v1 =	vmov v14  }
0x2f6: {  	v11 =	vld [tilespmem:s11+$0x11310]  }
0x2f7: {  	s13 =	sadd.s32 $0x400, s13;
	v12 =	vld [tilespmem:s11+$0x11320]  }
0x2f8: {  	v13 =	vld [tilespmem:s11+$0x11330]  }
0x2f9: {  	v14 =	vld [tilespmem:s11+$0x11360]  }
0x2fa: {  	v15 =	vld [tilespmem:s11+$0x11370]  }
0x2fb: {  	v16 =	vld [tilespmem:s11+$0x113A0]  }
0x2fc: {  	v56 =	vld [tilespmem:s11+$0x113B0];
	v6 =	vadd.f32 v10, v6;
	v9 =	vadd.f32 v12, v9  }
0x2fd: {  	v57 =	vld [tilespmem:s11+$0x113E0];
	v7 =	vadd.f32 v11, v7;
	v8 =	vadd.f32 v13, v8  }
0x2fe: {  	v58 =	vld [tilespmem:s11+$0x113F0];
	v4 =	vadd.f32 v4, v6;
	v9 =	vadd.f32 v14, v9  }
0x2ff: {  	v5 =	vadd.f32 v5, v7;
	v59 =	vadd.f32 v15, v8  }
0x300: {  	v2 =	vadd.f32 v2, v4;
	v60 =	vadd.f32 v16, v9  }
0x301: {  	v3 =	vadd.f32 v3, v5;
	v61 =	vadd.f32 v56, v59  }
0x302: {  	v0 =	vadd.f32 v0, v2;
	v62 =	vadd.f32 v57, v60  }
0x303: {  	v1 =	vadd.f32 v1, v3;
	v63 =	vadd.f32 v58, v61  }
0x304: {  	v0 =	vadd.f32 v62, v0  }
0x305: {  	v1 =	vadd.f32 v63, v1  }
0x306: {  	v0 =	vmul.f32 $4.999999890e-03, v0  }
0x307: {  	s0 =	sadd.s32 $0x1, s0;
	v1 =	vmul.f32 $4.999999890e-03, v1  }
0x308: {  	p0 =	sne.s32 s0, s6;
	[tilespmem:$0x13BE0] =	vst v0  }
.Ltmp17:
0x309: {  	[tilespmem:$0x13BF0] =	vst v1;
	(pc) =	sbr.rel @p0 .LBB2_1-.Ltmp17, $4  }
0x30a: {  	[hbm4b:s5+s2] =	stream.linear.scatter [tilespmem:s1], [sflag:$0x9], $0x1000, $0x38;
	[tilespmem:$0x13C00] =	vst v63  }
0x30b: {  	_ =	swait.ge [sflag:s7], $0x1000  }
0x30c: {  	[sflag:s7] =	ssyncset.done $0x0  }
0x30d: {  	[sflag:s7] =	ssyncadd.s32 $0xFFFFF000  }
0x30e: {  	_ =	sfence.sel $0x180000  }
0x30f: {  	[bflag:$0x0] =	sbarrier.arrive $0xFFFF  }
0x310: {  	_ =	strace $0x9000004A  }
0x311: {  	s0 =	stileid.u32;
	[bflag:$0x2] =	sbarrier.arrive $0xFFFF  }
0x312: {  	p0 =	sne.s32 s0, $0x0;
	s0 =	rddreg [dreg:$0x2]  }
0x313: {  	s0 =	sadd.s32 @!p0 $0x100000, s0  }
0x314: {  	[sflag:s0] =	ssyncadd.tile.s32 @!p0 $0x1;
	_ =	shalt  }
.Lfunc_end2:
_tile_overlayer_lowered:
.L_overlay_start_2:
0x315: {  	(tag) =	ssettag $0x2  }
0x316: {  	s0 =	rddreg [dreg:$0x0];
	s2 =	stileid.u32  }
0x317: {  	s1 =	rddreg [dreg:$0x1];
	p0 =	sne.s32 s2, $0x0  }
0x318: {  	s3 =	rddreg [dreg:$0x2];
	[bflag:$0x3] =	sbarrier.arrive $0xFFFF;
	s2 =	simm.s32 @!p0 $0x1C09  }
0x319: {  	[timem:s3], [sflag:s2] =	dma.local @!p0 [hbm:s0], s1  }
0x31a: {  	s0 =	simm.s32 @!p0 $0x9  }
0x31b: {  	_ =	swait.ge @!p0 [sflag:s0], s1  }
0x31c: {  	s1 =	ssub.s32 @!p0 $0x0, s1;
	[sflag:s0] =	ssyncset.done @!p0 $0x0  }
0x31d: {  	[sflag:s0] =	ssyncadd.s32 @!p0 s1  }
0x31e: {  	[bflag:$0x3] =	sbarrier.arrive $0xFFFF  }
0x31f: {  	_ =	shalt  }

</sc_bundles>
